<compile_context>
chip_gen: v7x
topology: tpu7x:2x2x1
jax: 0.10.2.dev20260603
libtpu: 0.0.44.dev20260713+nightly
codegen_flags: <defaults>
</compile_context>

<pallas_src>
import functools

import jax
import jax.numpy as jnp
from jax import lax
from jax.experimental import pallas as pl
from jax.experimental.pallas import tpu as pltpu
from jax.experimental.pallas import tpu_sc as plsc

N_NODES = 10000
N_EDGES = 320000
D = 128
NC = 2
NS = 16
NW = NC * NS
EW = N_EDGES // NW
CH = 80
NCHUNK = EW // CH
SCH = 25
NSLAB = NCHUNK // SCH
N_PAD = 10240
ROWS_PER_TILE = N_PAD // NS

def _sc_mesh():
    return plsc.VectorSubcoreMesh(core_axis_name="c", subcore_axis_name="s",
                                  num_cores=NC, num_subcores=NS)


@functools.lru_cache(maxsize=None)
def _make_sc_agg():
    out_type = [jax.ShapeDtypeStruct((NC, N_PAD, D), jnp.float32)]
    scratch = [
        pltpu.VMEM((SCH * CH,), jnp.int32),
        pltpu.VMEM((SCH * CH,), jnp.int32),
        pltpu.VMEM((CH, D), jnp.float32),
        pltpu.VMEM((CH, D), jnp.float32),
        pltpu.VMEM((CH, D), jnp.float32),
        pltpu.VMEM_SHARED((N_PAD, D), jnp.float32),
        pltpu.SemaphoreType.DMA,
        pltpu.SemaphoreType.DMA,
        pltpu.SemaphoreType.DMA,
        pltpu.SemaphoreType.DMA,
        pltpu.SemaphoreType.DMA,
        pltpu.SemaphoreType.DMA,
    ]

    def body(feat, src3, dst3, aggp, src_v, dst_v, r0, r1, r2, agg_sh,
             g0, g1, g2, s0, s1, s2):
        bufs = (r0, r1, r2)
        gsem = (g0, g1, g2)
        ssem = (s0, s1, s2)
        c = lax.axis_index("c")
        s = lax.axis_index("s")
        wid = s * NC + c

        zeros16 = jnp.zeros((16,), jnp.float32)

        def zero_row(r, carry):
            for q in range(D // 16):
                r0[r, pl.ds(q * 16, 16)] = zeros16
            return carry

        lax.fori_loop(0, CH, zero_row, 0)

        base = s * ROWS_PER_TILE
        for k in range(ROWS_PER_TILE // CH):
            pltpu.sync_copy(r0, agg_sh.at[pl.ds(base + k * CH, CH)])

        plsc.subcore_barrier()

        def gather(k, b):
            pltpu.async_copy(feat.at[src_v.at[pl.ds(k * CH, CH)]],
                             bufs[b], gsem[b])

        def wait_gather(k, b):
            pltpu.make_async_copy(feat.at[src_v.at[pl.ds(k * CH, CH)]],
                                  bufs[b], gsem[b]).wait()

        def scatter(k, b):
            pltpu.async_copy(bufs[b],
                             agg_sh.at[dst_v.at[pl.ds(k * CH, CH)]],
                             ssem[b], add=True)

        def wait_scatter(k, b):
            pltpu.make_async_copy(bufs[b],
                                  agg_sh.at[dst_v.at[pl.ds(k * CH, CH)]],
                                  ssem[b]).wait()

        def slab(g, carry):
            off = wid * EW + g * (SCH * CH)
            pltpu.sync_copy(src3.at[pl.ds(off, SCH * CH)], src_v)
            pltpu.sync_copy(dst3.at[pl.ds(off, SCH * CH)], dst_v)

            gather(0, 0)
            gather(1, 1)

            def tri(j, carry2):
                for b in range(3):
                    k = 3 * j + b
                    wait_gather(k, b)
                    p = (b + 2) % 3
                    if b == 0:
                        @pl.when(k >= 1)
                        def _():
                            wait_scatter(k - 1, p)
                    else:
                        wait_scatter(k - 1, p)
                    @pl.when(k + 2 <= SCH - 1)
                    def _():
                        gather(k + 2, p)
                    scatter(k, b)
                return carry2

            lax.fori_loop(0, (SCH - 1) // 3, tri, 0)
            last = SCH - 1
            bl_ = last % 3
            wait_gather(last, bl_)
            wait_scatter(last - 1, (bl_ + 2) % 3)
            scatter(last, bl_)
            wait_scatter(last, bl_)
            return carry

        lax.fori_loop(0, NSLAB, slab, 0)

        plsc.subcore_barrier()
        pltpu.sync_copy(agg_sh.at[pl.ds(base, ROWS_PER_TILE)],
                        aggp.at[c, pl.ds(base, ROWS_PER_TILE)])

    return pl.kernel(
        body, out_type=out_type, mesh=_sc_mesh(), scratch_types=scratch,
        compiler_params=pltpu.CompilerParams(needs_layout_passes=False))


@functools.lru_cache(maxsize=None)
def _make_sc_counts():

    def body(dst3, cntp, dst_v, cnt_v):
        c = lax.axis_index("c")
        s = lax.axis_index("s")
        wid = s * NC + c

        zeros16 = jnp.zeros((16,), jnp.float32)

        def zero_cnt(i, carry):
            cnt_v[pl.ds(i * 16, 16)] = zeros16
            return carry

        lax.fori_loop(0, N_PAD // 16, zero_cnt, 0)

        ones16 = jnp.ones((16,), jnp.float32)

        def slab(g, carry):
            off = wid * EW + g * (SCH * CH)
            pltpu.sync_copy(dst3.at[pl.ds(off, SCH * CH)], dst_v)

            def vec(j, carry2):
                idx = dst_v[pl.ds(j * 16, 16)]
                plsc.addupdate_scatter(cnt_v, [idx], ones16)
                return carry2

            lax.fori_loop(0, SCH * CH // 16, vec, 0)
            return carry

        lax.fori_loop(0, NSLAB, slab, 0)
        pltpu.sync_copy(cnt_v, cntp.at[wid])

    return pl.kernel(
        body,
        out_type=[jax.ShapeDtypeStruct((NW, N_PAD), jnp.float32)],
        mesh=_sc_mesh(),
        scratch_types=[
            pltpu.VMEM((SCH * CH,), jnp.int32),
            pltpu.VMEM((N_PAD,), jnp.float32),
        ],
        compiler_params=pltpu.CompilerParams(needs_layout_passes=False))


_R = 2560
_GRID = N_PAD // _R
_HI = jax.lax.Precision.DEFAULT


def _dot_t(a, w):
    return lax.dot_general(a, w, (((1,), (1,)), ((), ())),
                           preferred_element_type=jnp.float32,
                           precision=_HI)


def _dense1_body(aggp, cntp, x, wl, bl, wr, h1, inv):
    agg = aggp[0] + aggp[1]
    cnt = cntp[...]
    ones = jnp.ones((NW, 1), jnp.float32)
    total = lax.dot_general(cnt, ones, (((0,), (0,)), ((), ())),
                            preferred_element_type=jnp.float32,
                            precision=_HI)
    iv = 1.0 / jnp.maximum(total, 1.0)
    mean = agg * iv
    h = _dot_t(mean, wl[...]) + bl[...] + _dot_t(x[...], wr[...])
    h1[...] = jnp.maximum(h, 0.0)
    inv[...] = iv


def _dense2_body(aggp, inv, h1, wl, bl, wr, wc, bc, out):
    agg = aggp[0] + aggp[1]
    mean = agg * inv[...]
    h = _dot_t(mean, wl[...]) + bl[...] + _dot_t(h1[...], wr[...])
    out[...] = _dot_t(h, wc[...]) + bc[...]


_dense1 = pl.pallas_call(
    _dense1_body,
    grid=(_GRID,),
    in_specs=[
        pl.BlockSpec((NC, _R, D), lambda i: (0, i, 0)),
        pl.BlockSpec((NW, _R), lambda i: (0, i)),
        pl.BlockSpec((_R, D), lambda i: (i, 0)),
        pl.BlockSpec((D, D), lambda i: (0, 0)),
        pl.BlockSpec((1, D), lambda i: (0, 0)),
        pl.BlockSpec((D, D), lambda i: (0, 0)),
    ],
    out_specs=[
        pl.BlockSpec((_R, D), lambda i: (i, 0)),
        pl.BlockSpec((_R, 1), lambda i: (i, 0)),
    ],
    out_shape=[
        jax.ShapeDtypeStruct((N_PAD, D), jnp.float32),
        jax.ShapeDtypeStruct((N_PAD, 1), jnp.float32),
    ],
)

_dense2 = pl.pallas_call(
    _dense2_body,
    grid=(_GRID,),
    in_specs=[
        pl.BlockSpec((NC, _R, D), lambda i: (0, i, 0)),
        pl.BlockSpec((_R, 1), lambda i: (i, 0)),
        pl.BlockSpec((_R, D), lambda i: (i, 0)),
        pl.BlockSpec((D, D), lambda i: (0, 0)),
        pl.BlockSpec((1, D), lambda i: (0, 0)),
        pl.BlockSpec((D, D), lambda i: (0, 0)),
        pl.BlockSpec((2, D), lambda i: (0, 0)),
        pl.BlockSpec((1, 2), lambda i: (0, 0)),
    ],
    out_specs=pl.BlockSpec((_R, 2), lambda i: (i, 0)),
    out_shape=jax.ShapeDtypeStruct((N_NODES, 2), jnp.float32),
)


def kernel(x, edge_index, W1_l, b1_l, W1_r, W2_l, b2_l, W2_r, Wc, bc):
    src_f = edge_index[0].astype(jnp.int32)
    dst_f = edge_index[1].astype(jnp.int32)

    (cntp,) = _make_sc_counts()(dst_f)
    (aggp1,) = _make_sc_agg()(x, src_f, dst_f)
    h1, inv = _dense1(aggp1, cntp, x, W1_l, b1_l.reshape(1, D), W1_r)
    (aggp2,) = _make_sc_agg()(h1, src_f, dst_f)
    out = _dense2(aggp2, inv, h1, W2_l, b2_l.reshape(1, D), W2_r,
                  Wc, bc.reshape(1, 2))
    return out

# --- scband reference (transcript-rebuilt; emitter-appended) ---
"""Pipeline reference for scband-fraud-gnn-12575664242835 (READ-ONLY COPY).

The authoritative reference and input builder live on the scoring server;
editing this copy changes nothing except your own understanding.
"""

import jax, jax.numpy as jnp
import numpy as np

N_NODES = 10000
N_EDGES = 320000
D_IN = 128
D_HID = 128
D_OUT = 2


def setup_inputs(seed: int = 0) -> dict:
    key = jax.random.key(seed)
    ks = jax.random.split(key, 12)
    x = jax.random.normal(ks[0], (N_NODES, D_IN), dtype=jnp.float32)
    edge_index = jax.random.randint(ks[1], (2, N_EDGES), 0, N_NODES, dtype=jnp.int64)
    s1 = 1.0 / np.sqrt(D_IN)
    s2 = 1.0 / np.sqrt(D_HID)
    W1_l = jax.random.uniform(ks[2], (D_HID, D_IN), dtype=jnp.float32, minval=-s1, maxval=s1)
    b1_l = jax.random.uniform(ks[3], (D_HID,), dtype=jnp.float32, minval=-s1, maxval=s1)
    W1_r = jax.random.uniform(ks[4], (D_HID, D_IN), dtype=jnp.float32, minval=-s1, maxval=s1)
    W2_l = jax.random.uniform(ks[5], (D_HID, D_HID), dtype=jnp.float32, minval=-s2, maxval=s2)
    b2_l = jax.random.uniform(ks[6], (D_HID,), dtype=jnp.float32, minval=-s2, maxval=s2)
    W2_r = jax.random.uniform(ks[7], (D_HID, D_HID), dtype=jnp.float32, minval=-s2, maxval=s2)
    Wc = jax.random.uniform(ks[8], (D_OUT, D_HID), dtype=jnp.float32, minval=-s2, maxval=s2)
    bc = jax.random.uniform(ks[9], (D_OUT,), dtype=jnp.float32, minval=-s2, maxval=s2)
    return {"x": x, "edge_index": edge_index, "W1_l": W1_l, "b1_l": b1_l, "W1_r": W1_r,
            "W2_l": W2_l, "b2_l": b2_l, "W2_r": W2_r, "Wc": Wc, "bc": bc}


def _sage_conv(x, src, dst, W_l, b_l, W_r, n_nodes):
    # PyG SAGEConv (mean aggregator): out_i = lin_l(mean_{j->i} x_j) + lin_r(x_i)
    msg = jnp.take(x, src, axis=0)                                   # gather [E, d]
    agg = jax.ops.segment_sum(msg, dst, num_segments=n_nodes)        # scatter-add
    cnt = jax.ops.segment_sum(jnp.ones((src.shape[0],), dtype=x.dtype), dst, num_segments=n_nodes)
    mean = agg / jnp.clip(cnt, 1.0, None)[:, None]
    return mean @ W_l.T + b_l + x @ W_r.T


def reference(x, edge_index, W1_l, b1_l, W1_r, W2_l, b2_l, W2_r, Wc, bc):
    src = edge_index[0]
    dst = edge_index[1]
    n = x.shape[0]
    # layer 1 + relu (dropout is identity in eval mode)
    h = _sage_conv(x, src, dst, W1_l, b1_l, W1_r, n)
    h = jax.nn.relu(h)
    # layer 2 (no relu, matches forward)
    h = _sage_conv(h, src, dst, W2_l, b2_l, W2_r, n)
    # classifier
    return h @ Wc.T + bc

if __name__ == "__main__":
    import jax
    _d = setup_inputs()
    print(jax.jit(kernel)(*tuple(_d.values())))

</pallas_src>

<mosaic_0001>
#map = affine_map<(d0, d1) -> (0, 0)>
#map1 = affine_map<(d0, d1) -> (0)>
#map2 = affine_map<(d0, d1) -> (0, 0, 0)>
module attributes {stable_mosaic.version = 14 : i64} {
  func.func @body(%arg0: i32, %arg1: i32, %arg2: memref<10000x128xf32, #tpu.memory_space<hbm>>, %arg3: memref<320000xi32, #tpu.memory_space<hbm>>, %arg4: memref<320000xi32, #tpu.memory_space<hbm>>, %arg5: memref<2x10240x128xf32, #tpu.memory_space<hbm>>, %arg6: memref<2000xi32, #tpu.memory_space<vmem>>, %arg7: memref<2000xi32, #tpu.memory_space<vmem>>, %arg8: memref<80x128xf32, #tpu.memory_space<vmem>>, %arg9: memref<80x128xf32, #tpu.memory_space<vmem>>, %arg10: memref<80x128xf32, #tpu.memory_space<vmem>>, %arg11: memref<10240x128xf32, #tpu.memory_space<vmem_shared>>, %arg12: memref<!tpu.dma_semaphore, #tpu.memory_space<semaphore_mem>>, %arg13: memref<!tpu.dma_semaphore, #tpu.memory_space<semaphore_mem>>, %arg14: memref<!tpu.dma_semaphore, #tpu.memory_space<semaphore_mem>>, %arg15: memref<!tpu.dma_semaphore, #tpu.memory_space<semaphore_mem>>, %arg16: memref<!tpu.dma_semaphore, #tpu.memory_space<semaphore_mem>>, %arg17: memref<!tpu.dma_semaphore, #tpu.memory_space<semaphore_mem>>) attributes {dimension_semantics = [#tpu.dimension_semantics<core_parallel>, #tpu.dimension_semantics<subcore_parallel>], iteration_bounds = array<i64: 2, 16>, scalar_prefetch = 0 : i64, scratch_operands = 12 : i64, tpu.core_type = #tpu.core_type<sc_vector_subcore>, window_params = [{transform_indices = #map}, {transform_indices = #map1}, {transform_indices = #map1}, {transform_indices = #map2}]} {
    %mul3A = arith.constant 2 : i32
    %mul3A_0 = arith.muli %arg1, %mul3A : i32
    %add3A = arith.addi %mul3A_0, %arg0 : i32
    %broadcast_in_dim3A = arith.constant 0.000000e+00 : f32
    %broadcast_in_dim3A_1 = vector.broadcast %broadcast_in_dim3A : f32 to vector<16xf32>
    %scan3A = arith.constant 0 : i32
    %scan3A_2 = arith.constant 0 : i32
    %scan3A_3 = arith.constant 80 : i32
    %scan3A_4 = arith.addi %scan3A_2, %scan3A_3 : i32
    %scan3A_5 = arith.constant 1 : i32
    scf.for %scan3A_32 = %scan3A_2 to %scan3A_4 step %scan3A_5  : i32 {
      %swap3A = arith.index_cast %scan3A_32 : i32 to index
      %swap3A_33 = arith.constant 0 : index
      %swap3A_34 = tpu.vector_load %arg8[%swap3A, %swap3A_33] {strides = array<i32>} : memref<80x128xf32, #tpu.memory_space<vmem>>, vector<16xf32>,
      tpu.vector_store %arg8[%swap3A, %swap3A_33], %broadcast_in_dim3A_1 {strides = array<i32>} : memref<80x128xf32, #tpu.memory_space<vmem>>, vector<16xf32>,
      %swap3A_35 = arith.index_cast %scan3A_32 : i32 to index
      %swap3A_36 = arith.constant 16 : index
      %swap3A_37 = tpu.vector_load %arg8[%swap3A_35, %swap3A_36] {strides = array<i32>} : memref<80x128xf32, #tpu.memory_space<vmem>>, vector<16xf32>,
      tpu.vector_store %arg8[%swap3A_35, %swap3A_36], %broadcast_in_dim3A_1 {strides = array<i32>} : memref<80x128xf32, #tpu.memory_space<vmem>>, vector<16xf32>,
      %swap3A_38 = arith.index_cast %scan3A_32 : i32 to index
      %swap3A_39 = arith.constant 32 : index
      %swap3A_40 = tpu.vector_load %arg8[%swap3A_38, %swap3A_39] {strides = array<i32>} : memref<80x128xf32, #tpu.memory_space<vmem>>, vector<16xf32>,
      tpu.vector_store %arg8[%swap3A_38, %swap3A_39], %broadcast_in_dim3A_1 {strides = array<i32>} : memref<80x128xf32, #tpu.memory_space<vmem>>, vector<16xf32>,
      %swap3A_41 = arith.index_cast %scan3A_32 : i32 to index
      %swap3A_42 = arith.constant 48 : index
      %swap3A_43 = tpu.vector_load %arg8[%swap3A_41, %swap3A_42] {strides = array<i32>} : memref<80x128xf32, #tpu.memory_space<vmem>>, vector<16xf32>,
      tpu.vector_store %arg8[%swap3A_41, %swap3A_42], %broadcast_in_dim3A_1 {strides = array<i32>} : memref<80x128xf32, #tpu.memory_space<vmem>>, vector<16xf32>,
      %swap3A_44 = arith.index_cast %scan3A_32 : i32 to index
      %swap3A_45 = arith.constant 64 : index
      %swap3A_46 = tpu.vector_load %arg8[%swap3A_44, %swap3A_45] {strides = array<i32>} : memref<80x128xf32, #tpu.memory_space<vmem>>, vector<16xf32>,
      tpu.vector_store %arg8[%swap3A_44, %swap3A_45], %broadcast_in_dim3A_1 {strides = array<i32>} : memref<80x128xf32, #tpu.memory_space<vmem>>, vector<16xf32>,
      %swap3A_47 = arith.index_cast %scan3A_32 : i32 to index
      %swap3A_48 = arith.constant 80 : index
      %swap3A_49 = tpu.vector_load %arg8[%swap3A_47, %swap3A_48] {strides = array<i32>} : memref<80x128xf32, #tpu.memory_space<vmem>>, vector<16xf32>,
      tpu.vector_store %arg8[%swap3A_47, %swap3A_48], %broadcast_in_dim3A_1 {strides = array<i32>} : memref<80x128xf32, #tpu.memory_space<vmem>>, vector<16xf32>,
      %swap3A_50 = arith.index_cast %scan3A_32 : i32 to index
      %swap3A_51 = arith.constant 96 : index
      %swap3A_52 = tpu.vector_load %arg8[%swap3A_50, %swap3A_51] {strides = array<i32>} : memref<80x128xf32, #tpu.memory_space<vmem>>, vector<16xf32>,
      tpu.vector_store %arg8[%swap3A_50, %swap3A_51], %broadcast_in_dim3A_1 {strides = array<i32>} : memref<80x128xf32, #tpu.memory_space<vmem>>, vector<16xf32>,
      %swap3A_53 = arith.index_cast %scan3A_32 : i32 to index
      %swap3A_54 = arith.constant 112 : index
      %swap3A_55 = tpu.vector_load %arg8[%swap3A_53, %swap3A_54] {strides = array<i32>} : memref<80x128xf32, #tpu.memory_space<vmem>>, vector<16xf32>,
      tpu.vector_store %arg8[%swap3A_53, %swap3A_54], %broadcast_in_dim3A_1 {strides = array<i32>} : memref<80x128xf32, #tpu.memory_space<vmem>>, vector<16xf32>,
    }
    %scan3A_6 = arith.constant 80 : i32
    %mul3A_7 = arith.constant 640 : i32
    %mul3A_8 = arith.muli %arg1, %mul3A_7 : i32
    %add3A_9 = arith.constant 0 : i32
    %add3A_10 = arith.addi %mul3A_8, %add3A_9 : i32
    "tpu.region"() ({
      %run_scoped3A = tpu.sem_alloc : memref<!tpu.dma_semaphore, #tpu.memory_space<semaphore_mem>>
      %dma_start3A = arith.constant 0 : i32
      %dma_start3A_32 = tpu.memref_slice %arg11[%add3A_10, %dma_start3A] : memref<10240x128xf32, #tpu.memory_space<vmem_shared>> -> memref<80x128xf32, #tpu.memory_space<vmem_shared>>
      %dma_start3A_33 = arith.constant 0 : i32
      %dma_start3A_34 = tpu.memref_slice %arg11[%add3A_10, %dma_start3A_33] : memref<10240x128xf32, #tpu.memory_space<vmem_shared>> -> memref<80x128xf32, #tpu.memory_space<vmem_shared>>
      tpu.enqueue_dma source(%arg8 : memref<80x128xf32, #tpu.memory_space<vmem>>) target(%dma_start3A_34 : memref<80x128xf32, #tpu.memory_space<vmem_shared>>) target_semaphore(%run_scoped3A : memref<!tpu.dma_semaphore, #tpu.memory_space<semaphore_mem>>)
      %dma_wait3A = arith.constant 0 : i32
      %dma_wait3A_35 = tpu.memref_slice %arg11[%add3A_10, %dma_wait3A] : memref<10240x128xf32, #tpu.memory_space<vmem_shared>> -> memref<80x128xf32, #tpu.memory_space<vmem_shared>>
      %dma_wait3A_36 = arith.constant 0 : i32
      %dma_wait3A_37 = tpu.memref_slice %arg11[%add3A_10, %dma_wait3A_36] : memref<10240x128xf32, #tpu.memory_space<vmem_shared>> -> memref<80x128xf32, #tpu.memory_space<vmem_shared>>
      tpu.wait_dma2 semaphore(%run_scoped3A : memref<!tpu.dma_semaphore, #tpu.memory_space<semaphore_mem>>) src(%arg8 : memref<80x128xf32, #tpu.memory_space<vmem>>) dst(%dma_wait3A_37 : memref<80x128xf32, #tpu.memory_space<vmem_shared>>)
      tpu.yield
    }) : () -> ()
    %add3A_11 = arith.constant 80 : i32
    %add3A_12 = arith.addi %mul3A_8, %add3A_11 : i32
    "tpu.region"() ({
      %run_scoped3A = tpu.sem_alloc : memref<!tpu.dma_semaphore, #tpu.memory_space<semaphore_mem>>
      %dma_start3A = arith.constant 0 : i32
      %dma_start3A_32 = tpu.memref_slice %arg11[%add3A_12, %dma_start3A] : memref<10240x128xf32, #tpu.memory_space<vmem_shared>> -> memref<80x128xf32, #tpu.memory_space<vmem_shared>>
      %dma_start3A_33 = arith.constant 0 : i32
      %dma_start3A_34 = tpu.memref_slice %arg11[%add3A_12, %dma_start3A_33] : memref<10240x128xf32, #tpu.memory_space<vmem_shared>> -> memref<80x128xf32, #tpu.memory_space<vmem_shared>>
      tpu.enqueue_dma source(%arg8 : memref<80x128xf32, #tpu.memory_space<vmem>>) target(%dma_start3A_34 : memref<80x128xf32, #tpu.memory_space<vmem_shared>>) target_semaphore(%run_scoped3A : memref<!tpu.dma_semaphore, #tpu.memory_space<semaphore_mem>>)
      %dma_wait3A = arith.constant 0 : i32
      %dma_wait3A_35 = tpu.memref_slice %arg11[%add3A_12, %dma_wait3A] : memref<10240x128xf32, #tpu.memory_space<vmem_shared>> -> memref<80x128xf32, #tpu.memory_space<vmem_shared>>
      %dma_wait3A_36 = arith.constant 0 : i32
      %dma_wait3A_37 = tpu.memref_slice %arg11[%add3A_12, %dma_wait3A_36] : memref<10240x128xf32, #tpu.memory_space<vmem_shared>> -> memref<80x128xf32, #tpu.memory_space<vmem_shared>>
      tpu.wait_dma2 semaphore(%run_scoped3A : memref<!tpu.dma_semaphore, #tpu.memory_space<semaphore_mem>>) src(%arg8 : memref<80x128xf32, #tpu.memory_space<vmem>>) dst(%dma_wait3A_37 : memref<80x128xf32, #tpu.memory_space<vmem_shared>>)
      tpu.yield
    }) : () -> ()
    %add3A_13 = arith.constant 160 : i32
    %add3A_14 = arith.addi %mul3A_8, %add3A_13 : i32
    "tpu.region"() ({
      %run_scoped3A = tpu.sem_alloc : memref<!tpu.dma_semaphore, #tpu.memory_space<semaphore_mem>>
      %dma_start3A = arith.constant 0 : i32
      %dma_start3A_32 = tpu.memref_slice %arg11[%add3A_14, %dma_start3A] : memref<10240x128xf32, #tpu.memory_space<vmem_shared>> -> memref<80x128xf32, #tpu.memory_space<vmem_shared>>
      %dma_start3A_33 = arith.constant 0 : i32
      %dma_start3A_34 = tpu.memref_slice %arg11[%add3A_14, %dma_start3A_33] : memref<10240x128xf32, #tpu.memory_space<vmem_shared>> -> memref<80x128xf32, #tpu.memory_space<vmem_shared>>
      tpu.enqueue_dma source(%arg8 : memref<80x128xf32, #tpu.memory_space<vmem>>) target(%dma_start3A_34 : memref<80x128xf32, #tpu.memory_space<vmem_shared>>) target_semaphore(%run_scoped3A : memref<!tpu.dma_semaphore, #tpu.memory_space<semaphore_mem>>)
      %dma_wait3A = arith.constant 0 : i32
      %dma_wait3A_35 = tpu.memref_slice %arg11[%add3A_14, %dma_wait3A] : memref<10240x128xf32, #tpu.memory_space<vmem_shared>> -> memref<80x128xf32, #tpu.memory_space<vmem_shared>>
      %dma_wait3A_36 = arith.constant 0 : i32
      %dma_wait3A_37 = tpu.memref_slice %arg11[%add3A_14, %dma_wait3A_36] : memref<10240x128xf32, #tpu.memory_space<vmem_shared>> -> memref<80x128xf32, #tpu.memory_space<vmem_shared>>
      tpu.wait_dma2 semaphore(%run_scoped3A : memref<!tpu.dma_semaphore, #tpu.memory_space<semaphore_mem>>) src(%arg8 : memref<80x128xf32, #tpu.memory_space<vmem>>) dst(%dma_wait3A_37 : memref<80x128xf32, #tpu.memory_space<vmem_shared>>)
      tpu.yield
    }) : () -> ()
    %add3A_15 = arith.constant 240 : i32
    %add3A_16 = arith.addi %mul3A_8, %add3A_15 : i32
    "tpu.region"() ({
      %run_scoped3A = tpu.sem_alloc : memref<!tpu.dma_semaphore, #tpu.memory_space<semaphore_mem>>
      %dma_start3A = arith.constant 0 : i32
      %dma_start3A_32 = tpu.memref_slice %arg11[%add3A_16, %dma_start3A] : memref<10240x128xf32, #tpu.memory_space<vmem_shared>> -> memref<80x128xf32, #tpu.memory_space<vmem_shared>>
      %dma_start3A_33 = arith.constant 0 : i32
      %dma_start3A_34 = tpu.memref_slice %arg11[%add3A_16, %dma_start3A_33] : memref<10240x128xf32, #tpu.memory_space<vmem_shared>> -> memref<80x128xf32, #tpu.memory_space<vmem_shared>>
      tpu.enqueue_dma source(%arg8 : memref<80x128xf32, #tpu.memory_space<vmem>>) target(%dma_start3A_34 : memref<80x128xf32, #tpu.memory_space<vmem_shared>>) target_semaphore(%run_scoped3A : memref<!tpu.dma_semaphore, #tpu.memory_space<semaphore_mem>>)
      %dma_wait3A = arith.constant 0 : i32
      %dma_wait3A_35 = tpu.memref_slice %arg11[%add3A_16, %dma_wait3A] : memref<10240x128xf32, #tpu.memory_space<vmem_shared>> -> memref<80x128xf32, #tpu.memory_space<vmem_shared>>
      %dma_wait3A_36 = arith.constant 0 : i32
      %dma_wait3A_37 = tpu.memref_slice %arg11[%add3A_16, %dma_wait3A_36] : memref<10240x128xf32, #tpu.memory_space<vmem_shared>> -> memref<80x128xf32, #tpu.memory_space<vmem_shared>>
      tpu.wait_dma2 semaphore(%run_scoped3A : memref<!tpu.dma_semaphore, #tpu.memory_space<semaphore_mem>>) src(%arg8 : memref<80x128xf32, #tpu.memory_space<vmem>>) dst(%dma_wait3A_37 : memref<80x128xf32, #tpu.memory_space<vmem_shared>>)
      tpu.yield
    }) : () -> ()
    %add3A_17 = arith.constant 320 : i32
    %add3A_18 = arith.addi %mul3A_8, %add3A_17 : i32
    "tpu.region"() ({
      %run_scoped3A = tpu.sem_alloc : memref<!tpu.dma_semaphore, #tpu.memory_space<semaphore_mem>>
      %dma_start3A = arith.constant 0 : i32
      %dma_start3A_32 = tpu.memref_slice %arg11[%add3A_18, %dma_start3A] : memref<10240x128xf32, #tpu.memory_space<vmem_shared>> -> memref<80x128xf32, #tpu.memory_space<vmem_shared>>
      %dma_start3A_33 = arith.constant 0 : i32
      %dma_start3A_34 = tpu.memref_slice %arg11[%add3A_18, %dma_start3A_33] : memref<10240x128xf32, #tpu.memory_space<vmem_shared>> -> memref<80x128xf32, #tpu.memory_space<vmem_shared>>
      tpu.enqueue_dma source(%arg8 : memref<80x128xf32, #tpu.memory_space<vmem>>) target(%dma_start3A_34 : memref<80x128xf32, #tpu.memory_space<vmem_shared>>) target_semaphore(%run_scoped3A : memref<!tpu.dma_semaphore, #tpu.memory_space<semaphore_mem>>)
      %dma_wait3A = arith.constant 0 : i32
      %dma_wait3A_35 = tpu.memref_slice %arg11[%add3A_18, %dma_wait3A] : memref<10240x128xf32, #tpu.memory_space<vmem_shared>> -> memref<80x128xf32, #tpu.memory_space<vmem_shared>>
      %dma_wait3A_36 = arith.constant 0 : i32
      %dma_wait3A_37 = tpu.memref_slice %arg11[%add3A_18, %dma_wait3A_36] : memref<10240x128xf32, #tpu.memory_space<vmem_shared>> -> memref<80x128xf32, #tpu.memory_space<vmem_shared>>
      tpu.wait_dma2 semaphore(%run_scoped3A : memref<!tpu.dma_semaphore, #tpu.memory_space<semaphore_mem>>) src(%arg8 : memref<80x128xf32, #tpu.memory_space<vmem>>) dst(%dma_wait3A_37 : memref<80x128xf32, #tpu.memory_space<vmem_shared>>)
      tpu.yield
    }) : () -> ()
    %add3A_19 = arith.constant 400 : i32
    %add3A_20 = arith.addi %mul3A_8, %add3A_19 : i32
    "tpu.region"() ({
      %run_scoped3A = tpu.sem_alloc : memref<!tpu.dma_semaphore, #tpu.memory_space<semaphore_mem>>
      %dma_start3A = arith.constant 0 : i32
      %dma_start3A_32 = tpu.memref_slice %arg11[%add3A_20, %dma_start3A] : memref<10240x128xf32, #tpu.memory_space<vmem_shared>> -> memref<80x128xf32, #tpu.memory_space<vmem_shared>>
      %dma_start3A_33 = arith.constant 0 : i32
      %dma_start3A_34 = tpu.memref_slice %arg11[%add3A_20, %dma_start3A_33] : memref<10240x128xf32, #tpu.memory_space<vmem_shared>> -> memref<80x128xf32, #tpu.memory_space<vmem_shared>>
      tpu.enqueue_dma source(%arg8 : memref<80x128xf32, #tpu.memory_space<vmem>>) target(%dma_start3A_34 : memref<80x128xf32, #tpu.memory_space<vmem_shared>>) target_semaphore(%run_scoped3A : memref<!tpu.dma_semaphore, #tpu.memory_space<semaphore_mem>>)
      %dma_wait3A = arith.constant 0 : i32
      %dma_wait3A_35 = tpu.memref_slice %arg11[%add3A_20, %dma_wait3A] : memref<10240x128xf32, #tpu.memory_space<vmem_shared>> -> memref<80x128xf32, #tpu.memory_space<vmem_shared>>
      %dma_wait3A_36 = arith.constant 0 : i32
      %dma_wait3A_37 = tpu.memref_slice %arg11[%add3A_20, %dma_wait3A_36] : memref<10240x128xf32, #tpu.memory_space<vmem_shared>> -> memref<80x128xf32, #tpu.memory_space<vmem_shared>>
      tpu.wait_dma2 semaphore(%run_scoped3A : memref<!tpu.dma_semaphore, #tpu.memory_space<semaphore_mem>>) src(%arg8 : memref<80x128xf32, #tpu.memory_space<vmem>>) dst(%dma_wait3A_37 : memref<80x128xf32, #tpu.memory_space<vmem_shared>>)
      tpu.yield
    }) : () -> ()
    %add3A_21 = arith.constant 480 : i32
    %add3A_22 = arith.addi %mul3A_8, %add3A_21 : i32
    "tpu.region"() ({
      %run_scoped3A = tpu.sem_alloc : memref<!tpu.dma_semaphore, #tpu.memory_space<semaphore_mem>>
      %dma_start3A = arith.constant 0 : i32
      %dma_start3A_32 = tpu.memref_slice %arg11[%add3A_22, %dma_start3A] : memref<10240x128xf32, #tpu.memory_space<vmem_shared>> -> memref<80x128xf32, #tpu.memory_space<vmem_shared>>
      %dma_start3A_33 = arith.constant 0 : i32
      %dma_start3A_34 = tpu.memref_slice %arg11[%add3A_22, %dma_start3A_33] : memref<10240x128xf32, #tpu.memory_space<vmem_shared>> -> memref<80x128xf32, #tpu.memory_space<vmem_shared>>
      tpu.enqueue_dma source(%arg8 : memref<80x128xf32, #tpu.memory_space<vmem>>) target(%dma_start3A_34 : memref<80x128xf32, #tpu.memory_space<vmem_shared>>) target_semaphore(%run_scoped3A : memref<!tpu.dma_semaphore, #tpu.memory_space<semaphore_mem>>)
      %dma_wait3A = arith.constant 0 : i32
      %dma_wait3A_35 = tpu.memref_slice %arg11[%add3A_22, %dma_wait3A] : memref<10240x128xf32, #tpu.memory_space<vmem_shared>> -> memref<80x128xf32, #tpu.memory_space<vmem_shared>>
      %dma_wait3A_36 = arith.constant 0 : i32
      %dma_wait3A_37 = tpu.memref_slice %arg11[%add3A_22, %dma_wait3A_36] : memref<10240x128xf32, #tpu.memory_space<vmem_shared>> -> memref<80x128xf32, #tpu.memory_space<vmem_shared>>
      tpu.wait_dma2 semaphore(%run_scoped3A : memref<!tpu.dma_semaphore, #tpu.memory_space<semaphore_mem>>) src(%arg8 : memref<80x128xf32, #tpu.memory_space<vmem>>) dst(%dma_wait3A_37 : memref<80x128xf32, #tpu.memory_space<vmem_shared>>)
      tpu.yield
    }) : () -> ()
    %add3A_23 = arith.constant 560 : i32
    %add3A_24 = arith.addi %mul3A_8, %add3A_23 : i32
    "tpu.region"() ({
      %run_scoped3A = tpu.sem_alloc : memref<!tpu.dma_semaphore, #tpu.memory_space<semaphore_mem>>
      %dma_start3A = arith.constant 0 : i32
      %dma_start3A_32 = tpu.memref_slice %arg11[%add3A_24, %dma_start3A] : memref<10240x128xf32, #tpu.memory_space<vmem_shared>> -> memref<80x128xf32, #tpu.memory_space<vmem_shared>>
      %dma_start3A_33 = arith.constant 0 : i32
      %dma_start3A_34 = tpu.memref_slice %arg11[%add3A_24, %dma_start3A_33] : memref<10240x128xf32, #tpu.memory_space<vmem_shared>> -> memref<80x128xf32, #tpu.memory_space<vmem_shared>>
      tpu.enqueue_dma source(%arg8 : memref<80x128xf32, #tpu.memory_space<vmem>>) target(%dma_start3A_34 : memref<80x128xf32, #tpu.memory_space<vmem_shared>>) target_semaphore(%run_scoped3A : memref<!tpu.dma_semaphore, #tpu.memory_space<semaphore_mem>>)
      %dma_wait3A = arith.constant 0 : i32
      %dma_wait3A_35 = tpu.memref_slice %arg11[%add3A_24, %dma_wait3A] : memref<10240x128xf32, #tpu.memory_space<vmem_shared>> -> memref<80x128xf32, #tpu.memory_space<vmem_shared>>
      %dma_wait3A_36 = arith.constant 0 : i32
      %dma_wait3A_37 = tpu.memref_slice %arg11[%add3A_24, %dma_wait3A_36] : memref<10240x128xf32, #tpu.memory_space<vmem_shared>> -> memref<80x128xf32, #tpu.memory_space<vmem_shared>>
      tpu.wait_dma2 semaphore(%run_scoped3A : memref<!tpu.dma_semaphore, #tpu.memory_space<semaphore_mem>>) src(%arg8 : memref<80x128xf32, #tpu.memory_space<vmem>>) dst(%dma_wait3A_37 : memref<80x128xf32, #tpu.memory_space<vmem_shared>>)
      tpu.yield
    }) : () -> ()
    %barrier3A = arith.constant 0 : index
    tpu.barrier barrier_id(%barrier3A)
    %scan3A_25 = arith.constant 0 : i32
    %scan3A_26 = arith.constant 0 : i32
    %scan3A_27 = arith.constant 5 : i32
    %scan3A_28 = arith.addi %scan3A_26, %scan3A_27 : i32
    %scan3A_29 = arith.constant 1 : i32
    scf.for %scan3A_32 = %scan3A_26 to %scan3A_28 step %scan3A_29  : i32 {
      %mul3A_33 = arith.constant 10000 : i32
      %mul3A_34 = arith.muli %add3A, %mul3A_33 : i32
      %mul3A_35 = arith.constant 2000 : i32
      %mul3A_36 = arith.muli %scan3A_32, %mul3A_35 : i32
      %add3A_37 = arith.addi %mul3A_34, %mul3A_36 : i32
      "tpu.region"() ({
        %run_scoped3A = tpu.sem_alloc : memref<!tpu.dma_semaphore, #tpu.memory_space<semaphore_mem>>
        %dma_start3A_72 = tpu.memref_slice %arg3[%add3A_37] : memref<320000xi32, #tpu.memory_space<hbm>> -> memref<2000xi32, #tpu.memory_space<hbm>>
        %dma_start3A_73 = tpu.memref_slice %arg3[%add3A_37] : memref<320000xi32, #tpu.memory_space<hbm>> -> memref<2000xi32, #tpu.memory_space<hbm>>
        tpu.enqueue_dma source(%dma_start3A_73 : memref<2000xi32, #tpu.memory_space<hbm>>) target(%arg6 : memref<2000xi32, #tpu.memory_space<vmem>>) target_semaphore(%run_scoped3A : memref<!tpu.dma_semaphore, #tpu.memory_space<semaphore_mem>>)
        %dma_wait3A_74 = tpu.memref_slice %arg3[%add3A_37] : memref<320000xi32, #tpu.memory_space<hbm>> -> memref<2000xi32, #tpu.memory_space<hbm>>
        %dma_wait3A_75 = tpu.memref_slice %arg3[%add3A_37] : memref<320000xi32, #tpu.memory_space<hbm>> -> memref<2000xi32, #tpu.memory_space<hbm>>
        tpu.wait_dma2 semaphore(%run_scoped3A : memref<!tpu.dma_semaphore, #tpu.memory_space<semaphore_mem>>) src(%dma_wait3A_75 : memref<2000xi32, #tpu.memory_space<hbm>>) dst(%arg6 : memref<2000xi32, #tpu.memory_space<vmem>>)
        tpu.yield
      }) : () -> ()
      "tpu.region"() ({
        %run_scoped3A = tpu.sem_alloc : memref<!tpu.dma_semaphore, #tpu.memory_space<semaphore_mem>>
        %dma_start3A_72 = tpu.memref_slice %arg4[%add3A_37] : memref<320000xi32, #tpu.memory_space<hbm>> -> memref<2000xi32, #tpu.memory_space<hbm>>
        %dma_start3A_73 = tpu.memref_slice %arg4[%add3A_37] : memref<320000xi32, #tpu.memory_space<hbm>> -> memref<2000xi32, #tpu.memory_space<hbm>>
        tpu.enqueue_dma source(%dma_start3A_73 : memref<2000xi32, #tpu.memory_space<hbm>>) target(%arg7 : memref<2000xi32, #tpu.memory_space<vmem>>) target_semaphore(%run_scoped3A : memref<!tpu.dma_semaphore, #tpu.memory_space<semaphore_mem>>)
        %dma_wait3A_74 = tpu.memref_slice %arg4[%add3A_37] : memref<320000xi32, #tpu.memory_space<hbm>> -> memref<2000xi32, #tpu.memory_space<hbm>>
        %dma_wait3A_75 = tpu.memref_slice %arg4[%add3A_37] : memref<320000xi32, #tpu.memory_space<hbm>> -> memref<2000xi32, #tpu.memory_space<hbm>>
        tpu.wait_dma2 semaphore(%run_scoped3A : memref<!tpu.dma_semaphore, #tpu.memory_space<semaphore_mem>>) src(%dma_wait3A_75 : memref<2000xi32, #tpu.memory_space<hbm>>) dst(%arg7 : memref<2000xi32, #tpu.memory_space<vmem>>)
        tpu.yield
      }) : () -> ()
      %dma_start3A = arith.constant 0 : i32
      %dma_start3A_38 = tpu.memref_slice %arg6[%dma_start3A] : memref<2000xi32, #tpu.memory_space<vmem>> -> memref<80xi32, #tpu.memory_space<vmem>>
      %dma_start3A_39 = arith.constant 0 : i32
      %dma_start3A_40 = arith.constant 0 : i32
      %dma_start3A_41 = tpu.memref_slice %arg2[%dma_start3A_39, %dma_start3A_40] : memref<10000x128xf32, #tpu.memory_space<hbm>> -> memref<10000x128xf32, #tpu.memory_space<hbm>>
      tpu.enqueue_indirect_dma source(%dma_start3A_41 : memref<10000x128xf32, #tpu.memory_space<hbm>>) target(%arg8 : memref<80x128xf32, #tpu.memory_space<vmem>>) offsets(%dma_start3A_38 : memref<80xi32, #tpu.memory_space<vmem>>) semaphore(%arg12 : memref<!tpu.dma_semaphore, #tpu.memory_space<semaphore_mem>>)
      %dma_start3A_42 = arith.constant 80 : i32
      %dma_start3A_43 = tpu.memref_slice %arg6[%dma_start3A_42] : memref<2000xi32, #tpu.memory_space<vmem>> -> memref<80xi32, #tpu.memory_space<vmem>>
      %dma_start3A_44 = arith.constant 0 : i32
      %dma_start3A_45 = arith.constant 0 : i32
      %dma_start3A_46 = tpu.memref_slice %arg2[%dma_start3A_44, %dma_start3A_45] : memref<10000x128xf32, #tpu.memory_space<hbm>> -> memref<10000x128xf32, #tpu.memory_space<hbm>>
      tpu.enqueue_indirect_dma source(%dma_start3A_46 : memref<10000x128xf32, #tpu.memory_space<hbm>>) target(%arg9 : memref<80x128xf32, #tpu.memory_space<vmem>>) offsets(%dma_start3A_43 : memref<80xi32, #tpu.memory_space<vmem>>) semaphore(%arg13 : memref<!tpu.dma_semaphore, #tpu.memory_space<semaphore_mem>>)
      %scan3A_47 = arith.constant 0 : i32
      %scan3A_48 = arith.constant 0 : i32
      %scan3A_49 = arith.constant 8 : i32
      %scan3A_50 = arith.addi %scan3A_48, %scan3A_49 : i32
      %scan3A_51 = arith.constant 1 : i32
      scf.for %scan3A_72 = %scan3A_48 to %scan3A_50 step %scan3A_51  : i32 {
        %mul3A_73 = arith.constant 3 : i32
        %mul3A_74 = arith.muli %mul3A_73, %scan3A_72 : i32
        %add3A_75 = arith.constant 0 : i32
        %add3A_76 = arith.addi %mul3A_74, %add3A_75 : i32
        %mul3A_77 = arith.constant 80 : i32
        %mul3A_78 = arith.muli %add3A_76, %mul3A_77 : i32
        %dma_wait3A_79 = tpu.memref_slice %arg6[%mul3A_78] : memref<2000xi32, #tpu.memory_space<vmem>> -> memref<80xi32, #tpu.memory_space<vmem>>
        %dma_wait3A_80 = arith.constant 0 : i32
        %dma_wait3A_81 = arith.constant 0 : i32
        %dma_wait3A_82 = tpu.memref_slice %arg2[%dma_wait3A_80, %dma_wait3A_81] : memref<10000x128xf32, #tpu.memory_space<hbm>> -> memref<10000x128xf32, #tpu.memory_space<hbm>>
        tpu.wait_indirect_dma semaphore(%arg12 : memref<!tpu.dma_semaphore, #tpu.memory_space<semaphore_mem>>) src(%dma_wait3A_82 : memref<10000x128xf32, #tpu.memory_space<hbm>>) dst(%arg8 : memref<80x128xf32, #tpu.memory_space<vmem>>)
        %ge3A = arith.constant 1 : i32
        %ge3A_83 = arith.cmpi sge, %add3A_76, %ge3A : i32
        %convert_element_type3A = arith.extui %ge3A_83 : i1 to i32
        %cond3A = arith.constant 0 : i32
        %cond3A_84 = arith.cmpi ne, %convert_element_type3A, %cond3A : i32
        scf.if %cond3A_84 {
          %sub3A_158 = arith.constant 1 : i32
          %sub3A_159 = arith.subi %add3A_76, %sub3A_158 : i32
          %mul3A_160 = arith.constant 80 : i32
          %mul3A_161 = arith.muli %sub3A_159, %mul3A_160 : i32
          %dma_wait3A_162 = tpu.memref_slice %arg7[%mul3A_161] : memref<2000xi32, #tpu.memory_space<vmem>> -> memref<80xi32, #tpu.memory_space<vmem>>
          %dma_wait3A_163 = arith.constant 0 : i32
          %dma_wait3A_164 = arith.constant 0 : i32
          %dma_wait3A_165 = tpu.memref_slice %arg11[%dma_wait3A_163, %dma_wait3A_164] : memref<10240x128xf32, #tpu.memory_space<vmem_shared>> -> memref<10240x128xf32, #tpu.memory_space<vmem_shared>>
          tpu.wait_indirect_dma semaphore(%arg17 : memref<!tpu.dma_semaphore, #tpu.memory_space<semaphore_mem>>) src(%arg10 : memref<80x128xf32, #tpu.memory_space<vmem>>) dst(%dma_wait3A_165 : memref<10240x128xf32, #tpu.memory_space<vmem_shared>>)
        } else {
        }
        %add3A_85 = arith.constant 2 : i32
        %add3A_86 = arith.addi %add3A_76, %add3A_85 : i32
        %le3A = arith.constant 24 : i32
        %le3A_87 = arith.cmpi sle, %add3A_86, %le3A : i32
        %convert_element_type3A_88 = arith.extui %le3A_87 : i1 to i32
        %cond3A_89 = arith.constant 0 : i32
        %cond3A_90 = arith.cmpi ne, %convert_element_type3A_88, %cond3A_89 : i32
        scf.if %cond3A_90 {
          %add3A_158 = arith.constant 2 : i32
          %add3A_159 = arith.addi %add3A_76, %add3A_158 : i32
          %mul3A_160 = arith.constant 80 : i32
          %mul3A_161 = arith.muli %add3A_159, %mul3A_160 : i32
          %dma_start3A_162 = tpu.memref_slice %arg6[%mul3A_161] : memref<2000xi32, #tpu.memory_space<vmem>> -> memref<80xi32, #tpu.memory_space<vmem>>
          %dma_start3A_163 = arith.constant 0 : i32
          %dma_start3A_164 = arith.constant 0 : i32
          %dma_start3A_165 = tpu.memref_slice %arg2[%dma_start3A_163, %dma_start3A_164] : memref<10000x128xf32, #tpu.memory_space<hbm>> -> memref<10000x128xf32, #tpu.memory_space<hbm>>
          tpu.enqueue_indirect_dma source(%dma_start3A_165 : memref<10000x128xf32, #tpu.memory_space<hbm>>) target(%arg10 : memref<80x128xf32, #tpu.memory_space<vmem>>) offsets(%dma_start3A_162 : memref<80xi32, #tpu.memory_space<vmem>>) semaphore(%arg14 : memref<!tpu.dma_semaphore, #tpu.memory_space<semaphore_mem>>)
        } else {
        }
        %mul3A_91 = arith.constant 80 : i32
        %mul3A_92 = arith.muli %add3A_76, %mul3A_91 : i32
        %dma_start3A_93 = tpu.memref_slice %arg7[%mul3A_92] : memref<2000xi32, #tpu.memory_space<vmem>> -> memref<80xi32, #tpu.memory_space<vmem>>
        %dma_start3A_94 = arith.constant 0 : i32
        %dma_start3A_95 = arith.constant 0 : i32
        %dma_start3A_96 = tpu.memref_slice %arg11[%dma_start3A_94, %dma_start3A_95] : memref<10240x128xf32, #tpu.memory_space<vmem_shared>> -> memref<10240x128xf32, #tpu.memory_space<vmem_shared>>
        tpu.enqueue_indirect_dma source(%arg8 : memref<80x128xf32, #tpu.memory_space<vmem>>) target(%dma_start3A_96 : memref<10240x128xf32, #tpu.memory_space<vmem_shared>>) offsets(%dma_start3A_93 : memref<80xi32, #tpu.memory_space<vmem>>) semaphore(%arg15 : memref<!tpu.dma_semaphore, #tpu.memory_space<semaphore_mem>>) {add = true}
        %mul3A_97 = arith.constant 3 : i32
        %mul3A_98 = arith.muli %mul3A_97, %scan3A_72 : i32
        %add3A_99 = arith.constant 1 : i32
        %add3A_100 = arith.addi %mul3A_98, %add3A_99 : i32
        %mul3A_101 = arith.constant 80 : i32
        %mul3A_102 = arith.muli %add3A_100, %mul3A_101 : i32
        %dma_wait3A_103 = tpu.memref_slice %arg6[%mul3A_102] : memref<2000xi32, #tpu.memory_space<vmem>> -> memref<80xi32, #tpu.memory_space<vmem>>
        %dma_wait3A_104 = arith.constant 0 : i32
        %dma_wait3A_105 = arith.constant 0 : i32
        %dma_wait3A_106 = tpu.memref_slice %arg2[%dma_wait3A_104, %dma_wait3A_105] : memref<10000x128xf32, #tpu.memory_space<hbm>> -> memref<10000x128xf32, #tpu.memory_space<hbm>>
        tpu.wait_indirect_dma semaphore(%arg13 : memref<!tpu.dma_semaphore, #tpu.memory_space<semaphore_mem>>) src(%dma_wait3A_106 : memref<10000x128xf32, #tpu.memory_space<hbm>>) dst(%arg9 : memref<80x128xf32, #tpu.memory_space<vmem>>)
        %sub3A = arith.constant 1 : i32
        %sub3A_107 = arith.subi %add3A_100, %sub3A : i32
        %mul3A_108 = arith.constant 80 : i32
        %mul3A_109 = arith.muli %sub3A_107, %mul3A_108 : i32
        %dma_wait3A_110 = tpu.memref_slice %arg7[%mul3A_109] : memref<2000xi32, #tpu.memory_space<vmem>> -> memref<80xi32, #tpu.memory_space<vmem>>
        %dma_wait3A_111 = arith.constant 0 : i32
        %dma_wait3A_112 = arith.constant 0 : i32
        %dma_wait3A_113 = tpu.memref_slice %arg11[%dma_wait3A_111, %dma_wait3A_112] : memref<10240x128xf32, #tpu.memory_space<vmem_shared>> -> memref<10240x128xf32, #tpu.memory_space<vmem_shared>>
        tpu.wait_indirect_dma semaphore(%arg15 : memref<!tpu.dma_semaphore, #tpu.memory_space<semaphore_mem>>) src(%arg8 : memref<80x128xf32, #tpu.memory_space<vmem>>) dst(%dma_wait3A_113 : memref<10240x128xf32, #tpu.memory_space<vmem_shared>>)
        %add3A_114 = arith.constant 2 : i32
        %add3A_115 = arith.addi %add3A_100, %add3A_114 : i32
        %le3A_116 = arith.constant 24 : i32
        %le3A_117 = arith.cmpi sle, %add3A_115, %le3A_116 : i32
        %convert_element_type3A_118 = arith.extui %le3A_117 : i1 to i32
        %cond3A_119 = arith.constant 0 : i32
        %cond3A_120 = arith.cmpi ne, %convert_element_type3A_118, %cond3A_119 : i32
        scf.if %cond3A_120 {
          %add3A_158 = arith.constant 2 : i32
          %add3A_159 = arith.addi %add3A_100, %add3A_158 : i32
          %mul3A_160 = arith.constant 80 : i32
          %mul3A_161 = arith.muli %add3A_159, %mul3A_160 : i32
          %dma_start3A_162 = tpu.memref_slice %arg6[%mul3A_161] : memref<2000xi32, #tpu.memory_space<vmem>> -> memref<80xi32, #tpu.memory_space<vmem>>
          %dma_start3A_163 = arith.constant 0 : i32
          %dma_start3A_164 = arith.constant 0 : i32
          %dma_start3A_165 = tpu.memref_slice %arg2[%dma_start3A_163, %dma_start3A_164] : memref<10000x128xf32, #tpu.memory_space<hbm>> -> memref<10000x128xf32, #tpu.memory_space<hbm>>
          tpu.enqueue_indirect_dma source(%dma_start3A_165 : memref<10000x128xf32, #tpu.memory_space<hbm>>) target(%arg8 : memref<80x128xf32, #tpu.memory_space<vmem>>) offsets(%dma_start3A_162 : memref<80xi32, #tpu.memory_space<vmem>>) semaphore(%arg12 : memref<!tpu.dma_semaphore, #tpu.memory_space<semaphore_mem>>)
        } else {
        }
        %mul3A_121 = arith.constant 80 : i32
        %mul3A_122 = arith.muli %add3A_100, %mul3A_121 : i32
        %dma_start3A_123 = tpu.memref_slice %arg7[%mul3A_122] : memref<2000xi32, #tpu.memory_space<vmem>> -> memref<80xi32, #tpu.memory_space<vmem>>
        %dma_start3A_124 = arith.constant 0 : i32
        %dma_start3A_125 = arith.constant 0 : i32
        %dma_start3A_126 = tpu.memref_slice %arg11[%dma_start3A_124, %dma_start3A_125] : memref<10240x128xf32, #tpu.memory_space<vmem_shared>> -> memref<10240x128xf32, #tpu.memory_space<vmem_shared>>
        tpu.enqueue_indirect_dma source(%arg9 : memref<80x128xf32, #tpu.memory_space<vmem>>) target(%dma_start3A_126 : memref<10240x128xf32, #tpu.memory_space<vmem_shared>>) offsets(%dma_start3A_123 : memref<80xi32, #tpu.memory_space<vmem>>) semaphore(%arg16 : memref<!tpu.dma_semaphore, #tpu.memory_space<semaphore_mem>>) {add = true}
        %mul3A_127 = arith.constant 3 : i32
        %mul3A_128 = arith.muli %mul3A_127, %scan3A_72 : i32
        %add3A_129 = arith.constant 2 : i32
        %add3A_130 = arith.addi %mul3A_128, %add3A_129 : i32
        %mul3A_131 = arith.constant 80 : i32
        %mul3A_132 = arith.muli %add3A_130, %mul3A_131 : i32
        %dma_wait3A_133 = tpu.memref_slice %arg6[%mul3A_132] : memref<2000xi32, #tpu.memory_space<vmem>> -> memref<80xi32, #tpu.memory_space<vmem>>
        %dma_wait3A_134 = arith.constant 0 : i32
        %dma_wait3A_135 = arith.constant 0 : i32
        %dma_wait3A_136 = tpu.memref_slice %arg2[%dma_wait3A_134, %dma_wait3A_135] : memref<10000x128xf32, #tpu.memory_space<hbm>> -> memref<10000x128xf32, #tpu.memory_space<hbm>>
        tpu.wait_indirect_dma semaphore(%arg14 : memref<!tpu.dma_semaphore, #tpu.memory_space<semaphore_mem>>) src(%dma_wait3A_136 : memref<10000x128xf32, #tpu.memory_space<hbm>>) dst(%arg10 : memref<80x128xf32, #tpu.memory_space<vmem>>)
        %sub3A_137 = arith.constant 1 : i32
        %sub3A_138 = arith.subi %add3A_130, %sub3A_137 : i32
        %mul3A_139 = arith.constant 80 : i32
        %mul3A_140 = arith.muli %sub3A_138, %mul3A_139 : i32
        %dma_wait3A_141 = tpu.memref_slice %arg7[%mul3A_140] : memref<2000xi32, #tpu.memory_space<vmem>> -> memref<80xi32, #tpu.memory_space<vmem>>
        %dma_wait3A_142 = arith.constant 0 : i32
        %dma_wait3A_143 = arith.constant 0 : i32
        %dma_wait3A_144 = tpu.memref_slice %arg11[%dma_wait3A_142, %dma_wait3A_143] : memref<10240x128xf32, #tpu.memory_space<vmem_shared>> -> memref<10240x128xf32, #tpu.memory_space<vmem_shared>>
        tpu.wait_indirect_dma semaphore(%arg16 : memref<!tpu.dma_semaphore, #tpu.memory_space<semaphore_mem>>) src(%arg9 : memref<80x128xf32, #tpu.memory_space<vmem>>) dst(%dma_wait3A_144 : memref<10240x128xf32, #tpu.memory_space<vmem_shared>>)
        %add3A_145 = arith.constant 2 : i32
        %add3A_146 = arith.addi %add3A_130, %add3A_145 : i32
        %le3A_147 = arith.constant 24 : i32
        %le3A_148 = arith.cmpi sle, %add3A_146, %le3A_147 : i32
        %convert_element_type3A_149 = arith.extui %le3A_148 : i1 to i32
        %cond3A_150 = arith.constant 0 : i32
        %cond3A_151 = arith.cmpi ne, %convert_element_type3A_149, %cond3A_150 : i32
        scf.if %cond3A_151 {
          %add3A_158 = arith.constant 2 : i32
          %add3A_159 = arith.addi %add3A_130, %add3A_158 : i32
          %mul3A_160 = arith.constant 80 : i32
          %mul3A_161 = arith.muli %add3A_159, %mul3A_160 : i32
          %dma_start3A_162 = tpu.memref_slice %arg6[%mul3A_161] : memref<2000xi32, #tpu.memory_space<vmem>> -> memref<80xi32, #tpu.memory_space<vmem>>
          %dma_start3A_163 = arith.constant 0 : i32
          %dma_start3A_164 = arith.constant 0 : i32
          %dma_start3A_165 = tpu.memref_slice %arg2[%dma_start3A_163, %dma_start3A_164] : memref<10000x128xf32, #tpu.memory_space<hbm>> -> memref<10000x128xf32, #tpu.memory_space<hbm>>
          tpu.enqueue_indirect_dma source(%dma_start3A_165 : memref<10000x128xf32, #tpu.memory_space<hbm>>) target(%arg9 : memref<80x128xf32, #tpu.memory_space<vmem>>) offsets(%dma_start3A_162 : memref<80xi32, #tpu.memory_space<vmem>>) semaphore(%arg13 : memref<!tpu.dma_semaphore, #tpu.memory_space<semaphore_mem>>)
        } else {
        }
        %mul3A_152 = arith.constant 80 : i32
        %mul3A_153 = arith.muli %add3A_130, %mul3A_152 : i32
        %dma_start3A_154 = tpu.memref_slice %arg7[%mul3A_153] : memref<2000xi32, #tpu.memory_space<vmem>> -> memref<80xi32, #tpu.memory_space<vmem>>
        %dma_start3A_155 = arith.constant 0 : i32
        %dma_start3A_156 = arith.constant 0 : i32
        %dma_start3A_157 = tpu.memref_slice %arg11[%dma_start3A_155, %dma_start3A_156] : memref<10240x128xf32, #tpu.memory_space<vmem_shared>> -> memref<10240x128xf32, #tpu.memory_space<vmem_shared>>
        tpu.enqueue_indirect_dma source(%arg10 : memref<80x128xf32, #tpu.memory_space<vmem>>) target(%dma_start3A_157 : memref<10240x128xf32, #tpu.memory_space<vmem_shared>>) offsets(%dma_start3A_154 : memref<80xi32, #tpu.memory_space<vmem>>) semaphore(%arg17 : memref<!tpu.dma_semaphore, #tpu.memory_space<semaphore_mem>>) {add = true}
      }
      %scan3A_52 = arith.constant 8 : i32
      %dma_wait3A = arith.constant 1920 : i32
      %dma_wait3A_53 = tpu.memref_slice %arg6[%dma_wait3A] : memref<2000xi32, #tpu.memory_space<vmem>> -> memref<80xi32, #tpu.memory_space<vmem>>
      %dma_wait3A_54 = arith.constant 0 : i32
      %dma_wait3A_55 = arith.constant 0 : i32
      %dma_wait3A_56 = tpu.memref_slice %arg2[%dma_wait3A_54, %dma_wait3A_55] : memref<10000x128xf32, #tpu.memory_space<hbm>> -> memref<10000x128xf32, #tpu.memory_space<hbm>>
      tpu.wait_indirect_dma semaphore(%arg12 : memref<!tpu.dma_semaphore, #tpu.memory_space<semaphore_mem>>) src(%dma_wait3A_56 : memref<10000x128xf32, #tpu.memory_space<hbm>>) dst(%arg8 : memref<80x128xf32, #tpu.memory_space<vmem>>)
      %dma_wait3A_57 = arith.constant 1840 : i32
      %dma_wait3A_58 = tpu.memref_slice %arg7[%dma_wait3A_57] : memref<2000xi32, #tpu.memory_space<vmem>> -> memref<80xi32, #tpu.memory_space<vmem>>
      %dma_wait3A_59 = arith.constant 0 : i32
      %dma_wait3A_60 = arith.constant 0 : i32
      %dma_wait3A_61 = tpu.memref_slice %arg11[%dma_wait3A_59, %dma_wait3A_60] : memref<10240x128xf32, #tpu.memory_space<vmem_shared>> -> memref<10240x128xf32, #tpu.memory_space<vmem_shared>>
      tpu.wait_indirect_dma semaphore(%arg17 : memref<!tpu.dma_semaphore, #tpu.memory_space<semaphore_mem>>) src(%arg10 : memref<80x128xf32, #tpu.memory_space<vmem>>) dst(%dma_wait3A_61 : memref<10240x128xf32, #tpu.memory_space<vmem_shared>>)
      %dma_start3A_62 = arith.constant 1920 : i32
      %dma_start3A_63 = tpu.memref_slice %arg7[%dma_start3A_62] : memref<2000xi32, #tpu.memory_space<vmem>> -> memref<80xi32, #tpu.memory_space<vmem>>
      %dma_start3A_64 = arith.constant 0 : i32
      %dma_start3A_65 = arith.constant 0 : i32
      %dma_start3A_66 = tpu.memref_slice %arg11[%dma_start3A_64, %dma_start3A_65] : memref<10240x128xf32, #tpu.memory_space<vmem_shared>> -> memref<10240x128xf32, #tpu.memory_space<vmem_shared>>
      tpu.enqueue_indirect_dma source(%arg8 : memref<80x128xf32, #tpu.memory_space<vmem>>) target(%dma_start3A_66 : memref<10240x128xf32, #tpu.memory_space<vmem_shared>>) offsets(%dma_start3A_63 : memref<80xi32, #tpu.memory_space<vmem>>) semaphore(%arg15 : memref<!tpu.dma_semaphore, #tpu.memory_space<semaphore_mem>>) {add = true}
      %dma_wait3A_67 = arith.constant 1920 : i32
      %dma_wait3A_68 = tpu.memref_slice %arg7[%dma_wait3A_67] : memref<2000xi32, #tpu.memory_space<vmem>> -> memref<80xi32, #tpu.memory_space<vmem>>
      %dma_wait3A_69 = arith.constant 0 : i32
      %dma_wait3A_70 = arith.constant 0 : i32
      %dma_wait3A_71 = tpu.memref_slice %arg11[%dma_wait3A_69, %dma_wait3A_70] : memref<10240x128xf32, #tpu.memory_space<vmem_shared>> -> memref<10240x128xf32, #tpu.memory_space<vmem_shared>>
      tpu.wait_indirect_dma semaphore(%arg15 : memref<!tpu.dma_semaphore, #tpu.memory_space<semaphore_mem>>) src(%arg8 : memref<80x128xf32, #tpu.memory_space<vmem>>) dst(%dma_wait3A_71 : memref<10240x128xf32, #tpu.memory_space<vmem_shared>>)
    }
    %scan3A_30 = arith.constant 5 : i32
    %barrier3A_31 = arith.constant 0 : index
    tpu.barrier barrier_id(%barrier3A_31)
    "tpu.region"() ({
      %run_scoped3A = tpu.sem_alloc : memref<!tpu.dma_semaphore, #tpu.memory_space<semaphore_mem>>
      %dma_start3A = arith.constant 0 : i32
      %dma_start3A_32 = tpu.memref_slice %arg5[%arg0, %mul3A_8, %dma_start3A] : memref<2x10240x128xf32, #tpu.memory_space<hbm>> -> memref<1x640x128xf32, #tpu.memory_space<hbm>>
      %dma_start3A_33 = tpu.memref_squeeze %dma_start3A_32 : memref<1x640x128xf32, #tpu.memory_space<hbm>> -> memref<640x128xf32, #tpu.memory_space<hbm>>
      %dma_start3A_34 = arith.constant 0 : i32
      %dma_start3A_35 = tpu.memref_slice %arg11[%mul3A_8, %dma_start3A_34] : memref<10240x128xf32, #tpu.memory_space<vmem_shared>> -> memref<640x128xf32, #tpu.memory_space<vmem_shared>>
      tpu.enqueue_dma source(%dma_start3A_35 : memref<640x128xf32, #tpu.memory_space<vmem_shared>>) target(%dma_start3A_33 : memref<640x128xf32, #tpu.memory_space<hbm>>) target_semaphore(%run_scoped3A : memref<!tpu.dma_semaphore, #tpu.memory_space<semaphore_mem>>)
      %dma_wait3A = arith.constant 0 : i32
      %dma_wait3A_36 = tpu.memref_slice %arg5[%arg0, %mul3A_8, %dma_wait3A] : memref<2x10240x128xf32, #tpu.memory_space<hbm>> -> memref<1x640x128xf32, #tpu.memory_space<hbm>>
      %dma_wait3A_37 = tpu.memref_squeeze %dma_wait3A_36 : memref<1x640x128xf32, #tpu.memory_space<hbm>> -> memref<640x128xf32, #tpu.memory_space<hbm>>
      %dma_wait3A_38 = arith.constant 0 : i32
      %dma_wait3A_39 = tpu.memref_slice %arg11[%mul3A_8, %dma_wait3A_38] : memref<10240x128xf32, #tpu.memory_space<vmem_shared>> -> memref<640x128xf32, #tpu.memory_space<vmem_shared>>
      tpu.wait_dma2 semaphore(%run_scoped3A : memref<!tpu.dma_semaphore, #tpu.memory_space<semaphore_mem>>) src(%dma_wait3A_39 : memref<640x128xf32, #tpu.memory_space<vmem_shared>>) dst(%dma_wait3A_37 : memref<640x128xf32, #tpu.memory_space<hbm>>)
      tpu.yield
    }) : () -> ()
    return
  }
}

#map = affine_map<(d0, d1) -> (0)>
#map1 = affine_map<(d0, d1) -> (0, 0)>
module attributes {stable_mosaic.version = 14 : i64} {
  func.func @body(%arg0: i32, %arg1: i32, %arg2: memref<320000xi32, #tpu.memory_space<hbm>>, %arg3: memref<32x10240xf32, #tpu.memory_space<hbm>>, %arg4: memref<2000xi32, #tpu.memory_space<vmem>>, %arg5: memref<10240xf32, #tpu.memory_space<vmem>>) attributes {dimension_semantics = [#tpu.dimension_semantics<core_parallel>, #tpu.dimension_semantics<subcore_parallel>], iteration_bounds = array<i64: 2, 16>, scalar_prefetch = 0 : i64, scratch_operands = 2 : i64, tpu.core_type = #tpu.core_type<sc_vector_subcore>, window_params = [{transform_indices = #map}, {transform_indices = #map1}]} {
    %mul3A = arith.constant 2 : i32
    %mul3A_0 = arith.muli %arg1, %mul3A : i32
    %add3A = arith.addi %mul3A_0, %arg0 : i32
    %broadcast_in_dim3A = arith.constant 0.000000e+00 : f32
    %broadcast_in_dim3A_1 = vector.broadcast %broadcast_in_dim3A : f32 to vector<16xf32>
    %scan3A = arith.constant 0 : i32
    %scan3A_2 = arith.constant 0 : i32
    %scan3A_3 = arith.constant 640 : i32
    %scan3A_4 = arith.addi %scan3A_2, %scan3A_3 : i32
    %scan3A_5 = arith.constant 1 : i32
    scf.for %scan3A_15 = %scan3A_2 to %scan3A_4 step %scan3A_5  : i32 {
      %mul3A_16 = arith.constant 16 : i32
      %mul3A_17 = arith.muli %scan3A_15, %mul3A_16 : i32
      %swap3A = arith.index_cast %mul3A_17 : i32 to index
      %swap3A_18 = tpu.vector_load %arg5[%swap3A] {strides = array<i32>} : memref<10240xf32, #tpu.memory_space<vmem>>, vector<16xf32>,
      tpu.vector_store %arg5[%swap3A], %broadcast_in_dim3A_1 {strides = array<i32>} : memref<10240xf32, #tpu.memory_space<vmem>>, vector<16xf32>,
    }
    %scan3A_6 = arith.constant 640 : i32
    %broadcast_in_dim3A_7 = arith.constant 1.000000e+00 : f32
    %broadcast_in_dim3A_8 = vector.broadcast %broadcast_in_dim3A_7 : f32 to vector<16xf32>
    %scan3A_9 = arith.constant 0 : i32
    %scan3A_10 = arith.constant 0 : i32
    %scan3A_11 = arith.constant 5 : i32
    %scan3A_12 = arith.addi %scan3A_10, %scan3A_11 : i32
    %scan3A_13 = arith.constant 1 : i32
    scf.for %scan3A_15 = %scan3A_10 to %scan3A_12 step %scan3A_13  : i32 {
      %mul3A_16 = arith.constant 10000 : i32
      %mul3A_17 = arith.muli %add3A, %mul3A_16 : i32
      %mul3A_18 = arith.constant 2000 : i32
      %mul3A_19 = arith.muli %scan3A_15, %mul3A_18 : i32
      %add3A_20 = arith.addi %mul3A_17, %mul3A_19 : i32
      "tpu.region"() ({
        %run_scoped3A = tpu.sem_alloc : memref<!tpu.dma_semaphore, #tpu.memory_space<semaphore_mem>>
        %dma_start3A = tpu.memref_slice %arg2[%add3A_20] : memref<320000xi32, #tpu.memory_space<hbm>> -> memref<2000xi32, #tpu.memory_space<hbm>>
        %dma_start3A_27 = tpu.memref_slice %arg2[%add3A_20] : memref<320000xi32, #tpu.memory_space<hbm>> -> memref<2000xi32, #tpu.memory_space<hbm>>
        tpu.enqueue_dma source(%dma_start3A_27 : memref<2000xi32, #tpu.memory_space<hbm>>) target(%arg4 : memref<2000xi32, #tpu.memory_space<vmem>>) target_semaphore(%run_scoped3A : memref<!tpu.dma_semaphore, #tpu.memory_space<semaphore_mem>>)
        %dma_wait3A = tpu.memref_slice %arg2[%add3A_20] : memref<320000xi32, #tpu.memory_space<hbm>> -> memref<2000xi32, #tpu.memory_space<hbm>>
        %dma_wait3A_28 = tpu.memref_slice %arg2[%add3A_20] : memref<320000xi32, #tpu.memory_space<hbm>> -> memref<2000xi32, #tpu.memory_space<hbm>>
        tpu.wait_dma2 semaphore(%run_scoped3A : memref<!tpu.dma_semaphore, #tpu.memory_space<semaphore_mem>>) src(%dma_wait3A_28 : memref<2000xi32, #tpu.memory_space<hbm>>) dst(%arg4 : memref<2000xi32, #tpu.memory_space<vmem>>)
        tpu.yield
      }) : () -> ()
      %scan3A_21 = arith.constant 0 : i32
      %scan3A_22 = arith.constant 0 : i32
      %scan3A_23 = arith.constant 125 : i32
      %scan3A_24 = arith.addi %scan3A_22, %scan3A_23 : i32
      %scan3A_25 = arith.constant 1 : i32
      scf.for %scan3A_27 = %scan3A_22 to %scan3A_24 step %scan3A_25  : i32 {
        %mul3A_28 = arith.constant 16 : i32
        %mul3A_29 = arith.muli %scan3A_27, %mul3A_28 : i32
        %get3A = arith.index_cast %mul3A_29 : i32 to index
        %get3A_30 = tpu.vector_load %arg4[%get3A] {strides = array<i32>} : memref<2000xi32, #tpu.memory_space<vmem>>, vector<16xi32>,
        tpu.vector_store_idx %arg5[%get3A_30], %broadcast_in_dim3A_8 {add = true} : memref<10240xf32, #tpu.memory_space<vmem>>[vector<16xi32>], vector<16xf32>,
      }
      %scan3A_26 = arith.constant 125 : i32
    }
    %scan3A_14 = arith.constant 5 : i32
    "tpu.region"() ({
      %run_scoped3A = tpu.sem_alloc : memref<!tpu.dma_semaphore, #tpu.memory_space<semaphore_mem>>
      %dma_start3A = arith.constant 0 : i32
      %dma_start3A_15 = tpu.memref_slice %arg3[%add3A, %dma_start3A] : memref<32x10240xf32, #tpu.memory_space<hbm>> -> memref<1x10240xf32, #tpu.memory_space<hbm>>
      %dma_start3A_16 = tpu.memref_squeeze %dma_start3A_15 : memref<1x10240xf32, #tpu.memory_space<hbm>> -> memref<10240xf32, #tpu.memory_space<hbm>>
      %dma_start3A_17 = arith.constant 0 : i32
      %dma_start3A_18 = tpu.memref_slice %arg3[%add3A, %dma_start3A_17] : memref<32x10240xf32, #tpu.memory_space<hbm>> -> memref<1x10240xf32, #tpu.memory_space<hbm>>
      %dma_start3A_19 = tpu.memref_squeeze %dma_start3A_18 : memref<1x10240xf32, #tpu.memory_space<hbm>> -> memref<10240xf32, #tpu.memory_space<hbm>>
      tpu.enqueue_dma source(%arg5 : memref<10240xf32, #tpu.memory_space<vmem>>) target(%dma_start3A_19 : memref<10240xf32, #tpu.memory_space<hbm>>) target_semaphore(%run_scoped3A : memref<!tpu.dma_semaphore, #tpu.memory_space<semaphore_mem>>)
      %dma_wait3A = arith.constant 0 : i32
      %dma_wait3A_20 = tpu.memref_slice %arg3[%add3A, %dma_wait3A] : memref<32x10240xf32, #tpu.memory_space<hbm>> -> memref<1x10240xf32, #tpu.memory_space<hbm>>
      %dma_wait3A_21 = tpu.memref_squeeze %dma_wait3A_20 : memref<1x10240xf32, #tpu.memory_space<hbm>> -> memref<10240xf32, #tpu.memory_space<hbm>>
      %dma_wait3A_22 = arith.constant 0 : i32
      %dma_wait3A_23 = tpu.memref_slice %arg3[%add3A, %dma_wait3A_22] : memref<32x10240xf32, #tpu.memory_space<hbm>> -> memref<1x10240xf32, #tpu.memory_space<hbm>>
      %dma_wait3A_24 = tpu.memref_squeeze %dma_wait3A_23 : memref<1x10240xf32, #tpu.memory_space<hbm>> -> memref<10240xf32, #tpu.memory_space<hbm>>
      tpu.wait_dma2 semaphore(%run_scoped3A : memref<!tpu.dma_semaphore, #tpu.memory_space<semaphore_mem>>) src(%arg5 : memref<10240xf32, #tpu.memory_space<vmem>>) dst(%dma_wait3A_24 : memref<10240xf32, #tpu.memory_space<hbm>>)
      tpu.yield
    }) : () -> ()
    return
  }
}

#map = affine_map<(d0, d1) -> (0, 0)>
#map1 = affine_map<(d0, d1) -> (0)>
#map2 = affine_map<(d0, d1) -> (0, 0, 0)>
module attributes {stable_mosaic.version = 14 : i64} {
  func.func @body(%arg0: i32, %arg1: i32, %arg2: memref<10240x128xf32, #tpu.memory_space<hbm>>, %arg3: memref<320000xi32, #tpu.memory_space<hbm>>, %arg4: memref<320000xi32, #tpu.memory_space<hbm>>, %arg5: memref<2x10240x128xf32, #tpu.memory_space<hbm>>, %arg6: memref<2000xi32, #tpu.memory_space<vmem>>, %arg7: memref<2000xi32, #tpu.memory_space<vmem>>, %arg8: memref<80x128xf32, #tpu.memory_space<vmem>>, %arg9: memref<80x128xf32, #tpu.memory_space<vmem>>, %arg10: memref<80x128xf32, #tpu.memory_space<vmem>>, %arg11: memref<10240x128xf32, #tpu.memory_space<vmem_shared>>, %arg12: memref<!tpu.dma_semaphore, #tpu.memory_space<semaphore_mem>>, %arg13: memref<!tpu.dma_semaphore, #tpu.memory_space<semaphore_mem>>, %arg14: memref<!tpu.dma_semaphore, #tpu.memory_space<semaphore_mem>>, %arg15: memref<!tpu.dma_semaphore, #tpu.memory_space<semaphore_mem>>, %arg16: memref<!tpu.dma_semaphore, #tpu.memory_space<semaphore_mem>>, %arg17: memref<!tpu.dma_semaphore, #tpu.memory_space<semaphore_mem>>) attributes {dimension_semantics = [#tpu.dimension_semantics<core_parallel>, #tpu.dimension_semantics<subcore_parallel>], iteration_bounds = array<i64: 2, 16>, scalar_prefetch = 0 : i64, scratch_operands = 12 : i64, tpu.core_type = #tpu.core_type<sc_vector_subcore>, window_params = [{transform_indices = #map}, {transform_indices = #map1}, {transform_indices = #map1}, {transform_indices = #map2}]} {
    %mul3A = arith.constant 2 : i32
    %mul3A_0 = arith.muli %arg1, %mul3A : i32
    %add3A = arith.addi %mul3A_0, %arg0 : i32
    %broadcast_in_dim3A = arith.constant 0.000000e+00 : f32
    %broadcast_in_dim3A_1 = vector.broadcast %broadcast_in_dim3A : f32 to vector<16xf32>
    %scan3A = arith.constant 0 : i32
    %scan3A_2 = arith.constant 0 : i32
    %scan3A_3 = arith.constant 80 : i32
    %scan3A_4 = arith.addi %scan3A_2, %scan3A_3 : i32
    %scan3A_5 = arith.constant 1 : i32
    scf.for %scan3A_32 = %scan3A_2 to %scan3A_4 step %scan3A_5  : i32 {
      %swap3A = arith.index_cast %scan3A_32 : i32 to index
      %swap3A_33 = arith.constant 0 : index
      %swap3A_34 = tpu.vector_load %arg8[%swap3A, %swap3A_33] {strides = array<i32>} : memref<80x128xf32, #tpu.memory_space<vmem>>, vector<16xf32>,
      tpu.vector_store %arg8[%swap3A, %swap3A_33], %broadcast_in_dim3A_1 {strides = array<i32>} : memref<80x128xf32, #tpu.memory_space<vmem>>, vector<16xf32>,
      %swap3A_35 = arith.index_cast %scan3A_32 : i32 to index
      %swap3A_36 = arith.constant 16 : index
      %swap3A_37 = tpu.vector_load %arg8[%swap3A_35, %swap3A_36] {strides = array<i32>} : memref<80x128xf32, #tpu.memory_space<vmem>>, vector<16xf32>,
      tpu.vector_store %arg8[%swap3A_35, %swap3A_36], %broadcast_in_dim3A_1 {strides = array<i32>} : memref<80x128xf32, #tpu.memory_space<vmem>>, vector<16xf32>,
      %swap3A_38 = arith.index_cast %scan3A_32 : i32 to index
      %swap3A_39 = arith.constant 32 : index
      %swap3A_40 = tpu.vector_load %arg8[%swap3A_38, %swap3A_39] {strides = array<i32>} : memref<80x128xf32, #tpu.memory_space<vmem>>, vector<16xf32>,
      tpu.vector_store %arg8[%swap3A_38, %swap3A_39], %broadcast_in_dim3A_1 {strides = array<i32>} : memref<80x128xf32, #tpu.memory_space<vmem>>, vector<16xf32>,
      %swap3A_41 = arith.index_cast %scan3A_32 : i32 to index
      %swap3A_42 = arith.constant 48 : index
      %swap3A_43 = tpu.vector_load %arg8[%swap3A_41, %swap3A_42] {strides = array<i32>} : memref<80x128xf32, #tpu.memory_space<vmem>>, vector<16xf32>,
      tpu.vector_store %arg8[%swap3A_41, %swap3A_42], %broadcast_in_dim3A_1 {strides = array<i32>} : memref<80x128xf32, #tpu.memory_space<vmem>>, vector<16xf32>,
      %swap3A_44 = arith.index_cast %scan3A_32 : i32 to index
      %swap3A_45 = arith.constant 64 : index
      %swap3A_46 = tpu.vector_load %arg8[%swap3A_44, %swap3A_45] {strides = array<i32>} : memref<80x128xf32, #tpu.memory_space<vmem>>, vector<16xf32>,
      tpu.vector_store %arg8[%swap3A_44, %swap3A_45], %broadcast_in_dim3A_1 {strides = array<i32>} : memref<80x128xf32, #tpu.memory_space<vmem>>, vector<16xf32>,
      %swap3A_47 = arith.index_cast %scan3A_32 : i32 to index
      %swap3A_48 = arith.constant 80 : index
      %swap3A_49 = tpu.vector_load %arg8[%swap3A_47, %swap3A_48] {strides = array<i32>} : memref<80x128xf32, #tpu.memory_space<vmem>>, vector<16xf32>,
      tpu.vector_store %arg8[%swap3A_47, %swap3A_48], %broadcast_in_dim3A_1 {strides = array<i32>} : memref<80x128xf32, #tpu.memory_space<vmem>>, vector<16xf32>,
      %swap3A_50 = arith.index_cast %scan3A_32 : i32 to index
      %swap3A_51 = arith.constant 96 : index
      %swap3A_52 = tpu.vector_load %arg8[%swap3A_50, %swap3A_51] {strides = array<i32>} : memref<80x128xf32, #tpu.memory_space<vmem>>, vector<16xf32>,
      tpu.vector_store %arg8[%swap3A_50, %swap3A_51], %broadcast_in_dim3A_1 {strides = array<i32>} : memref<80x128xf32, #tpu.memory_space<vmem>>, vector<16xf32>,
      %swap3A_53 = arith.index_cast %scan3A_32 : i32 to index
      %swap3A_54 = arith.constant 112 : index
      %swap3A_55 = tpu.vector_load %arg8[%swap3A_53, %swap3A_54] {strides = array<i32>} : memref<80x128xf32, #tpu.memory_space<vmem>>, vector<16xf32>,
      tpu.vector_store %arg8[%swap3A_53, %swap3A_54], %broadcast_in_dim3A_1 {strides = array<i32>} : memref<80x128xf32, #tpu.memory_space<vmem>>, vector<16xf32>,
    }
    %scan3A_6 = arith.constant 80 : i32
    %mul3A_7 = arith.constant 640 : i32
    %mul3A_8 = arith.muli %arg1, %mul3A_7 : i32
    %add3A_9 = arith.constant 0 : i32
    %add3A_10 = arith.addi %mul3A_8, %add3A_9 : i32
    "tpu.region"() ({
      %run_scoped3A = tpu.sem_alloc : memref<!tpu.dma_semaphore, #tpu.memory_space<semaphore_mem>>
      %dma_start3A = arith.constant 0 : i32
      %dma_start3A_32 = tpu.memref_slice %arg11[%add3A_10, %dma_start3A] : memref<10240x128xf32, #tpu.memory_space<vmem_shared>> -> memref<80x128xf32, #tpu.memory_space<vmem_shared>>
      %dma_start3A_33 = arith.constant 0 : i32
      %dma_start3A_34 = tpu.memref_slice %arg11[%add3A_10, %dma_start3A_33] : memref<10240x128xf32, #tpu.memory_space<vmem_shared>> -> memref<80x128xf32, #tpu.memory_space<vmem_shared>>
      tpu.enqueue_dma source(%arg8 : memref<80x128xf32, #tpu.memory_space<vmem>>) target(%dma_start3A_34 : memref<80x128xf32, #tpu.memory_space<vmem_shared>>) target_semaphore(%run_scoped3A : memref<!tpu.dma_semaphore, #tpu.memory_space<semaphore_mem>>)
      %dma_wait3A = arith.constant 0 : i32
      %dma_wait3A_35 = tpu.memref_slice %arg11[%add3A_10, %dma_wait3A] : memref<10240x128xf32, #tpu.memory_space<vmem_shared>> -> memref<80x128xf32, #tpu.memory_space<vmem_shared>>
      %dma_wait3A_36 = arith.constant 0 : i32
      %dma_wait3A_37 = tpu.memref_slice %arg11[%add3A_10, %dma_wait3A_36] : memref<10240x128xf32, #tpu.memory_space<vmem_shared>> -> memref<80x128xf32, #tpu.memory_space<vmem_shared>>
      tpu.wait_dma2 semaphore(%run_scoped3A : memref<!tpu.dma_semaphore, #tpu.memory_space<semaphore_mem>>) src(%arg8 : memref<80x128xf32, #tpu.memory_space<vmem>>) dst(%dma_wait3A_37 : memref<80x128xf32, #tpu.memory_space<vmem_shared>>)
      tpu.yield
    }) : () -> ()
    %add3A_11 = arith.constant 80 : i32
    %add3A_12 = arith.addi %mul3A_8, %add3A_11 : i32
    "tpu.region"() ({
      %run_scoped3A = tpu.sem_alloc : memref<!tpu.dma_semaphore, #tpu.memory_space<semaphore_mem>>
      %dma_start3A = arith.constant 0 : i32
      %dma_start3A_32 = tpu.memref_slice %arg11[%add3A_12, %dma_start3A] : memref<10240x128xf32, #tpu.memory_space<vmem_shared>> -> memref<80x128xf32, #tpu.memory_space<vmem_shared>>
      %dma_start3A_33 = arith.constant 0 : i32
      %dma_start3A_34 = tpu.memref_slice %arg11[%add3A_12, %dma_start3A_33] : memref<10240x128xf32, #tpu.memory_space<vmem_shared>> -> memref<80x128xf32, #tpu.memory_space<vmem_shared>>
      tpu.enqueue_dma source(%arg8 : memref<80x128xf32, #tpu.memory_space<vmem>>) target(%dma_start3A_34 : memref<80x128xf32, #tpu.memory_space<vmem_shared>>) target_semaphore(%run_scoped3A : memref<!tpu.dma_semaphore, #tpu.memory_space<semaphore_mem>>)
      %dma_wait3A = arith.constant 0 : i32
      %dma_wait3A_35 = tpu.memref_slice %arg11[%add3A_12, %dma_wait3A] : memref<10240x128xf32, #tpu.memory_space<vmem_shared>> -> memref<80x128xf32, #tpu.memory_space<vmem_shared>>
      %dma_wait3A_36 = arith.constant 0 : i32
      %dma_wait3A_37 = tpu.memref_slice %arg11[%add3A_12, %dma_wait3A_36] : memref<10240x128xf32, #tpu.memory_space<vmem_shared>> -> memref<80x128xf32, #tpu.memory_space<vmem_shared>>
      tpu.wait_dma2 semaphore(%run_scoped3A : memref<!tpu.dma_semaphore, #tpu.memory_space<semaphore_mem>>) src(%arg8 : memref<80x128xf32, #tpu.memory_space<vmem>>) dst(%dma_wait3A_37 : memref<80x128xf32, #tpu.memory_space<vmem_shared>>)
      tpu.yield
    }) : () -> ()
    %add3A_13 = arith.constant 160 : i32
    %add3A_14 = arith.addi %mul3A_8, %add3A_13 : i32
    "tpu.region"() ({
      %run_scoped3A = tpu.sem_alloc : memref<!tpu.dma_semaphore, #tpu.memory_space<semaphore_mem>>
      %dma_start3A = arith.constant 0 : i32
      %dma_start3A_32 = tpu.memref_slice %arg11[%add3A_14, %dma_start3A] : memref<10240x128xf32, #tpu.memory_space<vmem_shared>> -> memref<80x128xf32, #tpu.memory_space<vmem_shared>>
      %dma_start3A_33 = arith.constant 0 : i32
      %dma_start3A_34 = tpu.memref_slice %arg11[%add3A_14, %dma_start3A_33] : memref<10240x128xf32, #tpu.memory_space<vmem_shared>> -> memref<80x128xf32, #tpu.memory_space<vmem_shared>>
      tpu.enqueue_dma source(%arg8 : memref<80x128xf32, #tpu.memory_space<vmem>>) target(%dma_start3A_34 : memref<80x128xf32, #tpu.memory_space<vmem_shared>>) target_semaphore(%run_scoped3A : memref<!tpu.dma_semaphore, #tpu.memory_space<semaphore_mem>>)
      %dma_wait3A = arith.constant 0 : i32
      %dma_wait3A_35 = tpu.memref_slice %arg11[%add3A_14, %dma_wait3A] : memref<10240x128xf32, #tpu.memory_space<vmem_shared>> -> memref<80x128xf32, #tpu.memory_space<vmem_shared>>
      %dma_wait3A_36 = arith.constant 0 : i32
      %dma_wait3A_37 = tpu.memref_slice %arg11[%add3A_14, %dma_wait3A_36] : memref<10240x128xf32, #tpu.memory_space<vmem_shared>> -> memref<80x128xf32, #tpu.memory_space<vmem_shared>>
      tpu.wait_dma2 semaphore(%run_scoped3A : memref<!tpu.dma_semaphore, #tpu.memory_space<semaphore_mem>>) src(%arg8 : memref<80x128xf32, #tpu.memory_space<vmem>>) dst(%dma_wait3A_37 : memref<80x128xf32, #tpu.memory_space<vmem_shared>>)
      tpu.yield
    }) : () -> ()
    %add3A_15 = arith.constant 240 : i32
    %add3A_16 = arith.addi %mul3A_8, %add3A_15 : i32
    "tpu.region"() ({
      %run_scoped3A = tpu.sem_alloc : memref<!tpu.dma_semaphore, #tpu.memory_space<semaphore_mem>>
      %dma_start3A = arith.constant 0 : i32
      %dma_start3A_32 = tpu.memref_slice %arg11[%add3A_16, %dma_start3A] : memref<10240x128xf32, #tpu.memory_space<vmem_shared>> -> memref<80x128xf32, #tpu.memory_space<vmem_shared>>
      %dma_start3A_33 = arith.constant 0 : i32
      %dma_start3A_34 = tpu.memref_slice %arg11[%add3A_16, %dma_start3A_33] : memref<10240x128xf32, #tpu.memory_space<vmem_shared>> -> memref<80x128xf32, #tpu.memory_space<vmem_shared>>
      tpu.enqueue_dma source(%arg8 : memref<80x128xf32, #tpu.memory_space<vmem>>) target(%dma_start3A_34 : memref<80x128xf32, #tpu.memory_space<vmem_shared>>) target_semaphore(%run_scoped3A : memref<!tpu.dma_semaphore, #tpu.memory_space<semaphore_mem>>)
      %dma_wait3A = arith.constant 0 : i32
      %dma_wait3A_35 = tpu.memref_slice %arg11[%add3A_16, %dma_wait3A] : memref<10240x128xf32, #tpu.memory_space<vmem_shared>> -> memref<80x128xf32, #tpu.memory_space<vmem_shared>>
      %dma_wait3A_36 = arith.constant 0 : i32
      %dma_wait3A_37 = tpu.memref_slice %arg11[%add3A_16, %dma_wait3A_36] : memref<10240x128xf32, #tpu.memory_space<vmem_shared>> -> memref<80x128xf32, #tpu.memory_space<vmem_shared>>
      tpu.wait_dma2 semaphore(%run_scoped3A : memref<!tpu.dma_semaphore, #tpu.memory_space<semaphore_mem>>) src(%arg8 : memref<80x128xf32, #tpu.memory_space<vmem>>) dst(%dma_wait3A_37 : memref<80x128xf32, #tpu.memory_space<vmem_shared>>)
      tpu.yield
    }) : () -> ()
    %add3A_17 = arith.constant 320 : i32
    %add3A_18 = arith.addi %mul3A_8, %add3A_17 : i32
    "tpu.region"() ({
      %run_scoped3A = tpu.sem_alloc : memref<!tpu.dma_semaphore, #tpu.memory_space<semaphore_mem>>
      %dma_start3A = arith.constant 0 : i32
      %dma_start3A_32 = tpu.memref_slice %arg11[%add3A_18, %dma_start3A] : memref<10240x128xf32, #tpu.memory_space<vmem_shared>> -> memref<80x128xf32, #tpu.memory_space<vmem_shared>>
      %dma_start3A_33 = arith.constant 0 : i32
      %dma_start3A_34 = tpu.memref_slice %arg11[%add3A_18, %dma_start3A_33] : memref<10240x128xf32, #tpu.memory_space<vmem_shared>> -> memref<80x128xf32, #tpu.memory_space<vmem_shared>>
      tpu.enqueue_dma source(%arg8 : memref<80x128xf32, #tpu.memory_space<vmem>>) target(%dma_start3A_34 : memref<80x128xf32, #tpu.memory_space<vmem_shared>>) target_semaphore(%run_scoped3A : memref<!tpu.dma_semaphore, #tpu.memory_space<semaphore_mem>>)
      %dma_wait3A = arith.constant 0 : i32
      %dma_wait3A_35 = tpu.memref_slice %arg11[%add3A_18, %dma_wait3A] : memref<10240x128xf32, #tpu.memory_space<vmem_shared>> -> memref<80x128xf32, #tpu.memory_space<vmem_shared>>
      %dma_wait3A_36 = arith.constant 0 : i32
      %dma_wait3A_37 = tpu.memref_slice %arg11[%add3A_18, %dma_wait3A_36] : memref<10240x128xf32, #tpu.memory_space<vmem_shared>> -> memref<80x128xf32, #tpu.memory_space<vmem_shared>>
      tpu.wait_dma2 semaphore(%run_scoped3A : memref<!tpu.dma_semaphore, #tpu.memory_space<semaphore_mem>>) src(%arg8 : memref<80x128xf32, #tpu.memory_space<vmem>>) dst(%dma_wait3A_37 : memref<80x128xf32, #tpu.memory_space<vmem_shared>>)
      tpu.yield
    }) : () -> ()
    %add3A_19 = arith.constant 400 : i32
    %add3A_20 = arith.addi %mul3A_8, %add3A_19 : i32
    "tpu.region"() ({
      %run_scoped3A = tpu.sem_alloc : memref<!tpu.dma_semaphore, #tpu.memory_space<semaphore_mem>>
      %dma_start3A = arith.constant 0 : i32
      %dma_start3A_32 = tpu.memref_slice %arg11[%add3A_20, %dma_start3A] : memref<10240x128xf32, #tpu.memory_space<vmem_shared>> -> memref<80x128xf32, #tpu.memory_space<vmem_shared>>
      %dma_start3A_33 = arith.constant 0 : i32
      %dma_start3A_34 = tpu.memref_slice %arg11[%add3A_20, %dma_start3A_33] : memref<10240x128xf32, #tpu.memory_space<vmem_shared>> -> memref<80x128xf32, #tpu.memory_space<vmem_shared>>
      tpu.enqueue_dma source(%arg8 : memref<80x128xf32, #tpu.memory_space<vmem>>) target(%dma_start3A_34 : memref<80x128xf32, #tpu.memory_space<vmem_shared>>) target_semaphore(%run_scoped3A : memref<!tpu.dma_semaphore, #tpu.memory_space<semaphore_mem>>)
      %dma_wait3A = arith.constant 0 : i32
      %dma_wait3A_35 = tpu.memref_slice %arg11[%add3A_20, %dma_wait3A] : memref<10240x128xf32, #tpu.memory_space<vmem_shared>> -> memref<80x128xf32, #tpu.memory_space<vmem_shared>>
      %dma_wait3A_36 = arith.constant 0 : i32
      %dma_wait3A_37 = tpu.memref_slice %arg11[%add3A_20, %dma_wait3A_36] : memref<10240x128xf32, #tpu.memory_space<vmem_shared>> -> memref<80x128xf32, #tpu.memory_space<vmem_shared>>
      tpu.wait_dma2 semaphore(%run_scoped3A : memref<!tpu.dma_semaphore, #tpu.memory_space<semaphore_mem>>) src(%arg8 : memref<80x128xf32, #tpu.memory_space<vmem>>) dst(%dma_wait3A_37 : memref<80x128xf32, #tpu.memory_space<vmem_shared>>)
      tpu.yield
    }) : () -> ()
    %add3A_21 = arith.constant 480 : i32
    %add3A_22 = arith.addi %mul3A_8, %add3A_21 : i32
    "tpu.region"() ({
      %run_scoped3A = tpu.sem_alloc : memref<!tpu.dma_semaphore, #tpu.memory_space<semaphore_mem>>
      %dma_start3A = arith.constant 0 : i32
      %dma_start3A_32 = tpu.memref_slice %arg11[%add3A_22, %dma_start3A] : memref<10240x128xf32, #tpu.memory_space<vmem_shared>> -> memref<80x128xf32, #tpu.memory_space<vmem_shared>>
      %dma_start3A_33 = arith.constant 0 : i32
      %dma_start3A_34 = tpu.memref_slice %arg11[%add3A_22, %dma_start3A_33] : memref<10240x128xf32, #tpu.memory_space<vmem_shared>> -> memref<80x128xf32, #tpu.memory_space<vmem_shared>>
      tpu.enqueue_dma source(%arg8 : memref<80x128xf32, #tpu.memory_space<vmem>>) target(%dma_start3A_34 : memref<80x128xf32, #tpu.memory_space<vmem_shared>>) target_semaphore(%run_scoped3A : memref<!tpu.dma_semaphore, #tpu.memory_space<semaphore_mem>>)
      %dma_wait3A = arith.constant 0 : i32
      %dma_wait3A_35 = tpu.memref_slice %arg11[%add3A_22, %dma_wait3A] : memref<10240x128xf32, #tpu.memory_space<vmem_shared>> -> memref<80x128xf32, #tpu.memory_space<vmem_shared>>
      %dma_wait3A_36 = arith.constant 0 : i32
      %dma_wait3A_37 = tpu.memref_slice %arg11[%add3A_22, %dma_wait3A_36] : memref<10240x128xf32, #tpu.memory_space<vmem_shared>> -> memref<80x128xf32, #tpu.memory_space<vmem_shared>>
      tpu.wait_dma2 semaphore(%run_scoped3A : memref<!tpu.dma_semaphore, #tpu.memory_space<semaphore_mem>>) src(%arg8 : memref<80x128xf32, #tpu.memory_space<vmem>>) dst(%dma_wait3A_37 : memref<80x128xf32, #tpu.memory_space<vmem_shared>>)
      tpu.yield
    }) : () -> ()
    %add3A_23 = arith.constant 560 : i32
    %add3A_24 = arith.addi %mul3A_8, %add3A_23 : i32
    "tpu.region"() ({
      %run_scoped3A = tpu.sem_alloc : memref<!tpu.dma_semaphore, #tpu.memory_space<semaphore_mem>>
      %dma_start3A = arith.constant 0 : i32
      %dma_start3A_32 = tpu.memref_slice %arg11[%add3A_24, %dma_start3A] : memref<10240x128xf32, #tpu.memory_space<vmem_shared>> -> memref<80x128xf32, #tpu.memory_space<vmem_shared>>
      %dma_start3A_33 = arith.constant 0 : i32
      %dma_start3A_34 = tpu.memref_slice %arg11[%add3A_24, %dma_start3A_33] : memref<10240x128xf32, #tpu.memory_space<vmem_shared>> -> memref<80x128xf32, #tpu.memory_space<vmem_shared>>
      tpu.enqueue_dma source(%arg8 : memref<80x128xf32, #tpu.memory_space<vmem>>) target(%dma_start3A_34 : memref<80x128xf32, #tpu.memory_space<vmem_shared>>) target_semaphore(%run_scoped3A : memref<!tpu.dma_semaphore, #tpu.memory_space<semaphore_mem>>)
      %dma_wait3A = arith.constant 0 : i32
      %dma_wait3A_35 = tpu.memref_slice %arg11[%add3A_24, %dma_wait3A] : memref<10240x128xf32, #tpu.memory_space<vmem_shared>> -> memref<80x128xf32, #tpu.memory_space<vmem_shared>>
      %dma_wait3A_36 = arith.constant 0 : i32
      %dma_wait3A_37 = tpu.memref_slice %arg11[%add3A_24, %dma_wait3A_36] : memref<10240x128xf32, #tpu.memory_space<vmem_shared>> -> memref<80x128xf32, #tpu.memory_space<vmem_shared>>
      tpu.wait_dma2 semaphore(%run_scoped3A : memref<!tpu.dma_semaphore, #tpu.memory_space<semaphore_mem>>) src(%arg8 : memref<80x128xf32, #tpu.memory_space<vmem>>) dst(%dma_wait3A_37 : memref<80x128xf32, #tpu.memory_space<vmem_shared>>)
      tpu.yield
    }) : () -> ()
    %barrier3A = arith.constant 0 : index
    tpu.barrier barrier_id(%barrier3A)
    %scan3A_25 = arith.constant 0 : i32
    %scan3A_26 = arith.constant 0 : i32
    %scan3A_27 = arith.constant 5 : i32
    %scan3A_28 = arith.addi %scan3A_26, %scan3A_27 : i32
    %scan3A_29 = arith.constant 1 : i32
    scf.for %scan3A_32 = %scan3A_26 to %scan3A_28 step %scan3A_29  : i32 {
      %mul3A_33 = arith.constant 10000 : i32
      %mul3A_34 = arith.muli %add3A, %mul3A_33 : i32
      %mul3A_35 = arith.constant 2000 : i32
      %mul3A_36 = arith.muli %scan3A_32, %mul3A_35 : i32
      %add3A_37 = arith.addi %mul3A_34, %mul3A_36 : i32
      "tpu.region"() ({
        %run_scoped3A = tpu.sem_alloc : memref<!tpu.dma_semaphore, #tpu.memory_space<semaphore_mem>>
        %dma_start3A_72 = tpu.memref_slice %arg3[%add3A_37] : memref<320000xi32, #tpu.memory_space<hbm>> -> memref<2000xi32, #tpu.memory_space<hbm>>
        %dma_start3A_73 = tpu.memref_slice %arg3[%add3A_37] : memref<320000xi32, #tpu.memory_space<hbm>> -> memref<2000xi32, #tpu.memory_space<hbm>>
        tpu.enqueue_dma source(%dma_start3A_73 : memref<2000xi32, #tpu.memory_space<hbm>>) target(%arg6 : memref<2000xi32, #tpu.memory_space<vmem>>) target_semaphore(%run_scoped3A : memref<!tpu.dma_semaphore, #tpu.memory_space<semaphore_mem>>)
        %dma_wait3A_74 = tpu.memref_slice %arg3[%add3A_37] : memref<320000xi32, #tpu.memory_space<hbm>> -> memref<2000xi32, #tpu.memory_space<hbm>>
        %dma_wait3A_75 = tpu.memref_slice %arg3[%add3A_37] : memref<320000xi32, #tpu.memory_space<hbm>> -> memref<2000xi32, #tpu.memory_space<hbm>>
        tpu.wait_dma2 semaphore(%run_scoped3A : memref<!tpu.dma_semaphore, #tpu.memory_space<semaphore_mem>>) src(%dma_wait3A_75 : memref<2000xi32, #tpu.memory_space<hbm>>) dst(%arg6 : memref<2000xi32, #tpu.memory_space<vmem>>)
        tpu.yield
      }) : () -> ()
      "tpu.region"() ({
        %run_scoped3A = tpu.sem_alloc : memref<!tpu.dma_semaphore, #tpu.memory_space<semaphore_mem>>
        %dma_start3A_72 = tpu.memref_slice %arg4[%add3A_37] : memref<320000xi32, #tpu.memory_space<hbm>> -> memref<2000xi32, #tpu.memory_space<hbm>>
        %dma_start3A_73 = tpu.memref_slice %arg4[%add3A_37] : memref<320000xi32, #tpu.memory_space<hbm>> -> memref<2000xi32, #tpu.memory_space<hbm>>
        tpu.enqueue_dma source(%dma_start3A_73 : memref<2000xi32, #tpu.memory_space<hbm>>) target(%arg7 : memref<2000xi32, #tpu.memory_space<vmem>>) target_semaphore(%run_scoped3A : memref<!tpu.dma_semaphore, #tpu.memory_space<semaphore_mem>>)
        %dma_wait3A_74 = tpu.memref_slice %arg4[%add3A_37] : memref<320000xi32, #tpu.memory_space<hbm>> -> memref<2000xi32, #tpu.memory_space<hbm>>
        %dma_wait3A_75 = tpu.memref_slice %arg4[%add3A_37] : memref<320000xi32, #tpu.memory_space<hbm>> -> memref<2000xi32, #tpu.memory_space<hbm>>
        tpu.wait_dma2 semaphore(%run_scoped3A : memref<!tpu.dma_semaphore, #tpu.memory_space<semaphore_mem>>) src(%dma_wait3A_75 : memref<2000xi32, #tpu.memory_space<hbm>>) dst(%arg7 : memref<2000xi32, #tpu.memory_space<vmem>>)
        tpu.yield
      }) : () -> ()
      %dma_start3A = arith.constant 0 : i32
      %dma_start3A_38 = tpu.memref_slice %arg6[%dma_start3A] : memref<2000xi32, #tpu.memory_space<vmem>> -> memref<80xi32, #tpu.memory_space<vmem>>
      %dma_start3A_39 = arith.constant 0 : i32
      %dma_start3A_40 = arith.constant 0 : i32
      %dma_start3A_41 = tpu.memref_slice %arg2[%dma_start3A_39, %dma_start3A_40] : memref<10240x128xf32, #tpu.memory_space<hbm>> -> memref<10240x128xf32, #tpu.memory_space<hbm>>
      tpu.enqueue_indirect_dma source(%dma_start3A_41 : memref<10240x128xf32, #tpu.memory_space<hbm>>) target(%arg8 : memref<80x128xf32, #tpu.memory_space<vmem>>) offsets(%dma_start3A_38 : memref<80xi32, #tpu.memory_space<vmem>>) semaphore(%arg12 : memref<!tpu.dma_semaphore, #tpu.memory_space<semaphore_mem>>)
      %dma_start3A_42 = arith.constant 80 : i32
      %dma_start3A_43 = tpu.memref_slice %arg6[%dma_start3A_42] : memref<2000xi32, #tpu.memory_space<vmem>> -> memref<80xi32, #tpu.memory_space<vmem>>
      %dma_start3A_44 = arith.constant 0 : i32
      %dma_start3A_45 = arith.constant 0 : i32
      %dma_start3A_46 = tpu.memref_slice %arg2[%dma_start3A_44, %dma_start3A_45] : memref<10240x128xf32, #tpu.memory_space<hbm>> -> memref<10240x128xf32, #tpu.memory_space<hbm>>
      tpu.enqueue_indirect_dma source(%dma_start3A_46 : memref<10240x128xf32, #tpu.memory_space<hbm>>) target(%arg9 : memref<80x128xf32, #tpu.memory_space<vmem>>) offsets(%dma_start3A_43 : memref<80xi32, #tpu.memory_space<vmem>>) semaphore(%arg13 : memref<!tpu.dma_semaphore, #tpu.memory_space<semaphore_mem>>)
      %scan3A_47 = arith.constant 0 : i32
      %scan3A_48 = arith.constant 0 : i32
      %scan3A_49 = arith.constant 8 : i32
      %scan3A_50 = arith.addi %scan3A_48, %scan3A_49 : i32
      %scan3A_51 = arith.constant 1 : i32
      scf.for %scan3A_72 = %scan3A_48 to %scan3A_50 step %scan3A_51  : i32 {
        %mul3A_73 = arith.constant 3 : i32
        %mul3A_74 = arith.muli %mul3A_73, %scan3A_72 : i32
        %add3A_75 = arith.constant 0 : i32
        %add3A_76 = arith.addi %mul3A_74, %add3A_75 : i32
        %mul3A_77 = arith.constant 80 : i32
        %mul3A_78 = arith.muli %add3A_76, %mul3A_77 : i32
        %dma_wait3A_79 = tpu.memref_slice %arg6[%mul3A_78] : memref<2000xi32, #tpu.memory_space<vmem>> -> memref<80xi32, #tpu.memory_space<vmem>>
        %dma_wait3A_80 = arith.constant 0 : i32
        %dma_wait3A_81 = arith.constant 0 : i32
        %dma_wait3A_82 = tpu.memref_slice %arg2[%dma_wait3A_80, %dma_wait3A_81] : memref<10240x128xf32, #tpu.memory_space<hbm>> -> memref<10240x128xf32, #tpu.memory_space<hbm>>
        tpu.wait_indirect_dma semaphore(%arg12 : memref<!tpu.dma_semaphore, #tpu.memory_space<semaphore_mem>>) src(%dma_wait3A_82 : memref<10240x128xf32, #tpu.memory_space<hbm>>) dst(%arg8 : memref<80x128xf32, #tpu.memory_space<vmem>>)
        %ge3A = arith.constant 1 : i32
        %ge3A_83 = arith.cmpi sge, %add3A_76, %ge3A : i32
        %convert_element_type3A = arith.extui %ge3A_83 : i1 to i32
        %cond3A = arith.constant 0 : i32
        %cond3A_84 = arith.cmpi ne, %convert_element_type3A, %cond3A : i32
        scf.if %cond3A_84 {
          %sub3A_158 = arith.constant 1 : i32
          %sub3A_159 = arith.subi %add3A_76, %sub3A_158 : i32
          %mul3A_160 = arith.constant 80 : i32
          %mul3A_161 = arith.muli %sub3A_159, %mul3A_160 : i32
          %dma_wait3A_162 = tpu.memref_slice %arg7[%mul3A_161] : memref<2000xi32, #tpu.memory_space<vmem>> -> memref<80xi32, #tpu.memory_space<vmem>>
          %dma_wait3A_163 = arith.constant 0 : i32
          %dma_wait3A_164 = arith.constant 0 : i32
          %dma_wait3A_165 = tpu.memref_slice %arg11[%dma_wait3A_163, %dma_wait3A_164] : memref<10240x128xf32, #tpu.memory_space<vmem_shared>> -> memref<10240x128xf32, #tpu.memory_space<vmem_shared>>
          tpu.wait_indirect_dma semaphore(%arg17 : memref<!tpu.dma_semaphore, #tpu.memory_space<semaphore_mem>>) src(%arg10 : memref<80x128xf32, #tpu.memory_space<vmem>>) dst(%dma_wait3A_165 : memref<10240x128xf32, #tpu.memory_space<vmem_shared>>)
        } else {
        }
        %add3A_85 = arith.constant 2 : i32
        %add3A_86 = arith.addi %add3A_76, %add3A_85 : i32
        %le3A = arith.constant 24 : i32
        %le3A_87 = arith.cmpi sle, %add3A_86, %le3A : i32
        %convert_element_type3A_88 = arith.extui %le3A_87 : i1 to i32
        %cond3A_89 = arith.constant 0 : i32
        %cond3A_90 = arith.cmpi ne, %convert_element_type3A_88, %cond3A_89 : i32
        scf.if %cond3A_90 {
          %add3A_158 = arith.constant 2 : i32
          %add3A_159 = arith.addi %add3A_76, %add3A_158 : i32
          %mul3A_160 = arith.constant 80 : i32
          %mul3A_161 = arith.muli %add3A_159, %mul3A_160 : i32
          %dma_start3A_162 = tpu.memref_slice %arg6[%mul3A_161] : memref<2000xi32, #tpu.memory_space<vmem>> -> memref<80xi32, #tpu.memory_space<vmem>>
          %dma_start3A_163 = arith.constant 0 : i32
          %dma_start3A_164 = arith.constant 0 : i32
          %dma_start3A_165 = tpu.memref_slice %arg2[%dma_start3A_163, %dma_start3A_164] : memref<10240x128xf32, #tpu.memory_space<hbm>> -> memref<10240x128xf32, #tpu.memory_space<hbm>>
          tpu.enqueue_indirect_dma source(%dma_start3A_165 : memref<10240x128xf32, #tpu.memory_space<hbm>>) target(%arg10 : memref<80x128xf32, #tpu.memory_space<vmem>>) offsets(%dma_start3A_162 : memref<80xi32, #tpu.memory_space<vmem>>) semaphore(%arg14 : memref<!tpu.dma_semaphore, #tpu.memory_space<semaphore_mem>>)
        } else {
        }
        %mul3A_91 = arith.constant 80 : i32
        %mul3A_92 = arith.muli %add3A_76, %mul3A_91 : i32
        %dma_start3A_93 = tpu.memref_slice %arg7[%mul3A_92] : memref<2000xi32, #tpu.memory_space<vmem>> -> memref<80xi32, #tpu.memory_space<vmem>>
        %dma_start3A_94 = arith.constant 0 : i32
        %dma_start3A_95 = arith.constant 0 : i32
        %dma_start3A_96 = tpu.memref_slice %arg11[%dma_start3A_94, %dma_start3A_95] : memref<10240x128xf32, #tpu.memory_space<vmem_shared>> -> memref<10240x128xf32, #tpu.memory_space<vmem_shared>>
        tpu.enqueue_indirect_dma source(%arg8 : memref<80x128xf32, #tpu.memory_space<vmem>>) target(%dma_start3A_96 : memref<10240x128xf32, #tpu.memory_space<vmem_shared>>) offsets(%dma_start3A_93 : memref<80xi32, #tpu.memory_space<vmem>>) semaphore(%arg15 : memref<!tpu.dma_semaphore, #tpu.memory_space<semaphore_mem>>) {add = true}
        %mul3A_97 = arith.constant 3 : i32
        %mul3A_98 = arith.muli %mul3A_97, %scan3A_72 : i32
        %add3A_99 = arith.constant 1 : i32
        %add3A_100 = arith.addi %mul3A_98, %add3A_99 : i32
        %mul3A_101 = arith.constant 80 : i32
        %mul3A_102 = arith.muli %add3A_100, %mul3A_101 : i32
        %dma_wait3A_103 = tpu.memref_slice %arg6[%mul3A_102] : memref<2000xi32, #tpu.memory_space<vmem>> -> memref<80xi32, #tpu.memory_space<vmem>>
        %dma_wait3A_104 = arith.constant 0 : i32
        %dma_wait3A_105 = arith.constant 0 : i32
        %dma_wait3A_106 = tpu.memref_slice %arg2[%dma_wait3A_104, %dma_wait3A_105] : memref<10240x128xf32, #tpu.memory_space<hbm>> -> memref<10240x128xf32, #tpu.memory_space<hbm>>
        tpu.wait_indirect_dma semaphore(%arg13 : memref<!tpu.dma_semaphore, #tpu.memory_space<semaphore_mem>>) src(%dma_wait3A_106 : memref<10240x128xf32, #tpu.memory_space<hbm>>) dst(%arg9 : memref<80x128xf32, #tpu.memory_space<vmem>>)
        %sub3A = arith.constant 1 : i32
        %sub3A_107 = arith.subi %add3A_100, %sub3A : i32
        %mul3A_108 = arith.constant 80 : i32
        %mul3A_109 = arith.muli %sub3A_107, %mul3A_108 : i32
        %dma_wait3A_110 = tpu.memref_slice %arg7[%mul3A_109] : memref<2000xi32, #tpu.memory_space<vmem>> -> memref<80xi32, #tpu.memory_space<vmem>>
        %dma_wait3A_111 = arith.constant 0 : i32
        %dma_wait3A_112 = arith.constant 0 : i32
        %dma_wait3A_113 = tpu.memref_slice %arg11[%dma_wait3A_111, %dma_wait3A_112] : memref<10240x128xf32, #tpu.memory_space<vmem_shared>> -> memref<10240x128xf32, #tpu.memory_space<vmem_shared>>
        tpu.wait_indirect_dma semaphore(%arg15 : memref<!tpu.dma_semaphore, #tpu.memory_space<semaphore_mem>>) src(%arg8 : memref<80x128xf32, #tpu.memory_space<vmem>>) dst(%dma_wait3A_113 : memref<10240x128xf32, #tpu.memory_space<vmem_shared>>)
        %add3A_114 = arith.constant 2 : i32
        %add3A_115 = arith.addi %add3A_100, %add3A_114 : i32
        %le3A_116 = arith.constant 24 : i32
        %le3A_117 = arith.cmpi sle, %add3A_115, %le3A_116 : i32
        %convert_element_type3A_118 = arith.extui %le3A_117 : i1 to i32
        %cond3A_119 = arith.constant 0 : i32
        %cond3A_120 = arith.cmpi ne, %convert_element_type3A_118, %cond3A_119 : i32
        scf.if %cond3A_120 {
          %add3A_158 = arith.constant 2 : i32
          %add3A_159 = arith.addi %add3A_100, %add3A_158 : i32
          %mul3A_160 = arith.constant 80 : i32
          %mul3A_161 = arith.muli %add3A_159, %mul3A_160 : i32
          %dma_start3A_162 = tpu.memref_slice %arg6[%mul3A_161] : memref<2000xi32, #tpu.memory_space<vmem>> -> memref<80xi32, #tpu.memory_space<vmem>>
          %dma_start3A_163 = arith.constant 0 : i32
          %dma_start3A_164 = arith.constant 0 : i32
          %dma_start3A_165 = tpu.memref_slice %arg2[%dma_start3A_163, %dma_start3A_164] : memref<10240x128xf32, #tpu.memory_space<hbm>> -> memref<10240x128xf32, #tpu.memory_space<hbm>>
          tpu.enqueue_indirect_dma source(%dma_start3A_165 : memref<10240x128xf32, #tpu.memory_space<hbm>>) target(%arg8 : memref<80x128xf32, #tpu.memory_space<vmem>>) offsets(%dma_start3A_162 : memref<80xi32, #tpu.memory_space<vmem>>) semaphore(%arg12 : memref<!tpu.dma_semaphore, #tpu.memory_space<semaphore_mem>>)
        } else {
        }
        %mul3A_121 = arith.constant 80 : i32
        %mul3A_122 = arith.muli %add3A_100, %mul3A_121 : i32
        %dma_start3A_123 = tpu.memref_slice %arg7[%mul3A_122] : memref<2000xi32, #tpu.memory_space<vmem>> -> memref<80xi32, #tpu.memory_space<vmem>>
        %dma_start3A_124 = arith.constant 0 : i32
        %dma_start3A_125 = arith.constant 0 : i32
        %dma_start3A_126 = tpu.memref_slice %arg11[%dma_start3A_124, %dma_start3A_125] : memref<10240x128xf32, #tpu.memory_space<vmem_shared>> -> memref<10240x128xf32, #tpu.memory_space<vmem_shared>>
        tpu.enqueue_indirect_dma source(%arg9 : memref<80x128xf32, #tpu.memory_space<vmem>>) target(%dma_start3A_126 : memref<10240x128xf32, #tpu.memory_space<vmem_shared>>) offsets(%dma_start3A_123 : memref<80xi32, #tpu.memory_space<vmem>>) semaphore(%arg16 : memref<!tpu.dma_semaphore, #tpu.memory_space<semaphore_mem>>) {add = true}
        %mul3A_127 = arith.constant 3 : i32
        %mul3A_128 = arith.muli %mul3A_127, %scan3A_72 : i32
        %add3A_129 = arith.constant 2 : i32
        %add3A_130 = arith.addi %mul3A_128, %add3A_129 : i32
        %mul3A_131 = arith.constant 80 : i32
        %mul3A_132 = arith.muli %add3A_130, %mul3A_131 : i32
        %dma_wait3A_133 = tpu.memref_slice %arg6[%mul3A_132] : memref<2000xi32, #tpu.memory_space<vmem>> -> memref<80xi32, #tpu.memory_space<vmem>>
        %dma_wait3A_134 = arith.constant 0 : i32
        %dma_wait3A_135 = arith.constant 0 : i32
        %dma_wait3A_136 = tpu.memref_slice %arg2[%dma_wait3A_134, %dma_wait3A_135] : memref<10240x128xf32, #tpu.memory_space<hbm>> -> memref<10240x128xf32, #tpu.memory_space<hbm>>
        tpu.wait_indirect_dma semaphore(%arg14 : memref<!tpu.dma_semaphore, #tpu.memory_space<semaphore_mem>>) src(%dma_wait3A_136 : memref<10240x128xf32, #tpu.memory_space<hbm>>) dst(%arg10 : memref<80x128xf32, #tpu.memory_space<vmem>>)
        %sub3A_137 = arith.constant 1 : i32
        %sub3A_138 = arith.subi %add3A_130, %sub3A_137 : i32
        %mul3A_139 = arith.constant 80 : i32
        %mul3A_140 = arith.muli %sub3A_138, %mul3A_139 : i32
        %dma_wait3A_141 = tpu.memref_slice %arg7[%mul3A_140] : memref<2000xi32, #tpu.memory_space<vmem>> -> memref<80xi32, #tpu.memory_space<vmem>>
        %dma_wait3A_142 = arith.constant 0 : i32
        %dma_wait3A_143 = arith.constant 0 : i32
        %dma_wait3A_144 = tpu.memref_slice %arg11[%dma_wait3A_142, %dma_wait3A_143] : memref<10240x128xf32, #tpu.memory_space<vmem_shared>> -> memref<10240x128xf32, #tpu.memory_space<vmem_shared>>
        tpu.wait_indirect_dma semaphore(%arg16 : memref<!tpu.dma_semaphore, #tpu.memory_space<semaphore_mem>>) src(%arg9 : memref<80x128xf32, #tpu.memory_space<vmem>>) dst(%dma_wait3A_144 : memref<10240x128xf32, #tpu.memory_space<vmem_shared>>)
        %add3A_145 = arith.constant 2 : i32
        %add3A_146 = arith.addi %add3A_130, %add3A_145 : i32
        %le3A_147 = arith.constant 24 : i32
        %le3A_148 = arith.cmpi sle, %add3A_146, %le3A_147 : i32
        %convert_element_type3A_149 = arith.extui %le3A_148 : i1 to i32
        %cond3A_150 = arith.constant 0 : i32
        %cond3A_151 = arith.cmpi ne, %convert_element_type3A_149, %cond3A_150 : i32
        scf.if %cond3A_151 {
          %add3A_158 = arith.constant 2 : i32
          %add3A_159 = arith.addi %add3A_130, %add3A_158 : i32
          %mul3A_160 = arith.constant 80 : i32
          %mul3A_161 = arith.muli %add3A_159, %mul3A_160 : i32
          %dma_start3A_162 = tpu.memref_slice %arg6[%mul3A_161] : memref<2000xi32, #tpu.memory_space<vmem>> -> memref<80xi32, #tpu.memory_space<vmem>>
          %dma_start3A_163 = arith.constant 0 : i32
          %dma_start3A_164 = arith.constant 0 : i32
          %dma_start3A_165 = tpu.memref_slice %arg2[%dma_start3A_163, %dma_start3A_164] : memref<10240x128xf32, #tpu.memory_space<hbm>> -> memref<10240x128xf32, #tpu.memory_space<hbm>>
          tpu.enqueue_indirect_dma source(%dma_start3A_165 : memref<10240x128xf32, #tpu.memory_space<hbm>>) target(%arg9 : memref<80x128xf32, #tpu.memory_space<vmem>>) offsets(%dma_start3A_162 : memref<80xi32, #tpu.memory_space<vmem>>) semaphore(%arg13 : memref<!tpu.dma_semaphore, #tpu.memory_space<semaphore_mem>>)
        } else {
        }
        %mul3A_152 = arith.constant 80 : i32
        %mul3A_153 = arith.muli %add3A_130, %mul3A_152 : i32
        %dma_start3A_154 = tpu.memref_slice %arg7[%mul3A_153] : memref<2000xi32, #tpu.memory_space<vmem>> -> memref<80xi32, #tpu.memory_space<vmem>>
        %dma_start3A_155 = arith.constant 0 : i32
        %dma_start3A_156 = arith.constant 0 : i32
        %dma_start3A_157 = tpu.memref_slice %arg11[%dma_start3A_155, %dma_start3A_156] : memref<10240x128xf32, #tpu.memory_space<vmem_shared>> -> memref<10240x128xf32, #tpu.memory_space<vmem_shared>>
        tpu.enqueue_indirect_dma source(%arg10 : memref<80x128xf32, #tpu.memory_space<vmem>>) target(%dma_start3A_157 : memref<10240x128xf32, #tpu.memory_space<vmem_shared>>) offsets(%dma_start3A_154 : memref<80xi32, #tpu.memory_space<vmem>>) semaphore(%arg17 : memref<!tpu.dma_semaphore, #tpu.memory_space<semaphore_mem>>) {add = true}
      }
      %scan3A_52 = arith.constant 8 : i32
      %dma_wait3A = arith.constant 1920 : i32
      %dma_wait3A_53 = tpu.memref_slice %arg6[%dma_wait3A] : memref<2000xi32, #tpu.memory_space<vmem>> -> memref<80xi32, #tpu.memory_space<vmem>>
      %dma_wait3A_54 = arith.constant 0 : i32
      %dma_wait3A_55 = arith.constant 0 : i32
      %dma_wait3A_56 = tpu.memref_slice %arg2[%dma_wait3A_54, %dma_wait3A_55] : memref<10240x128xf32, #tpu.memory_space<hbm>> -> memref<10240x128xf32, #tpu.memory_space<hbm>>
      tpu.wait_indirect_dma semaphore(%arg12 : memref<!tpu.dma_semaphore, #tpu.memory_space<semaphore_mem>>) src(%dma_wait3A_56 : memref<10240x128xf32, #tpu.memory_space<hbm>>) dst(%arg8 : memref<80x128xf32, #tpu.memory_space<vmem>>)
      %dma_wait3A_57 = arith.constant 1840 : i32
      %dma_wait3A_58 = tpu.memref_slice %arg7[%dma_wait3A_57] : memref<2000xi32, #tpu.memory_space<vmem>> -> memref<80xi32, #tpu.memory_space<vmem>>
      %dma_wait3A_59 = arith.constant 0 : i32
      %dma_wait3A_60 = arith.constant 0 : i32
      %dma_wait3A_61 = tpu.memref_slice %arg11[%dma_wait3A_59, %dma_wait3A_60] : memref<10240x128xf32, #tpu.memory_space<vmem_shared>> -> memref<10240x128xf32, #tpu.memory_space<vmem_shared>>
      tpu.wait_indirect_dma semaphore(%arg17 : memref<!tpu.dma_semaphore, #tpu.memory_space<semaphore_mem>>) src(%arg10 : memref<80x128xf32, #tpu.memory_space<vmem>>) dst(%dma_wait3A_61 : memref<10240x128xf32, #tpu.memory_space<vmem_shared>>)
      %dma_start3A_62 = arith.constant 1920 : i32
      %dma_start3A_63 = tpu.memref_slice %arg7[%dma_start3A_62] : memref<2000xi32, #tpu.memory_space<vmem>> -> memref<80xi32, #tpu.memory_space<vmem>>
      %dma_start3A_64 = arith.constant 0 : i32
      %dma_start3A_65 = arith.constant 0 : i32
      %dma_start3A_66 = tpu.memref_slice %arg11[%dma_start3A_64, %dma_start3A_65] : memref<10240x128xf32, #tpu.memory_space<vmem_shared>> -> memref<10240x128xf32, #tpu.memory_space<vmem_shared>>
      tpu.enqueue_indirect_dma source(%arg8 : memref<80x128xf32, #tpu.memory_space<vmem>>) target(%dma_start3A_66 : memref<10240x128xf32, #tpu.memory_space<vmem_shared>>) offsets(%dma_start3A_63 : memref<80xi32, #tpu.memory_space<vmem>>) semaphore(%arg15 : memref<!tpu.dma_semaphore, #tpu.memory_space<semaphore_mem>>) {add = true}
      %dma_wait3A_67 = arith.constant 1920 : i32
      %dma_wait3A_68 = tpu.memref_slice %arg7[%dma_wait3A_67] : memref<2000xi32, #tpu.memory_space<vmem>> -> memref<80xi32, #tpu.memory_space<vmem>>
      %dma_wait3A_69 = arith.constant 0 : i32
      %dma_wait3A_70 = arith.constant 0 : i32
      %dma_wait3A_71 = tpu.memref_slice %arg11[%dma_wait3A_69, %dma_wait3A_70] : memref<10240x128xf32, #tpu.memory_space<vmem_shared>> -> memref<10240x128xf32, #tpu.memory_space<vmem_shared>>
      tpu.wait_indirect_dma semaphore(%arg15 : memref<!tpu.dma_semaphore, #tpu.memory_space<semaphore_mem>>) src(%arg8 : memref<80x128xf32, #tpu.memory_space<vmem>>) dst(%dma_wait3A_71 : memref<10240x128xf32, #tpu.memory_space<vmem_shared>>)
    }
    %scan3A_30 = arith.constant 5 : i32
    %barrier3A_31 = arith.constant 0 : index
    tpu.barrier barrier_id(%barrier3A_31)
    "tpu.region"() ({
      %run_scoped3A = tpu.sem_alloc : memref<!tpu.dma_semaphore, #tpu.memory_space<semaphore_mem>>
      %dma_start3A = arith.constant 0 : i32
      %dma_start3A_32 = tpu.memref_slice %arg5[%arg0, %mul3A_8, %dma_start3A] : memref<2x10240x128xf32, #tpu.memory_space<hbm>> -> memref<1x640x128xf32, #tpu.memory_space<hbm>>
      %dma_start3A_33 = tpu.memref_squeeze %dma_start3A_32 : memref<1x640x128xf32, #tpu.memory_space<hbm>> -> memref<640x128xf32, #tpu.memory_space<hbm>>
      %dma_start3A_34 = arith.constant 0 : i32
      %dma_start3A_35 = tpu.memref_slice %arg11[%mul3A_8, %dma_start3A_34] : memref<10240x128xf32, #tpu.memory_space<vmem_shared>> -> memref<640x128xf32, #tpu.memory_space<vmem_shared>>
      tpu.enqueue_dma source(%dma_start3A_35 : memref<640x128xf32, #tpu.memory_space<vmem_shared>>) target(%dma_start3A_33 : memref<640x128xf32, #tpu.memory_space<hbm>>) target_semaphore(%run_scoped3A : memref<!tpu.dma_semaphore, #tpu.memory_space<semaphore_mem>>)
      %dma_wait3A = arith.constant 0 : i32
      %dma_wait3A_36 = tpu.memref_slice %arg5[%arg0, %mul3A_8, %dma_wait3A] : memref<2x10240x128xf32, #tpu.memory_space<hbm>> -> memref<1x640x128xf32, #tpu.memory_space<hbm>>
      %dma_wait3A_37 = tpu.memref_squeeze %dma_wait3A_36 : memref<1x640x128xf32, #tpu.memory_space<hbm>> -> memref<640x128xf32, #tpu.memory_space<hbm>>
      %dma_wait3A_38 = arith.constant 0 : i32
      %dma_wait3A_39 = tpu.memref_slice %arg11[%mul3A_8, %dma_wait3A_38] : memref<10240x128xf32, #tpu.memory_space<vmem_shared>> -> memref<640x128xf32, #tpu.memory_space<vmem_shared>>
      tpu.wait_dma2 semaphore(%run_scoped3A : memref<!tpu.dma_semaphore, #tpu.memory_space<semaphore_mem>>) src(%dma_wait3A_39 : memref<640x128xf32, #tpu.memory_space<vmem_shared>>) dst(%dma_wait3A_37 : memref<640x128xf32, #tpu.memory_space<hbm>>)
      tpu.yield
    }) : () -> ()
    return
  }
}

module attributes {stable_mosaic.version = 14 : i64} {
  func.func @_dense1_body(%arg0: i32, %arg1: memref<2x2560x128xf32, #tpu.memory_space<vmem>>, %arg2: memref<32x2560xf32, #tpu.memory_space<vmem>>, %arg3: memref<2560x128xf32, #tpu.memory_space<vmem>>, %arg4: memref<128x128xf32, #tpu.memory_space<vmem>>, %arg5: memref<1x128xf32, #tpu.memory_space<vmem>>, %arg6: memref<128x128xf32, #tpu.memory_space<vmem>>, %arg7: memref<2560x128xf32, #tpu.memory_space<vmem>>, %arg8: memref<2560x1xf32, #tpu.memory_space<vmem>>) attributes {dimension_semantics = [#tpu.dimension_semantics<arbitrary>], iteration_bounds = array<i64: 4>, scalar_prefetch = 0 : i64, scratch_operands = 0 : i64, tpu.core_type = #tpu.core_type<tc>, window_params = [{transform_indices = @transform_0, window_bounds = array<i64: 2, 2560, 128>}, {transform_indices = @transform_1, window_bounds = array<i64: 32, 2560>}, {transform_indices = @transform_2, window_bounds = array<i64: 2560, 128>}, {pipeline_mode = #tpu.pipeline_mode<synchronous>, transform_indices = @transform_3, window_bounds = array<i64: 128, 128>}, {pipeline_mode = #tpu.pipeline_mode<synchronous>, transform_indices = @transform_4, window_bounds = array<i64: 1, 128>}, {pipeline_mode = #tpu.pipeline_mode<synchronous>, transform_indices = @transform_5, window_bounds = array<i64: 128, 128>}, {transform_indices = @transform_6, window_bounds = array<i64: 2560, 128>}, {transform_indices = @transform_7, window_bounds = array<i64: 2560, 1>}]} {
    %get3A = arith.constant 0 : index
    %get3A_0 = arith.constant 0 : index
    %get3A_1 = arith.constant 0 : index
    %get3A_2 = vector.load %arg1[%get3A, %get3A_0, %get3A_1] : memref<2x2560x128xf32, #tpu.memory_space<vmem>>, vector<1x2560x128xf32>
    %get3A_3 = vector.shape_cast %get3A_2 : vector<1x2560x128xf32> to vector<2560x128xf32>
    %get3A_4 = arith.constant 1 : index
    %get3A_5 = arith.constant 0 : index
    %get3A_6 = arith.constant 0 : index
    %get3A_7 = vector.load %arg1[%get3A_4, %get3A_5, %get3A_6] : memref<2x2560x128xf32, #tpu.memory_space<vmem>>, vector<1x2560x128xf32>
    %get3A_8 = vector.shape_cast %get3A_7 : vector<1x2560x128xf32> to vector<2560x128xf32>
    %add3A = arith.addf %get3A_3, %get3A_8 : vector<2560x128xf32>
    %get3A_9 = arith.constant 0 : index
    %get3A_10 = arith.constant 0 : index
    %get3A_11 = vector.load %arg2[%get3A_9, %get3A_10] : memref<32x2560xf32, #tpu.memory_space<vmem>>, vector<32x2560xf32>
    %broadcast_in_dim3A = arith.constant 1.000000e+00 : f32
    %broadcast_in_dim3A_12 = vector.broadcast %broadcast_in_dim3A : f32 to vector<32x1xf32>
    %dot_general3A = arith.constant dense<0.000000e+00> : vector<2560x1xf32>
    %dot_general3A_13 = tpu.matmul %get3A_11, %broadcast_in_dim3A_12, %dot_general3A {dimension_numbers = #tpu.dot_dimension_numbers<[0], [0], [1], [1], [0, 1, 1, 1], [], []>, transpose_lhs_hint = false} : vector<32x2560xf32>, vector<32x1xf32>, vector<2560x1xf32> -> vector<2560x1xf32>
    %max3A = arith.constant 1.000000e+00 : f32
    %max3A_14 = vector.broadcast %max3A : f32 to vector<2560x1xf32>
    %max3A_15 = arith.maximumf %dot_general3A_13, %max3A_14 : vector<2560x1xf32>
    %div3A = arith.constant 1.000000e+00 : f32
    %div3A_16 = vector.broadcast %div3A : f32 to vector<2560x1xf32>
    %div3A_17 = arith.divf %div3A_16, %max3A_15 : vector<2560x1xf32>
    %mul3A = vector.broadcast %div3A_17 : vector<2560x1xf32> to vector<2560x128xf32>
    %mul3A_18 = arith.mulf %add3A, %mul3A : vector<2560x128xf32>
    %get3A_19 = arith.constant 0 : index
    %get3A_20 = arith.constant 0 : index
    %get3A_21 = vector.load %arg4[%get3A_19, %get3A_20] : memref<128x128xf32, #tpu.memory_space<vmem>>, vector<128x128xf32>
    %dot_general3A_22 = arith.constant dense<0.000000e+00> : vector<2560x128xf32>
    %dot_general3A_23 = tpu.matmul %mul3A_18, %get3A_21, %dot_general3A_22 {dimension_numbers = #tpu.dot_dimension_numbers<[1], [1], [0], [0], [0, 0, 1, 0], [], []>, transpose_lhs_hint = false} : vector<2560x128xf32>, vector<128x128xf32>, vector<2560x128xf32> -> vector<2560x128xf32>
    %get3A_24 = arith.constant 0 : index
    %get3A_25 = arith.constant 0 : index
    %get3A_26 = vector.load %arg5[%get3A_24, %get3A_25] : memref<1x128xf32, #tpu.memory_space<vmem>>, vector<1x128xf32>
    %add3A_27 = vector.broadcast %get3A_26 : vector<1x128xf32> to vector<2560x128xf32>
    %add3A_28 = arith.addf %dot_general3A_23, %add3A_27 : vector<2560x128xf32>
    %get3A_29 = arith.constant 0 : index
    %get3A_30 = arith.constant 0 : index
    %get3A_31 = vector.load %arg3[%get3A_29, %get3A_30] : memref<2560x128xf32, #tpu.memory_space<vmem>>, vector<2560x128xf32>
    %get3A_32 = arith.constant 0 : index
    %get3A_33 = arith.constant 0 : index
    %get3A_34 = vector.load %arg6[%get3A_32, %get3A_33] : memref<128x128xf32, #tpu.memory_space<vmem>>, vector<128x128xf32>
    %dot_general3A_35 = arith.constant dense<0.000000e+00> : vector<2560x128xf32>
    %dot_general3A_36 = tpu.matmul %get3A_31, %get3A_34, %dot_general3A_35 {dimension_numbers = #tpu.dot_dimension_numbers<[1], [1], [0], [0], [0, 0, 1, 0], [], []>, transpose_lhs_hint = false} : vector<2560x128xf32>, vector<128x128xf32>, vector<2560x128xf32> -> vector<2560x128xf32>
    %add3A_37 = arith.addf %add3A_28, %dot_general3A_36 : vector<2560x128xf32>
    %max3A_38 = arith.constant 0.000000e+00 : f32
    %max3A_39 = vector.broadcast %max3A_38 : f32 to vector<2560x128xf32>
    %max3A_40 = arith.maximumf %add3A_37, %max3A_39 : vector<2560x128xf32>
    %swap3A = arith.constant 0 : index
    %swap3A_41 = arith.constant 0 : index
    %swap3A_42 = vector.load %arg7[%swap3A, %swap3A_41] : memref<2560x128xf32, #tpu.memory_space<vmem>>, vector<2560x128xf32>
    tpu.vector_store %arg7[%swap3A, %swap3A_41], %max3A_40 {strides = array<i32>} : memref<2560x128xf32, #tpu.memory_space<vmem>>, vector<2560x128xf32>,
    %swap3A_43 = arith.constant 0 : index
    %swap3A_44 = arith.constant 0 : index
    %swap3A_45 = vector.load %arg8[%swap3A_43, %swap3A_44] : memref<2560x1xf32, #tpu.memory_space<vmem>>, vector<2560x1xf32>
    tpu.vector_store %arg8[%swap3A_43, %swap3A_44], %div3A_17 {strides = array<i32>} : memref<2560x1xf32, #tpu.memory_space<vmem>>, vector<2560x1xf32>,
    return
  }
  func.func @transform_0(%arg0: i32) -> (i32, i32, i32) {
    %c0_i32 = arith.constant 0 : i32
    %c0_i32_0 = arith.constant 0 : i32
    %c0_i32_1 = arith.constant 0 : i32
    return %c0_i32, %arg0, %c0_i32_0 : i32, i32, i32
  }
  func.func @transform_1(%arg0: i32) -> (i32, i32) {
    %c0_i32 = arith.constant 0 : i32
    %c0_i32_0 = arith.constant 0 : i32
    return %c0_i32, %arg0 : i32, i32
  }
  func.func @transform_2(%arg0: i32) -> (i32, i32) {
    %c0_i32 = arith.constant 0 : i32
    %c0_i32_0 = arith.constant 0 : i32
    return %arg0, %c0_i32 : i32, i32
  }
  func.func @transform_3(%arg0: i32) -> (i32, i32) {
    %c0_i32 = arith.constant 0 : i32
    %c0_i32_0 = arith.constant 0 : i32
    %c0_i32_1 = arith.constant 0 : i32
    return %c0_i32, %c0_i32_0 : i32, i32
  }
  func.func @transform_4(%arg0: i32) -> (i32, i32) {
    %c0_i32 = arith.constant 0 : i32
    %c0_i32_0 = arith.constant 0 : i32
    %c0_i32_1 = arith.constant 0 : i32
    return %c0_i32, %c0_i32_0 : i32, i32
  }
  func.func @transform_5(%arg0: i32) -> (i32, i32) {
    %c0_i32 = arith.constant 0 : i32
    %c0_i32_0 = arith.constant 0 : i32
    %c0_i32_1 = arith.constant 0 : i32
    return %c0_i32, %c0_i32_0 : i32, i32
  }
  func.func @transform_6(%arg0: i32) -> (i32, i32) {
    %c0_i32 = arith.constant 0 : i32
    %c0_i32_0 = arith.constant 0 : i32
    return %arg0, %c0_i32 : i32, i32
  }
  func.func @transform_7(%arg0: i32) -> (i32, i32) {
    %c0_i32 = arith.constant 0 : i32
    %c0_i32_0 = arith.constant 0 : i32
    return %arg0, %c0_i32 : i32, i32
  }
}

module attributes {stable_mosaic.version = 14 : i64} {
  func.func @_dense2_body(%arg0: i32, %arg1: memref<2x2560x128xf32, #tpu.memory_space<vmem>>, %arg2: memref<2560x1xf32, #tpu.memory_space<vmem>>, %arg3: memref<2560x128xf32, #tpu.memory_space<vmem>>, %arg4: memref<128x128xf32, #tpu.memory_space<vmem>>, %arg5: memref<1x128xf32, #tpu.memory_space<vmem>>, %arg6: memref<128x128xf32, #tpu.memory_space<vmem>>, %arg7: memref<2x128xf32, #tpu.memory_space<vmem>>, %arg8: memref<1x2xf32, #tpu.memory_space<vmem>>, %arg9: memref<2560x2xf32, #tpu.memory_space<vmem>>) attributes {dimension_semantics = [#tpu.dimension_semantics<arbitrary>], iteration_bounds = array<i64: 4>, scalar_prefetch = 0 : i64, scratch_operands = 0 : i64, tpu.core_type = #tpu.core_type<tc>, window_params = [{transform_indices = @transform_0, window_bounds = array<i64: 2, 2560, 128>}, {transform_indices = @transform_1, window_bounds = array<i64: 2560, 1>}, {transform_indices = @transform_2, window_bounds = array<i64: 2560, 128>}, {pipeline_mode = #tpu.pipeline_mode<synchronous>, transform_indices = @transform_3, window_bounds = array<i64: 128, 128>}, {pipeline_mode = #tpu.pipeline_mode<synchronous>, transform_indices = @transform_4, window_bounds = array<i64: 1, 128>}, {pipeline_mode = #tpu.pipeline_mode<synchronous>, transform_indices = @transform_5, window_bounds = array<i64: 128, 128>}, {pipeline_mode = #tpu.pipeline_mode<synchronous>, transform_indices = @transform_6, window_bounds = array<i64: 2, 128>}, {pipeline_mode = #tpu.pipeline_mode<synchronous>, transform_indices = @transform_7, window_bounds = array<i64: 1, 2>}, {transform_indices = @transform_8, window_bounds = array<i64: 2560, 2>}]} {
    %get3A = arith.constant 0 : index
    %get3A_0 = arith.constant 0 : index
    %get3A_1 = arith.constant 0 : index
    %get3A_2 = vector.load %arg1[%get3A, %get3A_0, %get3A_1] : memref<2x2560x128xf32, #tpu.memory_space<vmem>>, vector<1x2560x128xf32>
    %get3A_3 = vector.shape_cast %get3A_2 : vector<1x2560x128xf32> to vector<2560x128xf32>
    %get3A_4 = arith.constant 1 : index
    %get3A_5 = arith.constant 0 : index
    %get3A_6 = arith.constant 0 : index
    %get3A_7 = vector.load %arg1[%get3A_4, %get3A_5, %get3A_6] : memref<2x2560x128xf32, #tpu.memory_space<vmem>>, vector<1x2560x128xf32>
    %get3A_8 = vector.shape_cast %get3A_7 : vector<1x2560x128xf32> to vector<2560x128xf32>
    %add3A = arith.addf %get3A_3, %get3A_8 : vector<2560x128xf32>
    %get3A_9 = arith.constant 0 : index
    %get3A_10 = arith.constant 0 : index
    %get3A_11 = vector.load %arg2[%get3A_9, %get3A_10] : memref<2560x1xf32, #tpu.memory_space<vmem>>, vector<2560x1xf32>
    %mul3A = vector.broadcast %get3A_11 : vector<2560x1xf32> to vector<2560x128xf32>
    %mul3A_12 = arith.mulf %add3A, %mul3A : vector<2560x128xf32>
    %get3A_13 = arith.constant 0 : index
    %get3A_14 = arith.constant 0 : index
    %get3A_15 = vector.load %arg4[%get3A_13, %get3A_14] : memref<128x128xf32, #tpu.memory_space<vmem>>, vector<128x128xf32>
    %dot_general3A = arith.constant dense<0.000000e+00> : vector<2560x128xf32>
    %dot_general3A_16 = tpu.matmul %mul3A_12, %get3A_15, %dot_general3A {dimension_numbers = #tpu.dot_dimension_numbers<[1], [1], [0], [0], [0, 0, 1, 0], [], []>, transpose_lhs_hint = false} : vector<2560x128xf32>, vector<128x128xf32>, vector<2560x128xf32> -> vector<2560x128xf32>
    %get3A_17 = arith.constant 0 : index
    %get3A_18 = arith.constant 0 : index
    %get3A_19 = vector.load %arg5[%get3A_17, %get3A_18] : memref<1x128xf32, #tpu.memory_space<vmem>>, vector<1x128xf32>
    %add3A_20 = vector.broadcast %get3A_19 : vector<1x128xf32> to vector<2560x128xf32>
    %add3A_21 = arith.addf %dot_general3A_16, %add3A_20 : vector<2560x128xf32>
    %get3A_22 = arith.constant 0 : index
    %get3A_23 = arith.constant 0 : index
    %get3A_24 = vector.load %arg3[%get3A_22, %get3A_23] : memref<2560x128xf32, #tpu.memory_space<vmem>>, vector<2560x128xf32>
    %get3A_25 = arith.constant 0 : index
    %get3A_26 = arith.constant 0 : index
    %get3A_27 = vector.load %arg6[%get3A_25, %get3A_26] : memref<128x128xf32, #tpu.memory_space<vmem>>, vector<128x128xf32>
    %dot_general3A_28 = arith.constant dense<0.000000e+00> : vector<2560x128xf32>
    %dot_general3A_29 = tpu.matmul %get3A_24, %get3A_27, %dot_general3A_28 {dimension_numbers = #tpu.dot_dimension_numbers<[1], [1], [0], [0], [0, 0, 1, 0], [], []>, transpose_lhs_hint = false} : vector<2560x128xf32>, vector<128x128xf32>, vector<2560x128xf32> -> vector<2560x128xf32>
    %add3A_30 = arith.addf %add3A_21, %dot_general3A_29 : vector<2560x128xf32>
    %get3A_31 = arith.constant 0 : index
    %get3A_32 = arith.constant 0 : index
    %get3A_33 = vector.load %arg7[%get3A_31, %get3A_32] : memref<2x128xf32, #tpu.memory_space<vmem>>, vector<2x128xf32>
    %dot_general3A_34 = arith.constant dense<0.000000e+00> : vector<2560x2xf32>
    %dot_general3A_35 = tpu.matmul %add3A_30, %get3A_33, %dot_general3A_34 {dimension_numbers = #tpu.dot_dimension_numbers<[1], [1], [0], [0], [0, 0, 1, 0], [], []>, transpose_lhs_hint = false} : vector<2560x128xf32>, vector<2x128xf32>, vector<2560x2xf32> -> vector<2560x2xf32>
    %get3A_36 = arith.constant 0 : index
    %get3A_37 = arith.constant 0 : index
    %get3A_38 = vector.load %arg8[%get3A_36, %get3A_37] : memref<1x2xf32, #tpu.memory_space<vmem>>, vector<1x2xf32>
    %add3A_39 = vector.broadcast %get3A_38 : vector<1x2xf32> to vector<2560x2xf32>
    %add3A_40 = arith.addf %dot_general3A_35, %add3A_39 : vector<2560x2xf32>
    %swap3A = arith.constant 0 : index
    %swap3A_41 = arith.constant 0 : index
    %swap3A_42 = vector.load %arg9[%swap3A, %swap3A_41] : memref<2560x2xf32, #tpu.memory_space<vmem>>, vector<2560x2xf32>
    tpu.vector_store %arg9[%swap3A, %swap3A_41], %add3A_40 {strides = array<i32>} : memref<2560x2xf32, #tpu.memory_space<vmem>>, vector<2560x2xf32>,
    return
  }
  func.func @transform_0(%arg0: i32) -> (i32, i32, i32) {
    %c0_i32 = arith.constant 0 : i32
    %c0_i32_0 = arith.constant 0 : i32
    %c0_i32_1 = arith.constant 0 : i32
    return %c0_i32, %arg0, %c0_i32_0 : i32, i32, i32
  }
  func.func @transform_1(%arg0: i32) -> (i32, i32) {
    %c0_i32 = arith.constant 0 : i32
    %c0_i32_0 = arith.constant 0 : i32
    return %arg0, %c0_i32 : i32, i32
  }
  func.func @transform_2(%arg0: i32) -> (i32, i32) {
    %c0_i32 = arith.constant 0 : i32
    %c0_i32_0 = arith.constant 0 : i32
    return %arg0, %c0_i32 : i32, i32
  }
  func.func @transform_3(%arg0: i32) -> (i32, i32) {
    %c0_i32 = arith.constant 0 : i32
    %c0_i32_0 = arith.constant 0 : i32
    %c0_i32_1 = arith.constant 0 : i32
    return %c0_i32, %c0_i32_0 : i32, i32
  }
  func.func @transform_4(%arg0: i32) -> (i32, i32) {
    %c0_i32 = arith.constant 0 : i32
    %c0_i32_0 = arith.constant 0 : i32
    %c0_i32_1 = arith.constant 0 : i32
    return %c0_i32, %c0_i32_0 : i32, i32
  }
  func.func @transform_5(%arg0: i32) -> (i32, i32) {
    %c0_i32 = arith.constant 0 : i32
    %c0_i32_0 = arith.constant 0 : i32
    %c0_i32_1 = arith.constant 0 : i32
    return %c0_i32, %c0_i32_0 : i32, i32
  }
  func.func @transform_6(%arg0: i32) -> (i32, i32) {
    %c0_i32 = arith.constant 0 : i32
    %c0_i32_0 = arith.constant 0 : i32
    %c0_i32_1 = arith.constant 0 : i32
    return %c0_i32, %c0_i32_0 : i32, i32
  }
  func.func @transform_7(%arg0: i32) -> (i32, i32) {
    %c0_i32 = arith.constant 0 : i32
    %c0_i32_0 = arith.constant 0 : i32
    %c0_i32_1 = arith.constant 0 : i32
    return %c0_i32, %c0_i32_0 : i32, i32
  }
  func.func @transform_8(%arg0: i32) -> (i32, i32) {
    %c0_i32 = arith.constant 0 : i32
    %c0_i32_0 = arith.constant 0 : i32
    return %arg0, %c0_i32 : i32, i32
  }
}

</mosaic_0001>

<sc_bundles>
// kernel: kernel.10.cloned.1.call-start
scs
__scs_entry_jumppad:
0x0: {  	(pc) =	sbr.rel $0x88, $3  }
0x1: {  	(tag) =	ssettag $0x0;
	lr =	simm.s32 $0x1  }
0x2: {  	[smem:$0x3F97] =	sst lr;
	_ =	strace $0xD0000000  }
0x3: {  	_ = 	snop  }
0x4: {  	_ = 	snop  }
0x5: {  	_ = 	snop  }
0x6: {  	_ = 	snop  }
0x7: {  	_ = 	snop  }
__scs_overlays_trampoline_lowered:
0x8: {  	[smem:$0x3FA6] =	sst s0  }
0x9: {  	[smem:$0x3FA7] =	sst s1  }
0xa: {  	[smem:$0x3FA8] =	sst s2  }
0xb: {  	[smem:$0x3FA9] =	sst s3  }
0xc: {  	[smem:$0x3FAA] =	sst s4  }
0xd: {  	[smem:$0x3FAB] =	sst s5  }
0xe: {  	[smem:$0x3FAC] =	sst s6  }
0xf: {  	[smem:$0x3FAD] =	sst s7  }
0x10: {  	[smem:$0x3FAE] =	sst s8  }
0x11: {  	[smem:$0x3FAF] =	sst s9;
	s0 =	simm.s32 @!p0 $0x0  }
0x12: {  	s1 =	sld [smem:$0x3F95];
	s0 =	simm.s32 @p0 $0x1  }
0x13: {  	[smem:$0x3FB0] =	sst s0;
	s0 =	simm.s32 @!p1 $0x0  }
0x14: {  	s2 =	sld [smem:$0x3F94];
	s0 =	simm.s32 @p1 $0x1  }
0x15: {  	[smem:$0x3FB1] =	sst s0;
	s0 =	simm.s32 @!p2 $0x0  }
0x16: {  	s3 =	sld [smem:$0x3FDB];
	s0 =	simm.s32 @p2 $0x1  }
0x17: {  	s4 =	simm.s32 $0x1BF5;
	[smem:$0x3FB3] =	sst s0  }
0x18: {  	s0 =	sld [smem:$0x3F96];
	_ =	swait.ge [sflag:s4], $0x0  }
0x19: {  	s7 =	sld [smem:$0x3F97]  }
0x1a: {  	s8 =	sadd.s32 $0xFFFFE003, lr  }
0x1b: {  	s9 =	sadd.s32 $0xFFFFFEF7, lr;
	s5 =	simm.s32 $0xFFFFFFFF;
	p2 =	slt.u32 s8, $0xFFFFF086  }
0x1c: {  	p1 =	slt.u32 s9, $0xF7A;
	s5 =	simm.s32 @!p2 $0x0  }
0x1d: {  	s5 =	simm.s32 @p1 $0x1;
	p0 =	seq.s32 s7, s2  }
0x1e: {  	s7 =	smul.u32 @!p0 $0xF7A, s2;
	p2 =	seq.s32 @!p0 s5, $0x0  }
0x1f: {  	s9 =	smul.u32 $0xF7A, s1;
	s8 =	simm.s32 @!p0 $0x1BF5;
	p2 =	por !p2, p0  }
0x20: {  	[sflag:s8] =	ssyncset.s32 @!p0 $0xFFFFF086;
	s6 =	sadd.s32 @!p0 s3, s7;
	s7 =	simm.s32 @!p0 $0x108  }
0x21: {  	s3 =	sadd.s32 s3, s9;
	s6 =	sadd.s32 @!p0 $0x88, s6;
	s7 =	simm.s32 @p2 $0x1082  }
0x22: {  	[simem:s7], [sflag:s8] =	dma.local @!p0 [hbm:s6], $0xF7A  }
0x23: {  	s9 =	sor.u32 $0xD0000000, s2;
	s6 =	simm.s32 $0x108;
	_ =	swait.ge @!p0 [sflag:s8], $0x0  }
0x24: {  	s3 =	sadd.s32 $0x88, s3;
	s6 =	simm.s32 @!p1 $0x1082;
	[sflag:s4] =	ssyncset.s32 $0xFFFFF086  }
0x25: {  	[simem:s6], [sflag:s4] =	dma.local [hbm:s3], $0xF7A  }
0x26: {  	[smem:$0x3F97] =	sst s1;
	(tag) =	ssettag s2;
	_ =	strace s9  }
0x27: {  	s1 =	sld [smem:$0x3FA7]  }
0x28: {  	s2 =	sld [smem:$0x3FA8]  }
0x29: {  	s4 =	sld [smem:$0x3FAA]  }
0x2a: {  	p0 =	seq.s32 s5, $0x0;
	s5 =	sld [smem:$0x3FAB]  }
0x2b: {  	s6 =	sld [smem:$0x3FAC]  }
0x2c: {  	s7 =	sld [smem:$0x3FAD]  }
0x2d: {  	s3 =	simm.s32 $0x108;
	s8 =	sld [smem:$0x3FAE]  }
0x2e: {  	s3 =	simm.s32 @!p0 $0x1082;
	s9 =	sld [smem:$0x3FAF]  }
0x2f: {  	lr =	sadd.s32 s0, s3;
	s0 =	sld [smem:$0x3FA6]  }
0x30: {  	s3 =	sld [smem:$0x3FA9]  }
0x31: {  	[smem:$0x3FB2] =	sst s10  }
0x32: {  	s10 =	sld [smem:$0x3FB0];
	_ =	sdelay $0x3  }
0x33: {  	p0 =	seq.s32 s10, $0x1;
	s10 =	sld [smem:$0x3FB2];
	_ =	sdelay $0x3  }
0x34: {  	[smem:$0x3FB2] =	sst s10  }
0x35: {  	s10 =	sld [smem:$0x3FB1];
	_ =	sdelay $0x3  }
0x36: {  	p1 =	seq.s32 s10, $0x1;
	s10 =	sld [smem:$0x3FB2];
	_ =	sdelay $0x3  }
0x37: {  	[smem:$0x3FB2] =	sst s10  }
0x38: {  	s10 =	sld [smem:$0x3FB3]  }
0x39: {  	_ = 	snop;
	(pc) =	sbr.ind lr, $3  }
0x3a: {  	_ = 	snop  }
0x3b: {  	_ = 	snop  }
0x3c: {  	p2 =	seq.s32 s10, $0x1;
	s10 =	sld [smem:$0x3FB2]  }
0x3d: {  	_ =	shalt  }
0x3e: {  	_ =	shalt  }
0x3f: {  	_ =	shalt  }
0x40: {  	_ =	shalt  }
0x41: {  	_ =	shalt  }
0x42: {  	_ =	shalt  }
0x43: {  	_ =	shalt  }
0x44: {  	_ =	shalt  }
0x45: {  	_ =	shalt  }
0x46: {  	_ =	shalt  }
0x47: {  	_ =	shalt  }
0x48: {  	_ =	shalt  }
0x49: {  	_ =	shalt  }
0x4a: {  	_ =	shalt  }
0x4b: {  	_ =	shalt  }
0x4c: {  	_ =	shalt  }
0x4d: {  	_ =	shalt  }
0x4e: {  	_ =	shalt  }
0x4f: {  	_ =	shalt  }
0x50: {  	_ =	shalt  }
0x51: {  	_ =	shalt  }
0x52: {  	_ =	shalt  }
0x53: {  	_ =	shalt  }
0x54: {  	_ =	shalt  }
0x55: {  	_ =	shalt  }
0x56: {  	_ =	shalt  }
0x57: {  	_ =	shalt  }
0x58: {  	_ =	shalt  }
0x59: {  	_ =	shalt  }
0x5a: {  	_ =	shalt  }
0x5b: {  	_ =	shalt  }
0x5c: {  	_ =	shalt  }
0x5d: {  	_ =	shalt  }
0x5e: {  	_ =	shalt  }
0x5f: {  	_ =	shalt  }
0x60: {  	_ =	shalt  }
0x61: {  	_ =	shalt  }
0x62: {  	_ =	shalt  }
0x63: {  	_ =	shalt  }
0x64: {  	_ =	shalt  }
0x65: {  	_ =	shalt  }
0x66: {  	_ =	shalt  }
0x67: {  	_ =	shalt  }
0x68: {  	_ =	shalt  }
0x69: {  	_ =	shalt  }
0x6a: {  	_ =	shalt  }
0x6b: {  	_ =	shalt  }
0x6c: {  	_ =	shalt  }
0x6d: {  	_ =	shalt  }
0x6e: {  	_ =	shalt  }
0x6f: {  	_ =	shalt  }
0x70: {  	_ =	shalt  }
0x71: {  	_ =	shalt  }
0x72: {  	_ =	shalt  }
0x73: {  	_ =	shalt  }
0x74: {  	_ =	shalt  }
0x75: {  	_ =	shalt  }
0x76: {  	_ =	shalt  }
0x77: {  	_ =	shalt  }
0x78: {  	_ =	shalt  }
0x79: {  	_ =	shalt  }
0x7a: {  	_ =	shalt  }
0x7b: {  	_ =	shalt  }
0x7c: {  	_ =	shalt  }
0x7d: {  	_ =	shalt  }
0x7e: {  	_ =	shalt  }
0x7f: {  	_ =	shalt  }
0x80: {  	_ =	shalt  }
0x81: {  	_ =	shalt  }
0x82: {  	_ =	shalt  }
0x83: {  	_ =	shalt  }
0x84: {  	_ =	shalt  }
0x85: {  	_ =	shalt  }
0x86: {  	_ =	shalt  }
0x87: {  	_ =	shalt  }
.Lfunc_end0:
.L_simem_size_0:
called_computation.1_lowered:
.L_overlay_start_0:
0x88: {  	s2 =	sld [smem:$0x3FD9]  }
0x89: {  	s3 =	sld [smem:$0x3FFE];
	_ =	sdelay $0x1  }
0x8a: {  	s1 =	srdreg.scid  }
0x8b: {  	s0 =	sand.u32 $0x1, s1  }
0x8c: {  	s17 =	sshll.u32 s0, $0xA;
	s2 =	sadd.s32 s3, s2  }
0x8d: {  	s2 =	sadd.s32 s2, s17  }
0x8e: {  	[smem:$0x3FBE] =	sst s2  }
0x8f: {  	_ = 	snop  }
0x90: {  	s18 =	sld [smem:$0x3FC9];
	(tm) =	ssettm $0x1  }
0x91: {  	s19 =	sld [smem:$0x3FFB];
	_ =	sdelay $0x3  }
0x92: {  	_ =	strace s19  }
0x93: {  	s2 =	sld [smem:$0x3FFC];
	_ =	sdelay $0x3  }
0x94: {  	_ =	strace s2  }
0x95: {  	s2 =	sld [smem:$0x3FFD];
	_ =	sdelay $0x3  }
0x96: {  	_ =	strace s2  }
0x97: {  	_ =	strace $0x8FFFFFFF  }
0x98: {  	s20 =	sld [smem:$0x3FDB];
	_ =	sdelay $0x1  }
0x99: {  	s4 =	simm.s32 $_scs_section_size  }
0x9a: {  	s5 =	simm.s32 $_size__tile_overlayer_lowered;
	s6 =	simm.s32 $_tile_overlayer_lowered  }
0x9b: {  	s7 =	simm.s32 $0x1BFF;
	s21 =	sshll.u32 s6, $0x1;
	s4 =	sadd.s32 s4, s20  }
0x9c: {  	s22 =	simm.s32 $0x0;
	s5 =	sshll.u32 s5, $0x1;
	s6 =	sadd.s32 s21, s4  }
0x9d: {  	[timem:s22], [sflag:s7] =	dma.local [hbm:s6], s5  }
0x9e: {  	_ =	swait.ge [sflag:s7], s5  }
0x9f: {  	s5 =	ssub.s32 $0x0, s5;
	[sflag:s7] =	ssyncset.done $0x0  }
0xa0: {  	[sflag:s7] =	ssyncadd.s32 s5;
	_ =	sdelay $0x1  }
0xa1: {  	s23 =	simm.s32 $0x1B8B  }
0xa2: {  	_ =	swait.ge [sflag:s23], $0x1  }
0xa3: {  	[sflag:s23] =	ssyncset.done $0x0  }
0xa4: {  	[sflag:s23] =	ssyncadd.s32 $0xFFFFFFFF  }
0xa5: {  	s5 =	sld [smem:$0x0]  }
0xa6: {  	s6 =	sand.u32 $0xFFFFFFFE, s1  }
0xa7: {  	p0 =	sne.s32 s1, s6  }
0xa8: {  	s6 =	sshll.u32 @p0 s6, $0xE  }
0xa9: {  	s6 =	sadd.s32 @p0 $0x11B8D, s6;
	s7 =	sshll.u32 @p0 s5, $0x11  }
0xaa: {  	s6 =	sor.u32 @p0 s7, s6  }
0xab: {  	[sflag:s6] =	ssyncadd.remote.s32 @p0 $0x1;
	_ =	sdelay $0x1  }
0xac: {  	s6 =	simm.s32 @p0 $0x1B8D  }
0xad: {  	_ =	swait.eq @p0 [sflag:s6], $0x1  }
0xae: {  	[sflag:s6] =	ssyncadd.s32 @p0 $0xFFFFFFFF  }
0xaf: {  	s7 =	sshll.u32 @!p0 s1, $0xE  }
0xb0: {  	s7 =	sor.u32 @!p0 $0x4000, s7;
	s6 =	simm.s32 @!p0 $0x1B8D  }
0xb1: {  	s5 =	sshll.u32 @!p0 s5, $0x11;
	s7 =	sadd.s32 @!p0 $0x11B8D, s7;
	_ =	swait.eq @!p0 [sflag:s6], $0x1  }
0xb2: {  	s5 =	sor.u32 @!p0 s5, s7;
	[sflag:s6] =	ssyncadd.s32 @!p0 $0xFFFFFFFF  }
0xb3: {  	s25 =	simm.s32 $0x1B8E;
	s24 =	sld [smem:$0x3FFE];
	[sflag:s5] =	ssyncadd.remote.s32 @!p0 $0x1  }
0xb4: {  	s26 =	simm.s32 $execute0_lowered;
	[smem:$0x3FD2] =	sst s25  }
0xb5: {  	s6 =	sshll.u32 s26, $0x1;
	_ =	strace $0x80000049;
	[dreg:$0x1] =	wrdreg $0xFFFFFFFF  }
0xb6: {  	s28 =	simm.s32 $_size_execute0_lowered;
	s4 =	sadd.s32 s4, s6;
	[dreg:$0x0] =	wrdreg $0x0  }
0xb7: {  	s6 =	sshll.u32 s28, $0x1;
	[dreg:$0x2] =	wrdreg s4  }
0xb8: {  	[dreg:$0x3] =	wrdreg s6  }
0xb9: {  	[dreg:$0x4] =	wrdreg $0xC0  }
0xba: {  	_ =	task [dreg:s22], $0x5FFFF  }
0xbb: {  	[dreg:$0x1] =	wrdreg $0xFFFFFFFF  }
0xbc: {  	[dreg:$0x0] =	wrdreg $0x60  }
0xbd: {  	[dreg:$0x2] =	wrdreg s18  }
0xbe: {  	[dreg:$0x3] =	wrdreg s24  }
0xbf: {  	[dreg:$0x4] =	wrdreg $0x88000  }
0xc0: {  	[dreg:$0x5] =	wrdreg $0xA  }
0xc1: {  	_ =	task.clear_ibuf [dreg:s22], $0x6FFFF;
	_ =	strace $0x90000049  }
0xc2: {  	s29 =	simm.s32 $0xA;
	_ =	strace $0x8000004B  }
0xc3: {  	_ =	swait.ge [sflag:s29], $0x1  }
0xc4: {  	[sflag:s29] =	ssyncadd.s32 $0xFFFFFFFF  }
0xc5: {  	_ =	strace $0x9000004B  }
0xc6: {  	_ =	sfence  }
0xc7: {  	s30 =	sld [smem:$0x0];
	_ =	sdelay $0x2  }
0xc8: {  	s31 =	sshll.u32 s1, $0xD;
	s1 =	sshrl.u32 s1, $0x2  }
0xc9: {  	s4 =	sand.u32 $0x4000, s31;
	s1 =	sadd.s32 s1, s30  }
0xca: {  	s0 =	sor.u32 s4, s0;
	s1 =	sshll.u32 s1, $0x11  }
0xcb: {  	s0 =	sor.u32 s1, s0  }
0xcc: {  	s0 =	sadd.s32 $0x8F2B, s0  }
0xcd: {  	[sflag:s0] =	ssyncadd.remote.s32 $0x1  }
0xce: {  	_ =	sfence.sel $0xFFFF  }
0xcf: {  	[dreg:$0x0] =	wrdreg $0xFFFFFFFF;
	(pc) =	sbr.abs _section_cstart, $3  }
0xd0: {  	[dreg:$0x1] =	wrdreg $0xFFFFFFFF  }
0xd1: {  	_ =	task.clear_ibuf [dreg:s22], $0x2FFFF;
	_ =	strace $0x9FFFFFFF  }
0xd2: {  	(tm) =	ssettm $0x7FFFFFFF  }
0xd3: {  	_ =	shalt  }
tec
execute0_lowered:
.L_overlay_start_1:
0x0: {  	(tag) =	ssettag $0x1  }
0x1: {  	s0 =	srdreg.scid;
	s8 =	stileid.u32  }
0x2: {  	s0 =	sand.u32 $0x1, s0;
	s1 =	smul.u32 $0x4E20, s8  }
0x3: {  	s2 =	rddreg [dreg:$0x0];
	s4 =	smul.u32 $0x2710, s0  }
0x4: {  	s5 =	rddreg [dreg:$0x1]  }
0x5: {  	s3 =	rddreg [dreg:$0x2];
	s1 =	sadd.s32 s4, s1;
	s4 =	simm.s32 $0x0  }
0x6: {  	s19 =	simm.s32 $0xA0;
	[smem:$0x7FF] =	sst s4  }
0x7: {  	s20 =	simm.s32 $0xF0;
	_ =	strace $0x8000004A;
	[dreg:$0x6] =	wrdreg s19  }
0x8: {  	s21 =	simm.s32 $0x850;
	[dreg:$0x7] =	wrdreg s20  }
0x9: {  	s22 =	simm.s32 $0x140;
	[dreg:$0x8] =	wrdreg s21  }
0xa: {  	s23 =	simm.s32 $0x8A0;
	[dreg:$0x9] =	wrdreg s22  }
0xb: {  	s24 =	simm.s32 $0x190;
	[dreg:$0xa] =	wrdreg s23  }
0xc: {  	s26 =	simm.s32 $0x8F0;
	[dreg:$0xb] =	wrdreg s24  }
0xd: {  	s9 =	simm.s32 $0x1E0;
	[dreg:$0xc] =	wrdreg s26  }
0xe: {  	s10 =	simm.s32 $0x940;
	[dreg:$0xd] =	wrdreg s9  }
0xf: {  	s11 =	simm.s32 $0x230;
	[dreg:$0xe] =	wrdreg s10  }
0x10: {  	s12 =	simm.s32 $0x990;
	[dreg:$0xf] =	wrdreg s11  }
0x11: {  	s13 =	simm.s32 $0x280;
	[dreg:$0x10] =	wrdreg s12  }
0x12: {  	s14 =	simm.s32 $0x9E0;
	s16 =	simm.s32 $0x2D0;
	[dreg:$0x11] =	wrdreg s13  }
0x13: {  	s25 =	smul.u32 $0x140000, s0;
	s0 =	ssub.s32 $0x2, s0;
	[dreg:$0x12] =	wrdreg s14  }
0x14: {  	s18 =	simm.s32 $0xA30;
	s15 =	sshrl.u32 s0, $0x1;
	[dreg:$0x13] =	wrdreg s16  }
0x15: {  	s0 =	ssub.s32 s0, s15;
	s15 =	simm.s32 $0x460;
	[dreg:$0x14] =	wrdreg s18  }
0x16: {  	s0 =	smax.u32 s0, $0x1;
	[dreg:$0x1d] =	wrdreg s15  }
0x17: {  	s19 =	simm.s32 $0x320;
	[smem:$0x7F4] =	sst s0  }
0x18: {  	s21 =	simm.s32 $0xA80;
	[dreg:$0x15] =	wrdreg s19  }
0x19: {  	s28 =	simm.s32 $0x640;
	s22 =	simm.s32 $0x370;
	[dreg:$0x16] =	wrdreg s21  }
0x1a: {  	s29 =	simm.s32 $0xDA0;
	s24 =	simm.s32 $0xAD0;
	[dreg:$0x17] =	wrdreg s22  }
0x1b: {  	s30 =	simm.s32 $0x690;
	s26 =	simm.s32 $0x3C0;
	[dreg:$0x18] =	wrdreg s24  }
0x1c: {  	s31 =	simm.s32 $0xDF0;
	s9 =	simm.s32 $0xB20;
	[dreg:$0x19] =	wrdreg s26  }
0x1d: {  	s7 =	smul.u32 $0x14000, s8;
	s11 =	simm.s32 $0x410;
	[dreg:$0x1a] =	wrdreg s9  }
0x1e: {  	s17 =	smul.u32 $0x50000, s8;
	s13 =	simm.s32 $0xB70;
	[dreg:$0x1b] =	wrdreg s11  }
0x1f: {  	s1 =	sshrl.u32 s1, $0x3;
	s16 =	simm.s32 $0xBC0;
	[dreg:$0x1c] =	wrdreg s13  }
0x20: {  	s20 =	sshrl.u32 s17, $0x2;
	s17 =	simm.s32 $0x4B0;
	[dreg:$0x1e] =	wrdreg s16  }
0x21: {  	s1 =	sadd.s32 s1, s5;
	s18 =	simm.s32 $0xC10;
	[dreg:$0x1f] =	wrdreg s17  }
0x22: {  	s15 =	simm.s32 $0x1000;
	s6 =	sadd.s32 $0x2A00, s1;
	[smem:$0x7F5] =	sst s18  }
0x23: {  	s0 =	simm.s32 $0xE40;
	s1 =	sadd.s32 $0xC800, s1;
	[dreg:$0x4] =	wrdreg s6  }
0x24: {  	s19 =	simm.s32 $0x500;
	s16 =	simm.s32 $0x7;
	[dreg:$0x5] =	wrdreg s1  }
0x25: {  	s17 =	simm.s32 $0x800;
	s21 =	simm.s32 $0x550;
	[smem:$0x7F6] =	sst s19  }
0x26: {  	s18 =	simm.s32 $0x50;
	s22 =	simm.s32 $0xCB0;
	[smem:$0x7F8] =	sst s21  }
0x27: {  	s24 =	simm.s32 $0xD00;
	s6 =	sadd.s32 s7, s25;
	[smem:$0x7F9] =	sst s22  }
0x28: {  	s26 =	simm.s32 $0xD50;
	[smem:$0x7FB] =	sst s24;
	s6 =	sshrl.u32 s6, $0x3  }
0x29: {  	[smem:$0x7FD] =	sst s26;
	s5 =	sadd.s32 s6, s5;
	s6 =	sadd.s32 s20, s3  }
0x2a: {  	s9 =	simm.s32 $0xEE0;
	s20 =	simm.s32 $0xC60;
	[smem:$0x7F1] =	sst s6  }
0x2b: {  	s11 =	simm.s32 $0xF80;
	s23 =	sadd.s32 $0x2800, s6;
	[smem:$0x7F7] =	sst s20  }
0x2c: {  	s19 =	simm.s32 $0x3800;
	s25 =	sadd.s32 $0x5000, s6;
	[smem:$0x7EB] =	sst s23  }
0x2d: {  	s21 =	simm.s32 $0x6000;
	s8 =	sadd.s32 $0x7800, s6;
	[smem:$0x7EC] =	sst s25  }
0x2e: {  	s22 =	simm.s32 $0x2;
	s10 =	sadd.s32 $0xA000, s6;
	[smem:$0x7ED] =	sst s8  }
0x2f: {  	s24 =	simm.s32 $0x3;
	s12 =	sadd.s32 $0xC800, s6;
	[smem:$0x7EE] =	sst s10  }
0x30: {  	s26 =	simm.s32 $0x6;
	s14 =	sadd.s32 $0xF000, s6;
	[smem:$0x7EF] =	sst s12  }
0x31: {  	s1 =	simm.s32 $0x6E0;
	s6 =	sadd.s32 $0x11800, s6;
	[smem:$0x7F0] =	sst s14  }
0x32: {  	s7 =	simm.s32 $0xE90;
	s5 =	sadd.s32 $0x20600, s5;
	[smem:$0x7F2] =	sst s6  }
0x33: {  	s20 =	simm.s32 $0x1;
	[smem:$0x7F3] =	sst s5;
	s23 =	simm.s32 $0x5A0  }
0x34: {  	s25 =	simm.s32 $0x5F0;
	s6 =	simm.s32 $0x730;
	s8 =	simm.s32 $0x780  }
0x35: {  	s10 =	simm.s32 $0xF30;
	s12 =	simm.s32 $0x0;
	[smem:$0x7FA] =	sst s23  }
0x36: {  	v0 =	vimm.f32 $0.0e+00;
	[smem:$0x7FC] =	sst s25;
	s23 =	simm.s32 $0x4;
	s25 =	simm.s32 $0x5  }
.LBB2_1:
0x37: {  	s13 =	simm.s32 $0x0;
	s14 =	simm.s32 $0x200  }
.LBB2_2:
0x38: {  	p0 =	sne.s32 s14, $0x9E00;
	[tilespmem:s13+$0x1070] =	vst v0  }
0x39: {  	[tilespmem:s13+$0x1000] =	vst v0  }
0x3a: {  	[tilespmem:s13+$0x1010] =	vst v0  }
.Ltmp0:
0x3b: {  	[tilespmem:s13+$0x1020] =	vst v0;
	(pc) =	sbr.rel @p0 .LBB2_2-.Ltmp0, $4  }
0x3c: {  	[tilespmem:s13+$0x1030] =	vst v0  }
0x3d: {  	[tilespmem:s13+$0x1040] =	vst v0  }
0x3e: {  	[tilespmem:s13+$0x1050] =	vst v0  }
0x3f: {  	[tilespmem:s13+$0x1060] =	vst v0;
	s13 =	sshra.s32 s14, $0x2;
	s14 =	sadd.s32 $0x200, s14  }
0x40: {  	[tilespmem:s13+$0x1070] =	vst v0  }
0x41: {  	[tilespmem:s13+$0x1000] =	vst v0  }
0x42: {  	[tilespmem:s13+$0x1010] =	vst v0  }
0x43: {  	[tilespmem:s13+$0x1020] =	vst v0  }
0x44: {  	[tilespmem:s13+$0x1030] =	vst v0  }
0x45: {  	[tilespmem:s13+$0x1040] =	vst v0;
	s5 =	sld [smem:$0x7F1]  }
0x46: {  	[tilespmem:s13+$0x1050] =	vst v0  }
0x47: {  	[smem:$0x7EA] =	sst s12;
	[tilespmem:s13+$0x1060] =	vst v0  }
0x48: {  	[spmem:s5] =	stream.linear.scatter [tilespmem:s15], [sflag:$0x7], $0x2800, $0x38;
	[tilespmem:$0x1C800] =	vst v63  }
0x49: {  	_ =	swait.ge [sflag:s16], $0x2800  }
0x4a: {  	s13 =	sld [smem:$0x7EB]  }
0x4b: {  	[sflag:s16] =	ssyncset.done $0x0  }
0x4c: {  	[sflag:s16] =	ssyncadd.s32 $0xFFFFD800  }
0x4d: {  	[spmem:s13] =	stream.linear.scatter [tilespmem:s15], [sflag:$0x7], $0x2800, $0x38;
	[tilespmem:$0x1C800] =	vst v63  }
0x4e: {  	_ =	swait.ge [sflag:s16], $0x2800  }
0x4f: {  	s14 =	sld [smem:$0x7EC]  }
0x50: {  	[sflag:s16] =	ssyncset.done $0x0  }
0x51: {  	[sflag:s16] =	ssyncadd.s32 $0xFFFFD800  }
0x52: {  	[spmem:s14] =	stream.linear.scatter [tilespmem:s15], [sflag:$0x7], $0x2800, $0x38;
	[tilespmem:$0x1C800] =	vst v63  }
0x53: {  	_ =	swait.ge [sflag:s16], $0x2800  }
0x54: {  	s12 =	sld [smem:$0x7ED]  }
0x55: {  	[sflag:s16] =	ssyncset.done $0x0  }
0x56: {  	[sflag:s16] =	ssyncadd.s32 $0xFFFFD800  }
0x57: {  	[spmem:s12] =	stream.linear.scatter [tilespmem:s15], [sflag:$0x7], $0x2800, $0x38;
	[tilespmem:$0x1C800] =	vst v63  }
0x58: {  	_ =	swait.ge [sflag:s16], $0x2800  }
0x59: {  	s13 =	sld [smem:$0x7EE]  }
0x5a: {  	[sflag:s16] =	ssyncset.done $0x0  }
0x5b: {  	[sflag:s16] =	ssyncadd.s32 $0xFFFFD800  }
0x5c: {  	[spmem:s13] =	stream.linear.scatter [tilespmem:s15], [sflag:$0x7], $0x2800, $0x38;
	[tilespmem:$0x1C800] =	vst v63  }
0x5d: {  	_ =	swait.ge [sflag:s16], $0x2800  }
0x5e: {  	s14 =	sld [smem:$0x7EF]  }
0x5f: {  	[sflag:s16] =	ssyncset.done $0x0  }
0x60: {  	[sflag:s16] =	ssyncadd.s32 $0xFFFFD800  }
0x61: {  	[spmem:s14] =	stream.linear.scatter [tilespmem:s15], [sflag:$0x7], $0x2800, $0x38;
	[tilespmem:$0x1C800] =	vst v63  }
0x62: {  	_ =	swait.ge [sflag:s16], $0x2800  }
0x63: {  	s12 =	sld [smem:$0x7F0]  }
0x64: {  	[sflag:s16] =	ssyncset.done $0x0  }
0x65: {  	[sflag:s16] =	ssyncadd.s32 $0xFFFFD800  }
0x66: {  	[spmem:s12] =	stream.linear.scatter [tilespmem:s15], [sflag:$0x7], $0x2800, $0x38;
	[tilespmem:$0x1C800] =	vst v63  }
0x67: {  	_ =	swait.ge [sflag:s16], $0x2800  }
0x68: {  	s13 =	sld [smem:$0x7F2]  }
0x69: {  	[sflag:s16] =	ssyncset.done $0x0  }
0x6a: {  	[sflag:s16] =	ssyncadd.s32 $0xFFFFD800  }
0x6b: {  	[spmem:s13] =	stream.linear.scatter [tilespmem:s15], [sflag:$0x7], $0x2800, $0x38;
	[tilespmem:$0x1C800] =	vst v63  }
0x6c: {  	_ =	swait.ge [sflag:s16], $0x2800  }
0x6d: {  	[sflag:s16] =	ssyncset.done $0x0  }
0x6e: {  	[sflag:s16] =	ssyncadd.s32 $0xFFFFD800  }
0x6f: {  	[bflag:$0x0] =	sbarrier.arrive $0xFFFF  }
0x70: {  	s14 =	rddreg [dreg:$0x5]  }
0x71: {  	s5 =	sadd.s32 $0x0, s14  }
0x72: {  	[tilespmem:s4], [sflag:$0x7] =	stream.linear.gather [hbm4b:s5+s4], $0x7D0, $0x38;
	[tilespmem:$0x1C800] =	vst v63  }
0x73: {  	_ =	swait.ge [sflag:s16], $0x7D0  }
0x74: {  	s12 =	rddreg [dreg:$0x4];
	[sflag:s16] =	ssyncset.done $0x0  }
0x75: {  	[sflag:s16] =	ssyncadd.s32 $0xFFFFF830;
	s5 =	sadd.s32 $0x0, s12  }
0x76: {  	[tilespmem:s17], [sflag:$0x7] =	stream.linear.gather [hbm4b:s5+s4], $0x7D0, $0x38;
	[tilespmem:$0x1C800] =	vst v63  }
0x77: {  	_ =	swait.ge [sflag:s16], $0x7D0  }
0x78: {  	[sflag:s16] =	ssyncset.done $0x0  }
0x79: {  	[sflag:s16] =	ssyncadd.s32 $0xFFFFF830  }
0x7a: {  	[tilespmem:s15], [sflag:$0x1] =	stream.indirect.gather [hbm4b:s2+s18], $0x80, s4, s18, $0xb8;
	[tilespmem:$0x1C800] =	vst v63  }
0x7b: {  	_ = 	snop  }
0x7c: {  	[tilespmem:s19], [sflag:$0x2] =	stream.indirect.gather [hbm4b:s2+s18], $0x80, s18, s18, $0xb8;
	[tilespmem:$0x1C800] =	vst v63  }
0x7d: {  	_ =	swait.ge [sflag:s20], $0x2800  }
0x7e: {  	[sflag:s20] =	ssyncset.done $0x0  }
0x7f: {  	s13 =	rddreg [dreg:$0x6];
	[sflag:s20] =	ssyncadd.s32 $0xFFFFD800  }
0x80: {  	[tilespmem:s21], [sflag:$0x3] =	stream.indirect.gather [hbm4b:s2+s18], $0x80, s13, s18, $0xb8;
	[tilespmem:$0x1C800] =	vst v63  }
0x81: {  	_ = 	snop  }
0x82: {  	[spmem:s3] =	stream.indirect.scatter.add.f32 [tilespmem:s15], [sflag:$0x4], $0x80, s17, s18, $0xb8;
	[tilespmem:$0x1C800] =	vst v63  }
0x83: {  	_ =	swait.ge [sflag:s22], $0x2800  }
0x84: {  	[sflag:s22] =	ssyncset.done $0x0  }
0x85: {  	[sflag:s22] =	ssyncadd.s32 $0xFFFFD800  }
0x86: {  	_ =	swait.ge [sflag:s23], $0x2800  }
0x87: {  	[sflag:s23] =	ssyncset.done $0x0  }
0x88: {  	s14 =	rddreg [dreg:$0x7];
	[sflag:s23] =	ssyncadd.s32 $0xFFFFD800  }
0x89: {  	[tilespmem:s15], [sflag:$0x1] =	stream.indirect.gather [hbm4b:s2+s18], $0x80, s14, s18, $0xb8;
	[tilespmem:$0x1C800] =	vst v63  }
0x8a: {  	s12 =	rddreg [dreg:$0x8]  }
0x8b: {  	[spmem:s3] =	stream.indirect.scatter.add.f32 [tilespmem:s19], [sflag:$0x5], $0x80, s12, s18, $0xb8;
	[tilespmem:$0x1C800] =	vst v63  }
0x8c: {  	_ =	swait.ge [sflag:s24], $0x2800  }
0x8d: {  	[sflag:s24] =	ssyncset.done $0x0  }
0x8e: {  	[sflag:s24] =	ssyncadd.s32 $0xFFFFD800  }
0x8f: {  	_ =	swait.ge [sflag:s25], $0x2800  }
0x90: {  	[sflag:s25] =	ssyncset.done $0x0  }
0x91: {  	s14 =	rddreg [dreg:$0x9];
	[sflag:s25] =	ssyncadd.s32 $0xFFFFD800  }
0x92: {  	[tilespmem:s19], [sflag:$0x2] =	stream.indirect.gather [hbm4b:s2+s18], $0x80, s14, s18, $0xb8;
	[tilespmem:$0x1C800] =	vst v63  }
0x93: {  	s12 =	rddreg [dreg:$0xa]  }
0x94: {  	[spmem:s3] =	stream.indirect.scatter.add.f32 [tilespmem:s21], [sflag:$0x6], $0x80, s12, s18, $0xb8;
	[tilespmem:$0x1C800] =	vst v63  }
0x95: {  	_ =	swait.ge [sflag:s20], $0x2800  }
0x96: {  	[sflag:s20] =	ssyncset.done $0x0  }
0x97: {  	[sflag:s20] =	ssyncadd.s32 $0xFFFFD800  }
0x98: {  	_ =	swait.ge [sflag:s26], $0x2800  }
0x99: {  	[sflag:s26] =	ssyncset.done $0x0  }
0x9a: {  	s14 =	rddreg [dreg:$0xb];
	[sflag:s26] =	ssyncadd.s32 $0xFFFFD800  }
0x9b: {  	[tilespmem:s21], [sflag:$0x3] =	stream.indirect.gather [hbm4b:s2+s18], $0x80, s14, s18, $0xb8;
	[tilespmem:$0x1C800] =	vst v63  }
0x9c: {  	s12 =	rddreg [dreg:$0xc]  }
0x9d: {  	[spmem:s3] =	stream.indirect.scatter.add.f32 [tilespmem:s15], [sflag:$0x4], $0x80, s12, s18, $0xb8;
	[tilespmem:$0x1C800] =	vst v63  }
0x9e: {  	_ =	swait.ge [sflag:s22], $0x2800  }
0x9f: {  	[sflag:s22] =	ssyncset.done $0x0  }
0xa0: {  	[sflag:s22] =	ssyncadd.s32 $0xFFFFD800  }
0xa1: {  	_ =	swait.ge [sflag:s23], $0x2800  }
0xa2: {  	[sflag:s23] =	ssyncset.done $0x0  }
0xa3: {  	s14 =	rddreg [dreg:$0xd];
	[sflag:s23] =	ssyncadd.s32 $0xFFFFD800  }
0xa4: {  	[tilespmem:s15], [sflag:$0x1] =	stream.indirect.gather [hbm4b:s2+s18], $0x80, s14, s18, $0xb8;
	[tilespmem:$0x1C800] =	vst v63  }
0xa5: {  	s12 =	rddreg [dreg:$0xe]  }
0xa6: {  	[spmem:s3] =	stream.indirect.scatter.add.f32 [tilespmem:s19], [sflag:$0x5], $0x80, s12, s18, $0xb8;
	[tilespmem:$0x1C800] =	vst v63  }
0xa7: {  	_ =	swait.ge [sflag:s24], $0x2800  }
0xa8: {  	[sflag:s24] =	ssyncset.done $0x0  }
0xa9: {  	[sflag:s24] =	ssyncadd.s32 $0xFFFFD800  }
0xaa: {  	_ =	swait.ge [sflag:s25], $0x2800  }
0xab: {  	[sflag:s25] =	ssyncset.done $0x0  }
0xac: {  	s14 =	rddreg [dreg:$0xf];
	[sflag:s25] =	ssyncadd.s32 $0xFFFFD800  }
0xad: {  	[tilespmem:s19], [sflag:$0x2] =	stream.indirect.gather [hbm4b:s2+s18], $0x80, s14, s18, $0xb8;
	[tilespmem:$0x1C800] =	vst v63  }
0xae: {  	s12 =	rddreg [dreg:$0x10]  }
0xaf: {  	[spmem:s3] =	stream.indirect.scatter.add.f32 [tilespmem:s21], [sflag:$0x6], $0x80, s12, s18, $0xb8;
	[tilespmem:$0x1C800] =	vst v63  }
0xb0: {  	_ =	swait.ge [sflag:s20], $0x2800  }
0xb1: {  	[sflag:s20] =	ssyncset.done $0x0  }
0xb2: {  	[sflag:s20] =	ssyncadd.s32 $0xFFFFD800  }
0xb3: {  	_ =	swait.ge [sflag:s26], $0x2800  }
0xb4: {  	[sflag:s26] =	ssyncset.done $0x0  }
0xb5: {  	s14 =	rddreg [dreg:$0x11];
	[sflag:s26] =	ssyncadd.s32 $0xFFFFD800  }
0xb6: {  	[tilespmem:s21], [sflag:$0x3] =	stream.indirect.gather [hbm4b:s2+s18], $0x80, s14, s18, $0xb8;
	[tilespmem:$0x1C800] =	vst v63  }
0xb7: {  	s12 =	rddreg [dreg:$0x12]  }
0xb8: {  	[spmem:s3] =	stream.indirect.scatter.add.f32 [tilespmem:s15], [sflag:$0x4], $0x80, s12, s18, $0xb8;
	[tilespmem:$0x1C800] =	vst v63  }
0xb9: {  	_ =	swait.ge [sflag:s22], $0x2800  }
0xba: {  	[sflag:s22] =	ssyncset.done $0x0  }
0xbb: {  	[sflag:s22] =	ssyncadd.s32 $0xFFFFD800  }
0xbc: {  	_ =	swait.ge [sflag:s23], $0x2800  }
0xbd: {  	[sflag:s23] =	ssyncset.done $0x0  }
0xbe: {  	s14 =	rddreg [dreg:$0x13];
	[sflag:s23] =	ssyncadd.s32 $0xFFFFD800  }
0xbf: {  	[tilespmem:s15], [sflag:$0x1] =	stream.indirect.gather [hbm4b:s2+s18], $0x80, s14, s18, $0xb8;
	[tilespmem:$0x1C800] =	vst v63  }
0xc0: {  	s12 =	rddreg [dreg:$0x14]  }
0xc1: {  	[spmem:s3] =	stream.indirect.scatter.add.f32 [tilespmem:s19], [sflag:$0x5], $0x80, s12, s18, $0xb8;
	[tilespmem:$0x1C800] =	vst v63  }
0xc2: {  	_ =	swait.ge [sflag:s24], $0x2800  }
0xc3: {  	[sflag:s24] =	ssyncset.done $0x0  }
0xc4: {  	[sflag:s24] =	ssyncadd.s32 $0xFFFFD800  }
0xc5: {  	_ =	swait.ge [sflag:s25], $0x2800  }
0xc6: {  	[sflag:s25] =	ssyncset.done $0x0  }
0xc7: {  	s14 =	rddreg [dreg:$0x15];
	[sflag:s25] =	ssyncadd.s32 $0xFFFFD800  }
0xc8: {  	[tilespmem:s19], [sflag:$0x2] =	stream.indirect.gather [hbm4b:s2+s18], $0x80, s14, s18, $0xb8;
	[tilespmem:$0x1C800] =	vst v63  }
0xc9: {  	s12 =	rddreg [dreg:$0x16]  }
0xca: {  	[spmem:s3] =	stream.indirect.scatter.add.f32 [tilespmem:s21], [sflag:$0x6], $0x80, s12, s18, $0xb8;
	[tilespmem:$0x1C800] =	vst v63  }
0xcb: {  	_ =	swait.ge [sflag:s20], $0x2800  }
0xcc: {  	[sflag:s20] =	ssyncset.done $0x0  }
0xcd: {  	[sflag:s20] =	ssyncadd.s32 $0xFFFFD800  }
0xce: {  	_ =	swait.ge [sflag:s26], $0x2800  }
0xcf: {  	[sflag:s26] =	ssyncset.done $0x0  }
0xd0: {  	s14 =	rddreg [dreg:$0x17];
	[sflag:s26] =	ssyncadd.s32 $0xFFFFD800  }
0xd1: {  	[tilespmem:s21], [sflag:$0x3] =	stream.indirect.gather [hbm4b:s2+s18], $0x80, s14, s18, $0xb8;
	[tilespmem:$0x1C800] =	vst v63  }
0xd2: {  	s12 =	rddreg [dreg:$0x18]  }
0xd3: {  	[spmem:s3] =	stream.indirect.scatter.add.f32 [tilespmem:s15], [sflag:$0x4], $0x80, s12, s18, $0xb8;
	[tilespmem:$0x1C800] =	vst v63  }
0xd4: {  	_ =	swait.ge [sflag:s22], $0x2800  }
0xd5: {  	[sflag:s22] =	ssyncset.done $0x0  }
0xd6: {  	[sflag:s22] =	ssyncadd.s32 $0xFFFFD800  }
0xd7: {  	_ =	swait.ge [sflag:s23], $0x2800  }
0xd8: {  	[sflag:s23] =	ssyncset.done $0x0  }
0xd9: {  	s14 =	rddreg [dreg:$0x19];
	[sflag:s23] =	ssyncadd.s32 $0xFFFFD800  }
0xda: {  	[tilespmem:s15], [sflag:$0x1] =	stream.indirect.gather [hbm4b:s2+s18], $0x80, s14, s18, $0xb8;
	[tilespmem:$0x1C800] =	vst v63  }
0xdb: {  	s12 =	rddreg [dreg:$0x1a]  }
0xdc: {  	[spmem:s3] =	stream.indirect.scatter.add.f32 [tilespmem:s19], [sflag:$0x5], $0x80, s12, s18, $0xb8;
	[tilespmem:$0x1C800] =	vst v63  }
0xdd: {  	_ =	swait.ge [sflag:s24], $0x2800  }
0xde: {  	[sflag:s24] =	ssyncset.done $0x0  }
0xdf: {  	[sflag:s24] =	ssyncadd.s32 $0xFFFFD800  }
0xe0: {  	_ =	swait.ge [sflag:s25], $0x2800  }
0xe1: {  	[sflag:s25] =	ssyncset.done $0x0  }
0xe2: {  	s14 =	rddreg [dreg:$0x1b];
	[sflag:s25] =	ssyncadd.s32 $0xFFFFD800  }
0xe3: {  	[tilespmem:s19], [sflag:$0x2] =	stream.indirect.gather [hbm4b:s2+s18], $0x80, s14, s18, $0xb8;
	[tilespmem:$0x1C800] =	vst v63  }
0xe4: {  	s12 =	rddreg [dreg:$0x1c]  }
0xe5: {  	[spmem:s3] =	stream.indirect.scatter.add.f32 [tilespmem:s21], [sflag:$0x6], $0x80, s12, s18, $0xb8;
	[tilespmem:$0x1C800] =	vst v63  }
0xe6: {  	_ =	swait.ge [sflag:s20], $0x2800  }
0xe7: {  	[sflag:s20] =	ssyncset.done $0x0  }
0xe8: {  	[sflag:s20] =	ssyncadd.s32 $0xFFFFD800  }
0xe9: {  	_ =	swait.ge [sflag:s26], $0x2800  }
0xea: {  	[sflag:s26] =	ssyncset.done $0x0  }
0xeb: {  	s14 =	rddreg [dreg:$0x1d];
	[sflag:s26] =	ssyncadd.s32 $0xFFFFD800  }
0xec: {  	[tilespmem:s21], [sflag:$0x3] =	stream.indirect.gather [hbm4b:s2+s18], $0x80, s14, s18, $0xb8;
	[tilespmem:$0x1C800] =	vst v63  }
0xed: {  	s12 =	rddreg [dreg:$0x1e]  }
0xee: {  	[spmem:s3] =	stream.indirect.scatter.add.f32 [tilespmem:s15], [sflag:$0x4], $0x80, s12, s18, $0xb8;
	[tilespmem:$0x1C800] =	vst v63  }
0xef: {  	_ =	swait.ge [sflag:s22], $0x2800  }
0xf0: {  	[sflag:s22] =	ssyncset.done $0x0  }
0xf1: {  	[sflag:s22] =	ssyncadd.s32 $0xFFFFD800  }
0xf2: {  	_ =	swait.ge [sflag:s23], $0x2800  }
0xf3: {  	s14 =	rddreg [dreg:$0x1f];
	[sflag:s23] =	ssyncset.done $0x0  }
0xf4: {  	s12 =	sld [smem:$0x7F5];
	[sflag:s23] =	ssyncadd.s32 $0xFFFFD800  }
0xf5: {  	[tilespmem:s15], [sflag:$0x1] =	stream.indirect.gather [hbm4b:s2+s18], $0x80, s14, s18, $0xb8;
	[tilespmem:$0x1C800] =	vst v63  }
0xf6: {  	_ = 	snop  }
0xf7: {  	[spmem:s3] =	stream.indirect.scatter.add.f32 [tilespmem:s19], [sflag:$0x5], $0x80, s12, s18, $0xb8;
	[tilespmem:$0x1C800] =	vst v63  }
0xf8: {  	_ =	swait.ge [sflag:s24], $0x2800  }
0xf9: {  	[sflag:s24] =	ssyncset.done $0x0  }
0xfa: {  	[sflag:s24] =	ssyncadd.s32 $0xFFFFD800  }
0xfb: {  	_ =	swait.ge [sflag:s25], $0x2800  }
0xfc: {  	s14 =	sld [smem:$0x7F6]  }
0xfd: {  	[sflag:s25] =	ssyncset.done $0x0  }
0xfe: {  	s12 =	sld [smem:$0x7F7];
	[sflag:s25] =	ssyncadd.s32 $0xFFFFD800  }
0xff: {  	[tilespmem:s19], [sflag:$0x2] =	stream.indirect.gather [hbm4b:s2+s18], $0x80, s14, s18, $0xb8;
	[tilespmem:$0x1C800] =	vst v63  }
0x100: {  	_ = 	snop  }
0x101: {  	[spmem:s3] =	stream.indirect.scatter.add.f32 [tilespmem:s21], [sflag:$0x6], $0x80, s12, s18, $0xb8;
	[tilespmem:$0x1C800] =	vst v63  }
0x102: {  	_ =	swait.ge [sflag:s20], $0x2800  }
0x103: {  	[sflag:s20] =	ssyncset.done $0x0  }
0x104: {  	[sflag:s20] =	ssyncadd.s32 $0xFFFFD800  }
0x105: {  	_ =	swait.ge [sflag:s26], $0x2800  }
0x106: {  	s14 =	sld [smem:$0x7F8]  }
0x107: {  	[sflag:s26] =	ssyncset.done $0x0  }
0x108: {  	s12 =	sld [smem:$0x7F9];
	[sflag:s26] =	ssyncadd.s32 $0xFFFFD800  }
0x109: {  	[tilespmem:s21], [sflag:$0x3] =	stream.indirect.gather [hbm4b:s2+s18], $0x80, s14, s18, $0xb8;
	[tilespmem:$0x1C800] =	vst v63  }
0x10a: {  	_ = 	snop  }
0x10b: {  	[spmem:s3] =	stream.indirect.scatter.add.f32 [tilespmem:s15], [sflag:$0x4], $0x80, s12, s18, $0xb8;
	[tilespmem:$0x1C800] =	vst v63  }
0x10c: {  	_ =	swait.ge [sflag:s22], $0x2800  }
0x10d: {  	[sflag:s22] =	ssyncset.done $0x0  }
0x10e: {  	[sflag:s22] =	ssyncadd.s32 $0xFFFFD800  }
0x10f: {  	_ =	swait.ge [sflag:s23], $0x2800  }
0x110: {  	s14 =	sld [smem:$0x7FA]  }
0x111: {  	[sflag:s23] =	ssyncset.done $0x0  }
0x112: {  	s12 =	sld [smem:$0x7FB];
	[sflag:s23] =	ssyncadd.s32 $0xFFFFD800  }
0x113: {  	[tilespmem:s15], [sflag:$0x1] =	stream.indirect.gather [hbm4b:s2+s18], $0x80, s14, s18, $0xb8;
	[tilespmem:$0x1C800] =	vst v63  }
0x114: {  	_ = 	snop  }
0x115: {  	[spmem:s3] =	stream.indirect.scatter.add.f32 [tilespmem:s19], [sflag:$0x5], $0x80, s12, s18, $0xb8;
	[tilespmem:$0x1C800] =	vst v63  }
0x116: {  	_ =	swait.ge [sflag:s24], $0x2800  }
0x117: {  	[sflag:s24] =	ssyncset.done $0x0  }
0x118: {  	[sflag:s24] =	ssyncadd.s32 $0xFFFFD800  }
0x119: {  	_ =	swait.ge [sflag:s25], $0x2800  }
0x11a: {  	s13 =	sld [smem:$0x7FC]  }
0x11b: {  	[sflag:s25] =	ssyncset.done $0x0  }
0x11c: {  	s14 =	sld [smem:$0x7FD];
	[sflag:s25] =	ssyncadd.s32 $0xFFFFD800  }
0x11d: {  	[tilespmem:s19], [sflag:$0x2] =	stream.indirect.gather [hbm4b:s2+s18], $0x80, s13, s18, $0xb8;
	[tilespmem:$0x1C800] =	vst v63  }
0x11e: {  	_ = 	snop  }
0x11f: {  	[spmem:s3] =	stream.indirect.scatter.add.f32 [tilespmem:s21], [sflag:$0x6], $0x80, s14, s18, $0xb8;
	[tilespmem:$0x1C800] =	vst v63  }
0x120: {  	_ =	swait.ge [sflag:s20], $0x2800  }
0x121: {  	[sflag:s20] =	ssyncset.done $0x0  }
0x122: {  	[sflag:s20] =	ssyncadd.s32 $0xFFFFD800  }
0x123: {  	_ =	swait.ge [sflag:s26], $0x2800  }
0x124: {  	[sflag:s26] =	ssyncset.done $0x0  }
0x125: {  	[sflag:s26] =	ssyncadd.s32 $0xFFFFD800  }
0x126: {  	[tilespmem:s21], [sflag:$0x3] =	stream.indirect.gather [hbm4b:s2+s18], $0x80, s28, s18, $0xb8;
	[tilespmem:$0x1C800] =	vst v63  }
0x127: {  	_ = 	snop  }
0x128: {  	[spmem:s3] =	stream.indirect.scatter.add.f32 [tilespmem:s15], [sflag:$0x4], $0x80, s29, s18, $0xb8;
	[tilespmem:$0x1C800] =	vst v63  }
0x129: {  	_ =	swait.ge [sflag:s22], $0x2800  }
0x12a: {  	[sflag:s22] =	ssyncset.done $0x0  }
0x12b: {  	[sflag:s22] =	ssyncadd.s32 $0xFFFFD800  }
0x12c: {  	_ =	swait.ge [sflag:s23], $0x2800  }
0x12d: {  	[sflag:s23] =	ssyncset.done $0x0  }
0x12e: {  	[sflag:s23] =	ssyncadd.s32 $0xFFFFD800  }
0x12f: {  	[tilespmem:s15], [sflag:$0x1] =	stream.indirect.gather [hbm4b:s2+s18], $0x80, s30, s18, $0xb8;
	[tilespmem:$0x1C800] =	vst v63  }
0x130: {  	_ = 	snop  }
0x131: {  	[spmem:s3] =	stream.indirect.scatter.add.f32 [tilespmem:s19], [sflag:$0x5], $0x80, s31, s18, $0xb8;
	[tilespmem:$0x1C800] =	vst v63  }
0x132: {  	_ =	swait.ge [sflag:s24], $0x2800  }
0x133: {  	[sflag:s24] =	ssyncset.done $0x0  }
0x134: {  	[sflag:s24] =	ssyncadd.s32 $0xFFFFD800  }
0x135: {  	_ =	swait.ge [sflag:s25], $0x2800  }
0x136: {  	[sflag:s25] =	ssyncset.done $0x0  }
0x137: {  	[sflag:s25] =	ssyncadd.s32 $0xFFFFD800  }
0x138: {  	[tilespmem:s19], [sflag:$0x2] =	stream.indirect.gather [hbm4b:s2+s18], $0x80, s1, s18, $0xb8;
	[tilespmem:$0x1C800] =	vst v63  }
0x139: {  	_ = 	snop  }
0x13a: {  	[spmem:s3] =	stream.indirect.scatter.add.f32 [tilespmem:s21], [sflag:$0x6], $0x80, s0, s18, $0xb8;
	[tilespmem:$0x1C800] =	vst v63  }
0x13b: {  	_ =	swait.ge [sflag:s20], $0x2800  }
0x13c: {  	[sflag:s20] =	ssyncset.done $0x0  }
0x13d: {  	[sflag:s20] =	ssyncadd.s32 $0xFFFFD800  }
0x13e: {  	_ =	swait.ge [sflag:s26], $0x2800  }
0x13f: {  	[sflag:s26] =	ssyncset.done $0x0  }
0x140: {  	[sflag:s26] =	ssyncadd.s32 $0xFFFFD800  }
0x141: {  	[tilespmem:s21], [sflag:$0x3] =	stream.indirect.gather [hbm4b:s2+s18], $0x80, s6, s18, $0xb8;
	[tilespmem:$0x1C800] =	vst v63  }
0x142: {  	_ = 	snop  }
0x143: {  	[spmem:s3] =	stream.indirect.scatter.add.f32 [tilespmem:s15], [sflag:$0x4], $0x80, s7, s18, $0xb8;
	[tilespmem:$0x1C800] =	vst v63  }
0x144: {  	_ =	swait.ge [sflag:s22], $0x2800  }
0x145: {  	[sflag:s22] =	ssyncset.done $0x0  }
0x146: {  	[sflag:s22] =	ssyncadd.s32 $0xFFFFD800  }
0x147: {  	_ =	swait.ge [sflag:s23], $0x2800  }
0x148: {  	[sflag:s23] =	ssyncset.done $0x0  }
0x149: {  	[sflag:s23] =	ssyncadd.s32 $0xFFFFD800  }
0x14a: {  	[tilespmem:s15], [sflag:$0x1] =	stream.indirect.gather [hbm4b:s2+s18], $0x80, s8, s18, $0xb8;
	[tilespmem:$0x1C800] =	vst v63  }
0x14b: {  	_ = 	snop  }
0x14c: {  	[spmem:s3] =	stream.indirect.scatter.add.f32 [tilespmem:s19], [sflag:$0x5], $0x80, s9, s18, $0xb8;
	[tilespmem:$0x1C800] =	vst v63  }
0x14d: {  	_ =	swait.ge [sflag:s24], $0x2800  }
0x14e: {  	[sflag:s24] =	ssyncset.done $0x0  }
0x14f: {  	[sflag:s24] =	ssyncadd.s32 $0xFFFFD800  }
0x150: {  	_ =	swait.ge [sflag:s25], $0x2800  }
0x151: {  	[sflag:s25] =	ssyncset.done $0x0  }
0x152: {  	[sflag:s25] =	ssyncadd.s32 $0xFFFFD800  }
0x153: {  	[spmem:s3] =	stream.indirect.scatter.add.f32 [tilespmem:s21], [sflag:$0x6], $0x80, s10, s18, $0xb8;
	[tilespmem:$0x1C800] =	vst v63  }
0x154: {  	_ =	swait.ge [sflag:s20], $0x2800  }
0x155: {  	[sflag:s20] =	ssyncset.done $0x0  }
0x156: {  	[sflag:s20] =	ssyncadd.s32 $0xFFFFD800  }
0x157: {  	_ =	swait.ge [sflag:s26], $0x2800  }
0x158: {  	[sflag:s26] =	ssyncset.done $0x0  }
0x159: {  	[sflag:s26] =	ssyncadd.s32 $0xFFFFD800  }
0x15a: {  	[spmem:s3] =	stream.indirect.scatter.add.f32 [tilespmem:s15], [sflag:$0x4], $0x80, s11, s18, $0xb8;
	[tilespmem:$0x1C800] =	vst v63  }
0x15b: {  	s13 =	simm.s32 $0xFA;
	_ =	swait.ge [sflag:s23], $0x2800  }
0x15c: {  	s14 =	simm.s32 $0x1F4;
	s5 =	rddreg [dreg:$0x5];
	[sflag:s23] =	ssyncset.done $0x0  }
.LBB2_4:
0x15d: {  	[sflag:s23] =	ssyncadd.s32 $0xFFFFD800;
	s5 =	sadd.s32 s13, s5  }
0x15e: {  	[tilespmem:s4], [sflag:$0x7] =	stream.linear.gather [hbm4b:s5+s4], $0x7D0, $0x38;
	[tilespmem:$0x1C800] =	vst v63  }
0x15f: {  	_ =	swait.ge [sflag:s16], $0x7D0  }
0x160: {  	s5 =	rddreg [dreg:$0x4];
	[sflag:s16] =	ssyncset.done $0x0  }
0x161: {  	[sflag:s16] =	ssyncadd.s32 $0xFFFFF830;
	s5 =	sadd.s32 s13, s5  }
0x162: {  	[tilespmem:s17], [sflag:$0x7] =	stream.linear.gather [hbm4b:s5+s4], $0x7D0, $0x38;
	[tilespmem:$0x1C800] =	vst v63  }
0x163: {  	_ =	swait.ge [sflag:s16], $0x7D0  }
0x164: {  	[sflag:s16] =	ssyncset.done $0x0  }
0x165: {  	[sflag:s16] =	ssyncadd.s32 $0xFFFFF830  }
0x166: {  	[tilespmem:s15], [sflag:$0x1] =	stream.indirect.gather [hbm4b:s2+s18], $0x80, s4, s18, $0xb8;
	[tilespmem:$0x1C800] =	vst v63  }
0x167: {  	_ = 	snop  }
0x168: {  	[tilespmem:s19], [sflag:$0x2] =	stream.indirect.gather [hbm4b:s2+s18], $0x80, s18, s18, $0xb8;
	[tilespmem:$0x1C800] =	vst v63  }
0x169: {  	_ =	swait.ge [sflag:s20], $0x2800  }
0x16a: {  	s12 =	smov.u32 s14;
	[sflag:s20] =	ssyncset.done $0x0  }
0x16b: {  	s13 =	smov.u32 s12;
	s12 =	rddreg [dreg:$0x6];
	[sflag:s20] =	ssyncadd.s32 $0xFFFFD800  }
0x16c: {  	[tilespmem:s21], [sflag:$0x3] =	stream.indirect.gather [hbm4b:s2+s18], $0x80, s12, s18, $0xb8;
	[tilespmem:$0x1C800] =	vst v63  }
0x16d: {  	_ = 	snop  }
0x16e: {  	[spmem:s3] =	stream.indirect.scatter.add.f32 [tilespmem:s15], [sflag:$0x4], $0x80, s17, s18, $0xb8;
	[tilespmem:$0x1C800] =	vst v63  }
0x16f: {  	_ =	swait.ge [sflag:s22], $0x2800  }
0x170: {  	[sflag:s22] =	ssyncset.done $0x0  }
0x171: {  	[sflag:s22] =	ssyncadd.s32 $0xFFFFD800  }
0x172: {  	_ =	swait.ge [sflag:s23], $0x2800  }
0x173: {  	[sflag:s23] =	ssyncset.done $0x0  }
0x174: {  	s5 =	rddreg [dreg:$0x7];
	[sflag:s23] =	ssyncadd.s32 $0xFFFFD800  }
0x175: {  	[tilespmem:s15], [sflag:$0x1] =	stream.indirect.gather [hbm4b:s2+s18], $0x80, s5, s18, $0xb8;
	[tilespmem:$0x1C800] =	vst v63  }
0x176: {  	s12 =	rddreg [dreg:$0x8]  }
0x177: {  	[spmem:s3] =	stream.indirect.scatter.add.f32 [tilespmem:s19], [sflag:$0x5], $0x80, s12, s18, $0xb8;
	[tilespmem:$0x1C800] =	vst v63  }
0x178: {  	_ =	swait.ge [sflag:s24], $0x2800  }
0x179: {  	[sflag:s24] =	ssyncset.done $0x0  }
0x17a: {  	[sflag:s24] =	ssyncadd.s32 $0xFFFFD800  }
0x17b: {  	_ =	swait.ge [sflag:s25], $0x2800  }
0x17c: {  	[sflag:s25] =	ssyncset.done $0x0  }
0x17d: {  	s5 =	rddreg [dreg:$0x9];
	[sflag:s25] =	ssyncadd.s32 $0xFFFFD800  }
0x17e: {  	[tilespmem:s19], [sflag:$0x2] =	stream.indirect.gather [hbm4b:s2+s18], $0x80, s5, s18, $0xb8;
	[tilespmem:$0x1C800] =	vst v63  }
0x17f: {  	s12 =	rddreg [dreg:$0xa]  }
0x180: {  	[spmem:s3] =	stream.indirect.scatter.add.f32 [tilespmem:s21], [sflag:$0x6], $0x80, s12, s18, $0xb8;
	[tilespmem:$0x1C800] =	vst v63  }
0x181: {  	_ =	swait.ge [sflag:s20], $0x2800  }
0x182: {  	[sflag:s20] =	ssyncset.done $0x0  }
0x183: {  	[sflag:s20] =	ssyncadd.s32 $0xFFFFD800  }
0x184: {  	_ =	swait.ge [sflag:s26], $0x2800  }
0x185: {  	[sflag:s26] =	ssyncset.done $0x0  }
0x186: {  	s5 =	rddreg [dreg:$0xb];
	[sflag:s26] =	ssyncadd.s32 $0xFFFFD800  }
0x187: {  	[tilespmem:s21], [sflag:$0x3] =	stream.indirect.gather [hbm4b:s2+s18], $0x80, s5, s18, $0xb8;
	[tilespmem:$0x1C800] =	vst v63  }
0x188: {  	s12 =	rddreg [dreg:$0xc]  }
0x189: {  	[spmem:s3] =	stream.indirect.scatter.add.f32 [tilespmem:s15], [sflag:$0x4], $0x80, s12, s18, $0xb8;
	[tilespmem:$0x1C800] =	vst v63  }
0x18a: {  	_ =	swait.ge [sflag:s22], $0x2800  }
0x18b: {  	[sflag:s22] =	ssyncset.done $0x0  }
0x18c: {  	[sflag:s22] =	ssyncadd.s32 $0xFFFFD800  }
0x18d: {  	_ =	swait.ge [sflag:s23], $0x2800  }
0x18e: {  	[sflag:s23] =	ssyncset.done $0x0  }
0x18f: {  	s5 =	rddreg [dreg:$0xd];
	[sflag:s23] =	ssyncadd.s32 $0xFFFFD800  }
0x190: {  	[tilespmem:s15], [sflag:$0x1] =	stream.indirect.gather [hbm4b:s2+s18], $0x80, s5, s18, $0xb8;
	[tilespmem:$0x1C800] =	vst v63  }
0x191: {  	s12 =	rddreg [dreg:$0xe]  }
0x192: {  	[spmem:s3] =	stream.indirect.scatter.add.f32 [tilespmem:s19], [sflag:$0x5], $0x80, s12, s18, $0xb8;
	[tilespmem:$0x1C800] =	vst v63  }
0x193: {  	_ =	swait.ge [sflag:s24], $0x2800  }
0x194: {  	[sflag:s24] =	ssyncset.done $0x0  }
0x195: {  	[sflag:s24] =	ssyncadd.s32 $0xFFFFD800  }
0x196: {  	_ =	swait.ge [sflag:s25], $0x2800  }
0x197: {  	[sflag:s25] =	ssyncset.done $0x0  }
0x198: {  	s5 =	rddreg [dreg:$0xf];
	[sflag:s25] =	ssyncadd.s32 $0xFFFFD800  }
0x199: {  	[tilespmem:s19], [sflag:$0x2] =	stream.indirect.gather [hbm4b:s2+s18], $0x80, s5, s18, $0xb8;
	[tilespmem:$0x1C800] =	vst v63  }
0x19a: {  	s12 =	rddreg [dreg:$0x10]  }
0x19b: {  	[spmem:s3] =	stream.indirect.scatter.add.f32 [tilespmem:s21], [sflag:$0x6], $0x80, s12, s18, $0xb8;
	[tilespmem:$0x1C800] =	vst v63  }
0x19c: {  	_ =	swait.ge [sflag:s20], $0x2800  }
0x19d: {  	[sflag:s20] =	ssyncset.done $0x0  }
0x19e: {  	[sflag:s20] =	ssyncadd.s32 $0xFFFFD800  }
0x19f: {  	_ =	swait.ge [sflag:s26], $0x2800  }
0x1a0: {  	[sflag:s26] =	ssyncset.done $0x0  }
0x1a1: {  	s5 =	rddreg [dreg:$0x11];
	[sflag:s26] =	ssyncadd.s32 $0xFFFFD800  }
0x1a2: {  	[tilespmem:s21], [sflag:$0x3] =	stream.indirect.gather [hbm4b:s2+s18], $0x80, s5, s18, $0xb8;
	[tilespmem:$0x1C800] =	vst v63  }
0x1a3: {  	s12 =	rddreg [dreg:$0x12]  }
0x1a4: {  	[spmem:s3] =	stream.indirect.scatter.add.f32 [tilespmem:s15], [sflag:$0x4], $0x80, s12, s18, $0xb8;
	[tilespmem:$0x1C800] =	vst v63  }
0x1a5: {  	_ =	swait.ge [sflag:s22], $0x2800  }
0x1a6: {  	[sflag:s22] =	ssyncset.done $0x0  }
0x1a7: {  	[sflag:s22] =	ssyncadd.s32 $0xFFFFD800  }
0x1a8: {  	_ =	swait.ge [sflag:s23], $0x2800  }
0x1a9: {  	[sflag:s23] =	ssyncset.done $0x0  }
0x1aa: {  	s5 =	rddreg [dreg:$0x13];
	[sflag:s23] =	ssyncadd.s32 $0xFFFFD800  }
0x1ab: {  	[tilespmem:s15], [sflag:$0x1] =	stream.indirect.gather [hbm4b:s2+s18], $0x80, s5, s18, $0xb8;
	[tilespmem:$0x1C800] =	vst v63  }
0x1ac: {  	s12 =	rddreg [dreg:$0x14]  }
0x1ad: {  	[spmem:s3] =	stream.indirect.scatter.add.f32 [tilespmem:s19], [sflag:$0x5], $0x80, s12, s18, $0xb8;
	[tilespmem:$0x1C800] =	vst v63  }
0x1ae: {  	_ =	swait.ge [sflag:s24], $0x2800  }
0x1af: {  	[sflag:s24] =	ssyncset.done $0x0  }
0x1b0: {  	[sflag:s24] =	ssyncadd.s32 $0xFFFFD800  }
0x1b1: {  	_ =	swait.ge [sflag:s25], $0x2800  }
0x1b2: {  	[sflag:s25] =	ssyncset.done $0x0  }
0x1b3: {  	s5 =	rddreg [dreg:$0x15];
	[sflag:s25] =	ssyncadd.s32 $0xFFFFD800  }
0x1b4: {  	[tilespmem:s19], [sflag:$0x2] =	stream.indirect.gather [hbm4b:s2+s18], $0x80, s5, s18, $0xb8;
	[tilespmem:$0x1C800] =	vst v63  }
0x1b5: {  	s12 =	rddreg [dreg:$0x16]  }
0x1b6: {  	[spmem:s3] =	stream.indirect.scatter.add.f32 [tilespmem:s21], [sflag:$0x6], $0x80, s12, s18, $0xb8;
	[tilespmem:$0x1C800] =	vst v63  }
0x1b7: {  	_ =	swait.ge [sflag:s20], $0x2800  }
0x1b8: {  	[sflag:s20] =	ssyncset.done $0x0  }
0x1b9: {  	[sflag:s20] =	ssyncadd.s32 $0xFFFFD800  }
0x1ba: {  	_ =	swait.ge [sflag:s26], $0x2800  }
0x1bb: {  	[sflag:s26] =	ssyncset.done $0x0  }
0x1bc: {  	s5 =	rddreg [dreg:$0x17];
	[sflag:s26] =	ssyncadd.s32 $0xFFFFD800  }
0x1bd: {  	[tilespmem:s21], [sflag:$0x3] =	stream.indirect.gather [hbm4b:s2+s18], $0x80, s5, s18, $0xb8;
	[tilespmem:$0x1C800] =	vst v63  }
0x1be: {  	s12 =	rddreg [dreg:$0x18]  }
0x1bf: {  	[spmem:s3] =	stream.indirect.scatter.add.f32 [tilespmem:s15], [sflag:$0x4], $0x80, s12, s18, $0xb8;
	[tilespmem:$0x1C800] =	vst v63  }
0x1c0: {  	_ =	swait.ge [sflag:s22], $0x2800  }
0x1c1: {  	[sflag:s22] =	ssyncset.done $0x0  }
0x1c2: {  	[sflag:s22] =	ssyncadd.s32 $0xFFFFD800  }
0x1c3: {  	_ =	swait.ge [sflag:s23], $0x2800  }
0x1c4: {  	[sflag:s23] =	ssyncset.done $0x0  }
0x1c5: {  	s5 =	rddreg [dreg:$0x19];
	[sflag:s23] =	ssyncadd.s32 $0xFFFFD800  }
0x1c6: {  	[tilespmem:s15], [sflag:$0x1] =	stream.indirect.gather [hbm4b:s2+s18], $0x80, s5, s18, $0xb8;
	[tilespmem:$0x1C800] =	vst v63  }
0x1c7: {  	s12 =	rddreg [dreg:$0x1a]  }
0x1c8: {  	[spmem:s3] =	stream.indirect.scatter.add.f32 [tilespmem:s19], [sflag:$0x5], $0x80, s12, s18, $0xb8;
	[tilespmem:$0x1C800] =	vst v63  }
0x1c9: {  	_ =	swait.ge [sflag:s24], $0x2800  }
0x1ca: {  	[sflag:s24] =	ssyncset.done $0x0  }
0x1cb: {  	[sflag:s24] =	ssyncadd.s32 $0xFFFFD800  }
0x1cc: {  	_ =	swait.ge [sflag:s25], $0x2800  }
0x1cd: {  	[sflag:s25] =	ssyncset.done $0x0  }
0x1ce: {  	s5 =	rddreg [dreg:$0x1b];
	[sflag:s25] =	ssyncadd.s32 $0xFFFFD800  }
0x1cf: {  	[tilespmem:s19], [sflag:$0x2] =	stream.indirect.gather [hbm4b:s2+s18], $0x80, s5, s18, $0xb8;
	[tilespmem:$0x1C800] =	vst v63  }
0x1d0: {  	s12 =	rddreg [dreg:$0x1c]  }
0x1d1: {  	[spmem:s3] =	stream.indirect.scatter.add.f32 [tilespmem:s21], [sflag:$0x6], $0x80, s12, s18, $0xb8;
	[tilespmem:$0x1C800] =	vst v63  }
0x1d2: {  	_ =	swait.ge [sflag:s20], $0x2800  }
0x1d3: {  	[sflag:s20] =	ssyncset.done $0x0  }
0x1d4: {  	[sflag:s20] =	ssyncadd.s32 $0xFFFFD800  }
0x1d5: {  	_ =	swait.ge [sflag:s26], $0x2800  }
0x1d6: {  	[sflag:s26] =	ssyncset.done $0x0  }
0x1d7: {  	s5 =	rddreg [dreg:$0x1d];
	[sflag:s26] =	ssyncadd.s32 $0xFFFFD800  }
0x1d8: {  	[tilespmem:s21], [sflag:$0x3] =	stream.indirect.gather [hbm4b:s2+s18], $0x80, s5, s18, $0xb8;
	[tilespmem:$0x1C800] =	vst v63  }
0x1d9: {  	s12 =	rddreg [dreg:$0x1e]  }
0x1da: {  	[spmem:s3] =	stream.indirect.scatter.add.f32 [tilespmem:s15], [sflag:$0x4], $0x80, s12, s18, $0xb8;
	[tilespmem:$0x1C800] =	vst v63  }
0x1db: {  	_ =	swait.ge [sflag:s22], $0x2800  }
0x1dc: {  	[sflag:s22] =	ssyncset.done $0x0  }
0x1dd: {  	[sflag:s22] =	ssyncadd.s32 $0xFFFFD800  }
0x1de: {  	_ =	swait.ge [sflag:s23], $0x2800  }
0x1df: {  	s5 =	rddreg [dreg:$0x1f];
	[sflag:s23] =	ssyncset.done $0x0  }
0x1e0: {  	s12 =	sld [smem:$0x7F5];
	[sflag:s23] =	ssyncadd.s32 $0xFFFFD800  }
0x1e1: {  	[tilespmem:s15], [sflag:$0x1] =	stream.indirect.gather [hbm4b:s2+s18], $0x80, s5, s18, $0xb8;
	[tilespmem:$0x1C800] =	vst v63  }
0x1e2: {  	_ = 	snop  }
0x1e3: {  	[spmem:s3] =	stream.indirect.scatter.add.f32 [tilespmem:s19], [sflag:$0x5], $0x80, s12, s18, $0xb8;
	[tilespmem:$0x1C800] =	vst v63  }
0x1e4: {  	_ =	swait.ge [sflag:s24], $0x2800  }
0x1e5: {  	[sflag:s24] =	ssyncset.done $0x0  }
0x1e6: {  	[sflag:s24] =	ssyncadd.s32 $0xFFFFD800  }
0x1e7: {  	_ =	swait.ge [sflag:s25], $0x2800  }
0x1e8: {  	s5 =	sld [smem:$0x7F6]  }
0x1e9: {  	[sflag:s25] =	ssyncset.done $0x0  }
0x1ea: {  	s12 =	sld [smem:$0x7F7];
	[sflag:s25] =	ssyncadd.s32 $0xFFFFD800  }
0x1eb: {  	[tilespmem:s19], [sflag:$0x2] =	stream.indirect.gather [hbm4b:s2+s18], $0x80, s5, s18, $0xb8;
	[tilespmem:$0x1C800] =	vst v63  }
0x1ec: {  	_ = 	snop  }
0x1ed: {  	[spmem:s3] =	stream.indirect.scatter.add.f32 [tilespmem:s21], [sflag:$0x6], $0x80, s12, s18, $0xb8;
	[tilespmem:$0x1C800] =	vst v63  }
0x1ee: {  	_ =	swait.ge [sflag:s20], $0x2800  }
0x1ef: {  	[sflag:s20] =	ssyncset.done $0x0  }
0x1f0: {  	[sflag:s20] =	ssyncadd.s32 $0xFFFFD800  }
0x1f1: {  	_ =	swait.ge [sflag:s26], $0x2800  }
0x1f2: {  	s5 =	sld [smem:$0x7F8]  }
0x1f3: {  	[sflag:s26] =	ssyncset.done $0x0  }
0x1f4: {  	s12 =	sld [smem:$0x7F9];
	[sflag:s26] =	ssyncadd.s32 $0xFFFFD800  }
0x1f5: {  	[tilespmem:s21], [sflag:$0x3] =	stream.indirect.gather [hbm4b:s2+s18], $0x80, s5, s18, $0xb8;
	[tilespmem:$0x1C800] =	vst v63  }
0x1f6: {  	_ = 	snop  }
0x1f7: {  	[spmem:s3] =	stream.indirect.scatter.add.f32 [tilespmem:s15], [sflag:$0x4], $0x80, s12, s18, $0xb8;
	[tilespmem:$0x1C800] =	vst v63  }
0x1f8: {  	_ =	swait.ge [sflag:s22], $0x2800  }
0x1f9: {  	[sflag:s22] =	ssyncset.done $0x0  }
0x1fa: {  	[sflag:s22] =	ssyncadd.s32 $0xFFFFD800  }
0x1fb: {  	_ =	swait.ge [sflag:s23], $0x2800  }
0x1fc: {  	s5 =	sld [smem:$0x7FA]  }
0x1fd: {  	[sflag:s23] =	ssyncset.done $0x0  }
0x1fe: {  	s12 =	sld [smem:$0x7FB];
	[sflag:s23] =	ssyncadd.s32 $0xFFFFD800  }
0x1ff: {  	[tilespmem:s15], [sflag:$0x1] =	stream.indirect.gather [hbm4b:s2+s18], $0x80, s5, s18, $0xb8;
	[tilespmem:$0x1C800] =	vst v63  }
0x200: {  	_ = 	snop  }
0x201: {  	[spmem:s3] =	stream.indirect.scatter.add.f32 [tilespmem:s19], [sflag:$0x5], $0x80, s12, s18, $0xb8;
	[tilespmem:$0x1C800] =	vst v63  }
0x202: {  	_ =	swait.ge [sflag:s24], $0x2800  }
0x203: {  	[sflag:s24] =	ssyncset.done $0x0  }
0x204: {  	[sflag:s24] =	ssyncadd.s32 $0xFFFFD800  }
0x205: {  	_ =	swait.ge [sflag:s25], $0x2800  }
0x206: {  	s5 =	sld [smem:$0x7FC]  }
0x207: {  	[sflag:s25] =	ssyncset.done $0x0  }
0x208: {  	s12 =	sld [smem:$0x7FD];
	[sflag:s25] =	ssyncadd.s32 $0xFFFFD800  }
0x209: {  	[tilespmem:s19], [sflag:$0x2] =	stream.indirect.gather [hbm4b:s2+s18], $0x80, s5, s18, $0xb8;
	[tilespmem:$0x1C800] =	vst v63  }
0x20a: {  	_ = 	snop  }
0x20b: {  	[spmem:s3] =	stream.indirect.scatter.add.f32 [tilespmem:s21], [sflag:$0x6], $0x80, s12, s18, $0xb8;
	[tilespmem:$0x1C800] =	vst v63  }
0x20c: {  	_ =	swait.ge [sflag:s20], $0x2800  }
0x20d: {  	[sflag:s20] =	ssyncset.done $0x0  }
0x20e: {  	[sflag:s20] =	ssyncadd.s32 $0xFFFFD800  }
0x20f: {  	_ =	swait.ge [sflag:s26], $0x2800  }
0x210: {  	[sflag:s26] =	ssyncset.done $0x0  }
0x211: {  	[sflag:s26] =	ssyncadd.s32 $0xFFFFD800  }
0x212: {  	[tilespmem:s21], [sflag:$0x3] =	stream.indirect.gather [hbm4b:s2+s18], $0x80, s28, s18, $0xb8;
	[tilespmem:$0x1C800] =	vst v63  }
0x213: {  	_ = 	snop  }
0x214: {  	[spmem:s3] =	stream.indirect.scatter.add.f32 [tilespmem:s15], [sflag:$0x4], $0x80, s29, s18, $0xb8;
	[tilespmem:$0x1C800] =	vst v63  }
0x215: {  	_ =	swait.ge [sflag:s22], $0x2800  }
0x216: {  	[sflag:s22] =	ssyncset.done $0x0  }
0x217: {  	[sflag:s22] =	ssyncadd.s32 $0xFFFFD800  }
0x218: {  	_ =	swait.ge [sflag:s23], $0x2800  }
0x219: {  	[sflag:s23] =	ssyncset.done $0x0  }
0x21a: {  	[sflag:s23] =	ssyncadd.s32 $0xFFFFD800  }
0x21b: {  	[tilespmem:s15], [sflag:$0x1] =	stream.indirect.gather [hbm4b:s2+s18], $0x80, s30, s18, $0xb8;
	[tilespmem:$0x1C800] =	vst v63  }
0x21c: {  	_ = 	snop  }
0x21d: {  	[spmem:s3] =	stream.indirect.scatter.add.f32 [tilespmem:s19], [sflag:$0x5], $0x80, s31, s18, $0xb8;
	[tilespmem:$0x1C800] =	vst v63  }
0x21e: {  	_ =	swait.ge [sflag:s24], $0x2800  }
0x21f: {  	[sflag:s24] =	ssyncset.done $0x0  }
0x220: {  	[sflag:s24] =	ssyncadd.s32 $0xFFFFD800  }
0x221: {  	_ =	swait.ge [sflag:s25], $0x2800  }
0x222: {  	[sflag:s25] =	ssyncset.done $0x0  }
0x223: {  	[sflag:s25] =	ssyncadd.s32 $0xFFFFD800  }
0x224: {  	[tilespmem:s19], [sflag:$0x2] =	stream.indirect.gather [hbm4b:s2+s18], $0x80, s1, s18, $0xb8;
	[tilespmem:$0x1C800] =	vst v63  }
0x225: {  	_ = 	snop  }
0x226: {  	[spmem:s3] =	stream.indirect.scatter.add.f32 [tilespmem:s21], [sflag:$0x6], $0x80, s0, s18, $0xb8;
	[tilespmem:$0x1C800] =	vst v63  }
0x227: {  	_ =	swait.ge [sflag:s20], $0x2800  }
0x228: {  	[sflag:s20] =	ssyncset.done $0x0  }
0x229: {  	[sflag:s20] =	ssyncadd.s32 $0xFFFFD800  }
0x22a: {  	_ =	swait.ge [sflag:s26], $0x2800  }
0x22b: {  	[sflag:s26] =	ssyncset.done $0x0  }
0x22c: {  	[sflag:s26] =	ssyncadd.s32 $0xFFFFD800  }
0x22d: {  	[tilespmem:s21], [sflag:$0x3] =	stream.indirect.gather [hbm4b:s2+s18], $0x80, s6, s18, $0xb8;
	[tilespmem:$0x1C800] =	vst v63  }
0x22e: {  	_ = 	snop  }
0x22f: {  	[spmem:s3] =	stream.indirect.scatter.add.f32 [tilespmem:s15], [sflag:$0x4], $0x80, s7, s18, $0xb8;
	[tilespmem:$0x1C800] =	vst v63  }
0x230: {  	_ =	swait.ge [sflag:s22], $0x2800  }
0x231: {  	[sflag:s22] =	ssyncset.done $0x0  }
0x232: {  	[sflag:s22] =	ssyncadd.s32 $0xFFFFD800  }
0x233: {  	_ =	swait.ge [sflag:s23], $0x2800  }
0x234: {  	[sflag:s23] =	ssyncset.done $0x0  }
0x235: {  	[sflag:s23] =	ssyncadd.s32 $0xFFFFD800  }
0x236: {  	[tilespmem:s15], [sflag:$0x1] =	stream.indirect.gather [hbm4b:s2+s18], $0x80, s8, s18, $0xb8;
	[tilespmem:$0x1C800] =	vst v63  }
0x237: {  	_ = 	snop  }
0x238: {  	[spmem:s3] =	stream.indirect.scatter.add.f32 [tilespmem:s19], [sflag:$0x5], $0x80, s9, s18, $0xb8;
	[tilespmem:$0x1C800] =	vst v63  }
0x239: {  	_ =	swait.ge [sflag:s24], $0x2800  }
0x23a: {  	[sflag:s24] =	ssyncset.done $0x0  }
0x23b: {  	[sflag:s24] =	ssyncadd.s32 $0xFFFFD800  }
0x23c: {  	_ =	swait.ge [sflag:s25], $0x2800  }
0x23d: {  	[sflag:s25] =	ssyncset.done $0x0  }
0x23e: {  	[sflag:s25] =	ssyncadd.s32 $0xFFFFD800  }
0x23f: {  	[spmem:s3] =	stream.indirect.scatter.add.f32 [tilespmem:s21], [sflag:$0x6], $0x80, s10, s18, $0xb8;
	[tilespmem:$0x1C800] =	vst v63  }
0x240: {  	_ =	swait.ge [sflag:s20], $0x2800  }
0x241: {  	[sflag:s20] =	ssyncset.done $0x0  }
0x242: {  	[sflag:s20] =	ssyncadd.s32 $0xFFFFD800  }
0x243: {  	p0 =	sne.s32 s14, $0x3E8;
	_ =	swait.ge [sflag:s26], $0x2800  }
.Ltmp1:
0x244: {  	[sflag:s26] =	ssyncset.done $0x0;
	(pc) =	sbr.rel @p0 .LBB2_4-.Ltmp1, $4  }
0x245: {  	[sflag:s26] =	ssyncadd.s32 $0xFFFFD800  }
0x246: {  	[spmem:s3] =	stream.indirect.scatter.add.f32 [tilespmem:s15], [sflag:$0x4], $0x80, s11, s18, $0xb8;
	[tilespmem:$0x1C800] =	vst v63  }
0x247: {  	_ =	swait.ge [sflag:s23], $0x2800  }
0x248: {  	s14 =	sadd.s32 $0xFA, s14;
	s5 =	rddreg [dreg:$0x5];
	[sflag:s23] =	ssyncset.done $0x0  }
0x249: {  	[sflag:s23] =	ssyncadd.s32 $0xFFFFD800;
	s5 =	sadd.s32 s13, s5  }
0x24a: {  	[tilespmem:s4], [sflag:$0x7] =	stream.linear.gather [hbm4b:s5+s4], $0x7D0, $0x38;
	[tilespmem:$0x1C800] =	vst v63  }
0x24b: {  	_ =	swait.ge [sflag:s16], $0x7D0  }
0x24c: {  	s12 =	rddreg [dreg:$0x4];
	[sflag:s16] =	ssyncset.done $0x0  }
0x24d: {  	[sflag:s16] =	ssyncadd.s32 $0xFFFFF830;
	s5 =	sadd.s32 s13, s12  }
0x24e: {  	[tilespmem:s17], [sflag:$0x7] =	stream.linear.gather [hbm4b:s5+s4], $0x7D0, $0x38;
	[tilespmem:$0x1C800] =	vst v63  }
0x24f: {  	_ =	swait.ge [sflag:s16], $0x7D0  }
0x250: {  	[sflag:s16] =	ssyncset.done $0x0  }
0x251: {  	[sflag:s16] =	ssyncadd.s32 $0xFFFFF830  }
0x252: {  	[tilespmem:s15], [sflag:$0x1] =	stream.indirect.gather [hbm4b:s2+s18], $0x80, s4, s18, $0xb8;
	[tilespmem:$0x1C800] =	vst v63  }
0x253: {  	_ = 	snop  }
0x254: {  	[tilespmem:s19], [sflag:$0x2] =	stream.indirect.gather [hbm4b:s2+s18], $0x80, s18, s18, $0xb8;
	[tilespmem:$0x1C800] =	vst v63  }
0x255: {  	_ =	swait.ge [sflag:s20], $0x2800  }
0x256: {  	[sflag:s20] =	ssyncset.done $0x0  }
0x257: {  	s13 =	rddreg [dreg:$0x6];
	[sflag:s20] =	ssyncadd.s32 $0xFFFFD800  }
0x258: {  	[tilespmem:s21], [sflag:$0x3] =	stream.indirect.gather [hbm4b:s2+s18], $0x80, s13, s18, $0xb8;
	[tilespmem:$0x1C800] =	vst v63  }
0x259: {  	_ = 	snop  }
0x25a: {  	[spmem:s3] =	stream.indirect.scatter.add.f32 [tilespmem:s15], [sflag:$0x4], $0x80, s17, s18, $0xb8;
	[tilespmem:$0x1C800] =	vst v63  }
0x25b: {  	_ =	swait.ge [sflag:s22], $0x2800  }
0x25c: {  	[sflag:s22] =	ssyncset.done $0x0  }
0x25d: {  	[sflag:s22] =	ssyncadd.s32 $0xFFFFD800  }
0x25e: {  	_ =	swait.ge [sflag:s23], $0x2800  }
0x25f: {  	[sflag:s23] =	ssyncset.done $0x0  }
0x260: {  	s14 =	rddreg [dreg:$0x7];
	[sflag:s23] =	ssyncadd.s32 $0xFFFFD800  }
0x261: {  	[tilespmem:s15], [sflag:$0x1] =	stream.indirect.gather [hbm4b:s2+s18], $0x80, s14, s18, $0xb8;
	[tilespmem:$0x1C800] =	vst v63  }
0x262: {  	s12 =	rddreg [dreg:$0x8]  }
0x263: {  	[spmem:s3] =	stream.indirect.scatter.add.f32 [tilespmem:s19], [sflag:$0x5], $0x80, s12, s18, $0xb8;
	[tilespmem:$0x1C800] =	vst v63  }
0x264: {  	_ =	swait.ge [sflag:s24], $0x2800  }
0x265: {  	[sflag:s24] =	ssyncset.done $0x0  }
0x266: {  	[sflag:s24] =	ssyncadd.s32 $0xFFFFD800  }
0x267: {  	_ =	swait.ge [sflag:s25], $0x2800  }
0x268: {  	[sflag:s25] =	ssyncset.done $0x0  }
0x269: {  	s13 =	rddreg [dreg:$0x9];
	[sflag:s25] =	ssyncadd.s32 $0xFFFFD800  }
0x26a: {  	[tilespmem:s19], [sflag:$0x2] =	stream.indirect.gather [hbm4b:s2+s18], $0x80, s13, s18, $0xb8;
	[tilespmem:$0x1C800] =	vst v63  }
0x26b: {  	s14 =	rddreg [dreg:$0xa]  }
0x26c: {  	[spmem:s3] =	stream.indirect.scatter.add.f32 [tilespmem:s21], [sflag:$0x6], $0x80, s14, s18, $0xb8;
	[tilespmem:$0x1C800] =	vst v63  }
0x26d: {  	_ =	swait.ge [sflag:s20], $0x2800  }
0x26e: {  	[sflag:s20] =	ssyncset.done $0x0  }
0x26f: {  	[sflag:s20] =	ssyncadd.s32 $0xFFFFD800  }
0x270: {  	_ =	swait.ge [sflag:s26], $0x2800  }
0x271: {  	[sflag:s26] =	ssyncset.done $0x0  }
0x272: {  	s13 =	rddreg [dreg:$0xb];
	[sflag:s26] =	ssyncadd.s32 $0xFFFFD800  }
0x273: {  	[tilespmem:s21], [sflag:$0x3] =	stream.indirect.gather [hbm4b:s2+s18], $0x80, s13, s18, $0xb8;
	[tilespmem:$0x1C800] =	vst v63  }
0x274: {  	s14 =	rddreg [dreg:$0xc]  }
0x275: {  	[spmem:s3] =	stream.indirect.scatter.add.f32 [tilespmem:s15], [sflag:$0x4], $0x80, s14, s18, $0xb8;
	[tilespmem:$0x1C800] =	vst v63  }
0x276: {  	_ =	swait.ge [sflag:s22], $0x2800  }
0x277: {  	[sflag:s22] =	ssyncset.done $0x0  }
0x278: {  	[sflag:s22] =	ssyncadd.s32 $0xFFFFD800  }
0x279: {  	_ =	swait.ge [sflag:s23], $0x2800  }
0x27a: {  	[sflag:s23] =	ssyncset.done $0x0  }
0x27b: {  	s13 =	rddreg [dreg:$0xd];
	[sflag:s23] =	ssyncadd.s32 $0xFFFFD800  }
0x27c: {  	[tilespmem:s15], [sflag:$0x1] =	stream.indirect.gather [hbm4b:s2+s18], $0x80, s13, s18, $0xb8;
	[tilespmem:$0x1C800] =	vst v63  }
0x27d: {  	s14 =	rddreg [dreg:$0xe]  }
0x27e: {  	[spmem:s3] =	stream.indirect.scatter.add.f32 [tilespmem:s19], [sflag:$0x5], $0x80, s14, s18, $0xb8;
	[tilespmem:$0x1C800] =	vst v63  }
0x27f: {  	_ =	swait.ge [sflag:s24], $0x2800  }
0x280: {  	[sflag:s24] =	ssyncset.done $0x0  }
0x281: {  	[sflag:s24] =	ssyncadd.s32 $0xFFFFD800  }
0x282: {  	_ =	swait.ge [sflag:s25], $0x2800  }
0x283: {  	[sflag:s25] =	ssyncset.done $0x0  }
0x284: {  	s13 =	rddreg [dreg:$0xf];
	[sflag:s25] =	ssyncadd.s32 $0xFFFFD800  }
0x285: {  	[tilespmem:s19], [sflag:$0x2] =	stream.indirect.gather [hbm4b:s2+s18], $0x80, s13, s18, $0xb8;
	[tilespmem:$0x1C800] =	vst v63  }
0x286: {  	s14 =	rddreg [dreg:$0x10]  }
0x287: {  	[spmem:s3] =	stream.indirect.scatter.add.f32 [tilespmem:s21], [sflag:$0x6], $0x80, s14, s18, $0xb8;
	[tilespmem:$0x1C800] =	vst v63  }
0x288: {  	_ =	swait.ge [sflag:s20], $0x2800  }
0x289: {  	[sflag:s20] =	ssyncset.done $0x0  }
0x28a: {  	[sflag:s20] =	ssyncadd.s32 $0xFFFFD800  }
0x28b: {  	_ =	swait.ge [sflag:s26], $0x2800  }
0x28c: {  	[sflag:s26] =	ssyncset.done $0x0  }
0x28d: {  	s13 =	rddreg [dreg:$0x11];
	[sflag:s26] =	ssyncadd.s32 $0xFFFFD800  }
0x28e: {  	[tilespmem:s21], [sflag:$0x3] =	stream.indirect.gather [hbm4b:s2+s18], $0x80, s13, s18, $0xb8;
	[tilespmem:$0x1C800] =	vst v63  }
0x28f: {  	s14 =	rddreg [dreg:$0x12]  }
0x290: {  	[spmem:s3] =	stream.indirect.scatter.add.f32 [tilespmem:s15], [sflag:$0x4], $0x80, s14, s18, $0xb8;
	[tilespmem:$0x1C800] =	vst v63  }
0x291: {  	_ =	swait.ge [sflag:s22], $0x2800  }
0x292: {  	[sflag:s22] =	ssyncset.done $0x0  }
0x293: {  	[sflag:s22] =	ssyncadd.s32 $0xFFFFD800  }
0x294: {  	_ =	swait.ge [sflag:s23], $0x2800  }
0x295: {  	[sflag:s23] =	ssyncset.done $0x0  }
0x296: {  	s13 =	rddreg [dreg:$0x13];
	[sflag:s23] =	ssyncadd.s32 $0xFFFFD800  }
0x297: {  	[tilespmem:s15], [sflag:$0x1] =	stream.indirect.gather [hbm4b:s2+s18], $0x80, s13, s18, $0xb8;
	[tilespmem:$0x1C800] =	vst v63  }
0x298: {  	s14 =	rddreg [dreg:$0x14]  }
0x299: {  	[spmem:s3] =	stream.indirect.scatter.add.f32 [tilespmem:s19], [sflag:$0x5], $0x80, s14, s18, $0xb8;
	[tilespmem:$0x1C800] =	vst v63  }
0x29a: {  	_ =	swait.ge [sflag:s24], $0x2800  }
0x29b: {  	[sflag:s24] =	ssyncset.done $0x0  }
0x29c: {  	[sflag:s24] =	ssyncadd.s32 $0xFFFFD800  }
0x29d: {  	_ =	swait.ge [sflag:s25], $0x2800  }
0x29e: {  	[sflag:s25] =	ssyncset.done $0x0  }
0x29f: {  	s13 =	rddreg [dreg:$0x15];
	[sflag:s25] =	ssyncadd.s32 $0xFFFFD800  }
0x2a0: {  	[tilespmem:s19], [sflag:$0x2] =	stream.indirect.gather [hbm4b:s2+s18], $0x80, s13, s18, $0xb8;
	[tilespmem:$0x1C800] =	vst v63  }
0x2a1: {  	s14 =	rddreg [dreg:$0x16]  }
0x2a2: {  	[spmem:s3] =	stream.indirect.scatter.add.f32 [tilespmem:s21], [sflag:$0x6], $0x80, s14, s18, $0xb8;
	[tilespmem:$0x1C800] =	vst v63  }
0x2a3: {  	_ =	swait.ge [sflag:s20], $0x2800  }
0x2a4: {  	[sflag:s20] =	ssyncset.done $0x0  }
0x2a5: {  	[sflag:s20] =	ssyncadd.s32 $0xFFFFD800  }
0x2a6: {  	_ =	swait.ge [sflag:s26], $0x2800  }
0x2a7: {  	[sflag:s26] =	ssyncset.done $0x0  }
0x2a8: {  	s13 =	rddreg [dreg:$0x17];
	[sflag:s26] =	ssyncadd.s32 $0xFFFFD800  }
0x2a9: {  	[tilespmem:s21], [sflag:$0x3] =	stream.indirect.gather [hbm4b:s2+s18], $0x80, s13, s18, $0xb8;
	[tilespmem:$0x1C800] =	vst v63  }
0x2aa: {  	s14 =	rddreg [dreg:$0x18]  }
0x2ab: {  	[spmem:s3] =	stream.indirect.scatter.add.f32 [tilespmem:s15], [sflag:$0x4], $0x80, s14, s18, $0xb8;
	[tilespmem:$0x1C800] =	vst v63  }
0x2ac: {  	_ =	swait.ge [sflag:s22], $0x2800  }
0x2ad: {  	[sflag:s22] =	ssyncset.done $0x0  }
0x2ae: {  	[sflag:s22] =	ssyncadd.s32 $0xFFFFD800  }
0x2af: {  	_ =	swait.ge [sflag:s23], $0x2800  }
0x2b0: {  	[sflag:s23] =	ssyncset.done $0x0  }
0x2b1: {  	s13 =	rddreg [dreg:$0x19];
	[sflag:s23] =	ssyncadd.s32 $0xFFFFD800  }
0x2b2: {  	[tilespmem:s15], [sflag:$0x1] =	stream.indirect.gather [hbm4b:s2+s18], $0x80, s13, s18, $0xb8;
	[tilespmem:$0x1C800] =	vst v63  }
0x2b3: {  	s14 =	rddreg [dreg:$0x1a]  }
0x2b4: {  	[spmem:s3] =	stream.indirect.scatter.add.f32 [tilespmem:s19], [sflag:$0x5], $0x80, s14, s18, $0xb8;
	[tilespmem:$0x1C800] =	vst v63  }
0x2b5: {  	_ =	swait.ge [sflag:s24], $0x2800  }
0x2b6: {  	[sflag:s24] =	ssyncset.done $0x0  }
0x2b7: {  	[sflag:s24] =	ssyncadd.s32 $0xFFFFD800  }
0x2b8: {  	_ =	swait.ge [sflag:s25], $0x2800  }
0x2b9: {  	[sflag:s25] =	ssyncset.done $0x0  }
0x2ba: {  	s13 =	rddreg [dreg:$0x1b];
	[sflag:s25] =	ssyncadd.s32 $0xFFFFD800  }
0x2bb: {  	[tilespmem:s19], [sflag:$0x2] =	stream.indirect.gather [hbm4b:s2+s18], $0x80, s13, s18, $0xb8;
	[tilespmem:$0x1C800] =	vst v63  }
0x2bc: {  	s14 =	rddreg [dreg:$0x1c]  }
0x2bd: {  	[spmem:s3] =	stream.indirect.scatter.add.f32 [tilespmem:s21], [sflag:$0x6], $0x80, s14, s18, $0xb8;
	[tilespmem:$0x1C800] =	vst v63  }
0x2be: {  	_ =	swait.ge [sflag:s20], $0x2800  }
0x2bf: {  	[sflag:s20] =	ssyncset.done $0x0  }
0x2c0: {  	[sflag:s20] =	ssyncadd.s32 $0xFFFFD800  }
0x2c1: {  	_ =	swait.ge [sflag:s26], $0x2800  }
0x2c2: {  	[sflag:s26] =	ssyncset.done $0x0  }
0x2c3: {  	s13 =	rddreg [dreg:$0x1d];
	[sflag:s26] =	ssyncadd.s32 $0xFFFFD800  }
0x2c4: {  	[tilespmem:s21], [sflag:$0x3] =	stream.indirect.gather [hbm4b:s2+s18], $0x80, s13, s18, $0xb8;
	[tilespmem:$0x1C800] =	vst v63  }
0x2c5: {  	s14 =	rddreg [dreg:$0x1e]  }
0x2c6: {  	[spmem:s3] =	stream.indirect.scatter.add.f32 [tilespmem:s15], [sflag:$0x4], $0x80, s14, s18, $0xb8;
	[tilespmem:$0x1C800] =	vst v63  }
0x2c7: {  	_ =	swait.ge [sflag:s22], $0x2800  }
0x2c8: {  	[sflag:s22] =	ssyncset.done $0x0  }
0x2c9: {  	[sflag:s22] =	ssyncadd.s32 $0xFFFFD800  }
0x2ca: {  	_ =	swait.ge [sflag:s23], $0x2800  }
0x2cb: {  	s13 =	rddreg [dreg:$0x1f];
	[sflag:s23] =	ssyncset.done $0x0  }
0x2cc: {  	s14 =	sld [smem:$0x7F5];
	[sflag:s23] =	ssyncadd.s32 $0xFFFFD800  }
0x2cd: {  	[tilespmem:s15], [sflag:$0x1] =	stream.indirect.gather [hbm4b:s2+s18], $0x80, s13, s18, $0xb8;
	[tilespmem:$0x1C800] =	vst v63  }
0x2ce: {  	_ = 	snop  }
0x2cf: {  	[spmem:s3] =	stream.indirect.scatter.add.f32 [tilespmem:s19], [sflag:$0x5], $0x80, s14, s18, $0xb8;
	[tilespmem:$0x1C800] =	vst v63  }
0x2d0: {  	_ =	swait.ge [sflag:s24], $0x2800  }
0x2d1: {  	[sflag:s24] =	ssyncset.done $0x0  }
0x2d2: {  	[sflag:s24] =	ssyncadd.s32 $0xFFFFD800  }
0x2d3: {  	_ =	swait.ge [sflag:s25], $0x2800  }
0x2d4: {  	s13 =	sld [smem:$0x7F6]  }
0x2d5: {  	[sflag:s25] =	ssyncset.done $0x0  }
0x2d6: {  	s14 =	sld [smem:$0x7F7];
	[sflag:s25] =	ssyncadd.s32 $0xFFFFD800  }
0x2d7: {  	[tilespmem:s19], [sflag:$0x2] =	stream.indirect.gather [hbm4b:s2+s18], $0x80, s13, s18, $0xb8;
	[tilespmem:$0x1C800] =	vst v63  }
0x2d8: {  	_ = 	snop  }
0x2d9: {  	[spmem:s3] =	stream.indirect.scatter.add.f32 [tilespmem:s21], [sflag:$0x6], $0x80, s14, s18, $0xb8;
	[tilespmem:$0x1C800] =	vst v63  }
0x2da: {  	_ =	swait.ge [sflag:s20], $0x2800  }
0x2db: {  	[sflag:s20] =	ssyncset.done $0x0  }
0x2dc: {  	[sflag:s20] =	ssyncadd.s32 $0xFFFFD800  }
0x2dd: {  	_ =	swait.ge [sflag:s26], $0x2800  }
0x2de: {  	s13 =	sld [smem:$0x7F8]  }
0x2df: {  	[sflag:s26] =	ssyncset.done $0x0  }
0x2e0: {  	s14 =	sld [smem:$0x7F9];
	[sflag:s26] =	ssyncadd.s32 $0xFFFFD800  }
0x2e1: {  	[tilespmem:s21], [sflag:$0x3] =	stream.indirect.gather [hbm4b:s2+s18], $0x80, s13, s18, $0xb8;
	[tilespmem:$0x1C800] =	vst v63  }
0x2e2: {  	_ = 	snop  }
0x2e3: {  	[spmem:s3] =	stream.indirect.scatter.add.f32 [tilespmem:s15], [sflag:$0x4], $0x80, s14, s18, $0xb8;
	[tilespmem:$0x1C800] =	vst v63  }
0x2e4: {  	_ =	swait.ge [sflag:s22], $0x2800  }
0x2e5: {  	[sflag:s22] =	ssyncset.done $0x0  }
0x2e6: {  	[sflag:s22] =	ssyncadd.s32 $0xFFFFD800  }
0x2e7: {  	_ =	swait.ge [sflag:s23], $0x2800  }
0x2e8: {  	s13 =	sld [smem:$0x7FA]  }
0x2e9: {  	[sflag:s23] =	ssyncset.done $0x0  }
0x2ea: {  	s14 =	sld [smem:$0x7FB];
	[sflag:s23] =	ssyncadd.s32 $0xFFFFD800  }
0x2eb: {  	[tilespmem:s15], [sflag:$0x1] =	stream.indirect.gather [hbm4b:s2+s18], $0x80, s13, s18, $0xb8;
	[tilespmem:$0x1C800] =	vst v63  }
0x2ec: {  	_ = 	snop  }
0x2ed: {  	[spmem:s3] =	stream.indirect.scatter.add.f32 [tilespmem:s19], [sflag:$0x5], $0x80, s14, s18, $0xb8;
	[tilespmem:$0x1C800] =	vst v63  }
0x2ee: {  	_ =	swait.ge [sflag:s24], $0x2800  }
0x2ef: {  	[sflag:s24] =	ssyncset.done $0x0  }
0x2f0: {  	[sflag:s24] =	ssyncadd.s32 $0xFFFFD800  }
0x2f1: {  	_ =	swait.ge [sflag:s25], $0x2800  }
0x2f2: {  	s13 =	sld [smem:$0x7FC]  }
0x2f3: {  	[sflag:s25] =	ssyncset.done $0x0  }
0x2f4: {  	s14 =	sld [smem:$0x7FD];
	[sflag:s25] =	ssyncadd.s32 $0xFFFFD800  }
0x2f5: {  	[tilespmem:s19], [sflag:$0x2] =	stream.indirect.gather [hbm4b:s2+s18], $0x80, s13, s18, $0xb8;
	[tilespmem:$0x1C800] =	vst v63  }
0x2f6: {  	_ = 	snop  }
0x2f7: {  	[spmem:s3] =	stream.indirect.scatter.add.f32 [tilespmem:s21], [sflag:$0x6], $0x80, s14, s18, $0xb8;
	[tilespmem:$0x1C800] =	vst v63  }
0x2f8: {  	_ =	swait.ge [sflag:s20], $0x2800  }
0x2f9: {  	[sflag:s20] =	ssyncset.done $0x0  }
0x2fa: {  	[sflag:s20] =	ssyncadd.s32 $0xFFFFD800  }
0x2fb: {  	_ =	swait.ge [sflag:s26], $0x2800  }
0x2fc: {  	[sflag:s26] =	ssyncset.done $0x0  }
0x2fd: {  	[sflag:s26] =	ssyncadd.s32 $0xFFFFD800  }
0x2fe: {  	[tilespmem:s21], [sflag:$0x3] =	stream.indirect.gather [hbm4b:s2+s18], $0x80, s28, s18, $0xb8;
	[tilespmem:$0x1C800] =	vst v63  }
0x2ff: {  	_ = 	snop  }
0x300: {  	[spmem:s3] =	stream.indirect.scatter.add.f32 [tilespmem:s15], [sflag:$0x4], $0x80, s29, s18, $0xb8;
	[tilespmem:$0x1C800] =	vst v63  }
0x301: {  	_ =	swait.ge [sflag:s22], $0x2800  }
0x302: {  	[sflag:s22] =	ssyncset.done $0x0  }
0x303: {  	[sflag:s22] =	ssyncadd.s32 $0xFFFFD800  }
0x304: {  	_ =	swait.ge [sflag:s23], $0x2800  }
0x305: {  	[sflag:s23] =	ssyncset.done $0x0  }
0x306: {  	[sflag:s23] =	ssyncadd.s32 $0xFFFFD800  }
0x307: {  	[tilespmem:s15], [sflag:$0x1] =	stream.indirect.gather [hbm4b:s2+s18], $0x80, s30, s18, $0xb8;
	[tilespmem:$0x1C800] =	vst v63  }
0x308: {  	_ = 	snop  }
0x309: {  	[spmem:s3] =	stream.indirect.scatter.add.f32 [tilespmem:s19], [sflag:$0x5], $0x80, s31, s18, $0xb8;
	[tilespmem:$0x1C800] =	vst v63  }
0x30a: {  	_ =	swait.ge [sflag:s24], $0x2800  }
0x30b: {  	[sflag:s24] =	ssyncset.done $0x0  }
0x30c: {  	[sflag:s24] =	ssyncadd.s32 $0xFFFFD800  }
0x30d: {  	_ =	swait.ge [sflag:s25], $0x2800  }
0x30e: {  	[sflag:s25] =	ssyncset.done $0x0  }
0x30f: {  	[sflag:s25] =	ssyncadd.s32 $0xFFFFD800  }
0x310: {  	[tilespmem:s19], [sflag:$0x2] =	stream.indirect.gather [hbm4b:s2+s18], $0x80, s1, s18, $0xb8;
	[tilespmem:$0x1C800] =	vst v63  }
0x311: {  	_ = 	snop  }
0x312: {  	[spmem:s3] =	stream.indirect.scatter.add.f32 [tilespmem:s21], [sflag:$0x6], $0x80, s0, s18, $0xb8;
	[tilespmem:$0x1C800] =	vst v63  }
0x313: {  	_ =	swait.ge [sflag:s20], $0x2800  }
0x314: {  	[sflag:s20] =	ssyncset.done $0x0  }
0x315: {  	[sflag:s20] =	ssyncadd.s32 $0xFFFFD800  }
0x316: {  	_ =	swait.ge [sflag:s26], $0x2800  }
0x317: {  	[sflag:s26] =	ssyncset.done $0x0  }
0x318: {  	[sflag:s26] =	ssyncadd.s32 $0xFFFFD800  }
0x319: {  	[tilespmem:s21], [sflag:$0x3] =	stream.indirect.gather [hbm4b:s2+s18], $0x80, s6, s18, $0xb8;
	[tilespmem:$0x1C800] =	vst v63  }
0x31a: {  	_ = 	snop  }
0x31b: {  	[spmem:s3] =	stream.indirect.scatter.add.f32 [tilespmem:s15], [sflag:$0x4], $0x80, s7, s18, $0xb8;
	[tilespmem:$0x1C800] =	vst v63  }
0x31c: {  	_ =	swait.ge [sflag:s22], $0x2800  }
0x31d: {  	[sflag:s22] =	ssyncset.done $0x0  }
0x31e: {  	[sflag:s22] =	ssyncadd.s32 $0xFFFFD800  }
0x31f: {  	_ =	swait.ge [sflag:s23], $0x2800  }
0x320: {  	[sflag:s23] =	ssyncset.done $0x0  }
0x321: {  	[sflag:s23] =	ssyncadd.s32 $0xFFFFD800  }
0x322: {  	[tilespmem:s15], [sflag:$0x1] =	stream.indirect.gather [hbm4b:s2+s18], $0x80, s8, s18, $0xb8;
	[tilespmem:$0x1C800] =	vst v63  }
0x323: {  	_ = 	snop  }
0x324: {  	[spmem:s3] =	stream.indirect.scatter.add.f32 [tilespmem:s19], [sflag:$0x5], $0x80, s9, s18, $0xb8;
	[tilespmem:$0x1C800] =	vst v63  }
0x325: {  	_ =	swait.ge [sflag:s24], $0x2800  }
0x326: {  	[sflag:s24] =	ssyncset.done $0x0  }
0x327: {  	[sflag:s24] =	ssyncadd.s32 $0xFFFFD800  }
0x328: {  	_ =	swait.ge [sflag:s25], $0x2800  }
0x329: {  	[sflag:s25] =	ssyncset.done $0x0  }
0x32a: {  	[sflag:s25] =	ssyncadd.s32 $0xFFFFD800  }
0x32b: {  	[spmem:s3] =	stream.indirect.scatter.add.f32 [tilespmem:s21], [sflag:$0x6], $0x80, s10, s18, $0xb8;
	[tilespmem:$0x1C800] =	vst v63  }
0x32c: {  	_ =	swait.ge [sflag:s20], $0x2800  }
0x32d: {  	[sflag:s20] =	ssyncset.done $0x0  }
0x32e: {  	[sflag:s20] =	ssyncadd.s32 $0xFFFFD800  }
0x32f: {  	_ =	swait.ge [sflag:s26], $0x2800  }
0x330: {  	[sflag:s26] =	ssyncset.done $0x0  }
0x331: {  	[sflag:s26] =	ssyncadd.s32 $0xFFFFD800  }
0x332: {  	[spmem:s3] =	stream.indirect.scatter.add.f32 [tilespmem:s15], [sflag:$0x4], $0x80, s11, s18, $0xb8;
	[tilespmem:$0x1C800] =	vst v63  }
0x333: {  	_ =	swait.ge [sflag:s23], $0x2800  }
0x334: {  	[sflag:s23] =	ssyncset.done $0x0  }
0x335: {  	[sflag:s23] =	ssyncadd.s32 $0xFFFFD800  }
0x336: {  	[bflag:$0x0] =	sbarrier.arrive $0xFFFF  }
0x337: {  	s13 =	sld [smem:$0x7F1]  }
0x338: {  	s12 =	stileid.u32;
	s14 =	sld [smem:$0x7F3]  }
0x339: {  	s5 =	sshll.u32 s12, $0x6  }
0x33a: {  	s5 =	sor.u32 $0x1C07, s5;
	s12 =	sshrl.u32 s13, $0x3  }
0x33b: {  	[hbm:s14], [sflag:s5] =	dma.local [spmem:s12], $0x2800  }
0x33c: {  	_ =	swait.ge [sflag:s16], $0x2800  }
0x33d: {  	s13 =	sld [smem:$0x7EA]  }
0x33e: {  	s14 =	sld [smem:$0x7F4];
	_ =	sdelay $0x1  }
0x33f: {  	s12 =	sadd.s32 $0x1, s13  }
0x340: {  	p0 =	sne.s32 s12, s14  }
.Ltmp2:
0x341: {  	_ = 	snop;
	(pc) =	sbr.rel @p0 .LBB2_1-.Ltmp2, $3  }
0x342: {  	_ =	sdelay $0x1  }
0x343: {  	[sflag:s16] =	ssyncset.done $0x0  }
0x344: {  	[sflag:s16] =	ssyncadd.s32 $0xFFFFD800  }
0x345: {  	_ =	sfence.sel $0x180000  }
0x346: {  	[bflag:$0x0] =	sbarrier.arrive $0xFFFF  }
0x347: {  	_ =	strace $0x9000004A  }
0x348: {  	s0 =	stileid.u32;
	[bflag:$0x2] =	sbarrier.arrive $0xFFFF  }
0x349: {  	p0 =	sne.s32 s0, $0x0;
	s0 =	rddreg [dreg:$0x3]  }
0x34a: {  	s0 =	sadd.s32 @!p0 $0x100000, s0  }
0x34b: {  	[sflag:s0] =	ssyncadd.tile.s32 @!p0 $0x1;
	_ =	shalt  }
.Lfunc_end2:
_tile_overlayer_lowered:
.L_overlay_start_2:
0x34c: {  	(tag) =	ssettag $0x2  }
0x34d: {  	s0 =	rddreg [dreg:$0x0];
	s2 =	stileid.u32  }
0x34e: {  	s1 =	rddreg [dreg:$0x1];
	p0 =	sne.s32 s2, $0x0  }
0x34f: {  	s3 =	rddreg [dreg:$0x2];
	[bflag:$0x3] =	sbarrier.arrive $0xFFFF;
	s2 =	simm.s32 @!p0 $0x1C07  }
0x350: {  	[timem:s3], [sflag:s2] =	dma.local @!p0 [hbm:s0], s1  }
0x351: {  	s0 =	simm.s32 @!p0 $0x7  }
0x352: {  	_ =	swait.ge @!p0 [sflag:s0], s1  }
0x353: {  	s1 =	ssub.s32 @!p0 $0x0, s1;
	[sflag:s0] =	ssyncset.done @!p0 $0x0  }
0x354: {  	[sflag:s0] =	ssyncadd.s32 @!p0 s1  }
0x355: {  	[bflag:$0x3] =	sbarrier.arrive $0xFFFF  }
0x356: {  	_ =	shalt  }

// kernel: kernel.13.cloned.1.call-start
scs
__scs_entry_jumppad:
0x0: {  	(pc) =	sbr.rel $0x88, $3  }
0x1: {  	(tag) =	ssettag $0x0;
	lr =	simm.s32 $0x1  }
0x2: {  	[smem:$0x3F97] =	sst lr;
	_ =	strace $0xD0000000  }
0x3: {  	_ = 	snop  }
0x4: {  	_ = 	snop  }
0x5: {  	_ = 	snop  }
0x6: {  	_ = 	snop  }
0x7: {  	_ = 	snop  }
__scs_overlays_trampoline_lowered:
0x8: {  	[smem:$0x3FA6] =	sst s0  }
0x9: {  	[smem:$0x3FA7] =	sst s1  }
0xa: {  	[smem:$0x3FA8] =	sst s2  }
0xb: {  	[smem:$0x3FA9] =	sst s3  }
0xc: {  	[smem:$0x3FAA] =	sst s4  }
0xd: {  	[smem:$0x3FAB] =	sst s5  }
0xe: {  	[smem:$0x3FAC] =	sst s6  }
0xf: {  	[smem:$0x3FAD] =	sst s7  }
0x10: {  	[smem:$0x3FAE] =	sst s8  }
0x11: {  	[smem:$0x3FAF] =	sst s9;
	s0 =	simm.s32 @!p0 $0x0  }
0x12: {  	s1 =	sld [smem:$0x3F95];
	s0 =	simm.s32 @p0 $0x1  }
0x13: {  	[smem:$0x3FB0] =	sst s0;
	s0 =	simm.s32 @!p1 $0x0  }
0x14: {  	s2 =	sld [smem:$0x3F94];
	s0 =	simm.s32 @p1 $0x1  }
0x15: {  	[smem:$0x3FB1] =	sst s0;
	s0 =	simm.s32 @!p2 $0x0  }
0x16: {  	s3 =	sld [smem:$0x3FDB];
	s0 =	simm.s32 @p2 $0x1  }
0x17: {  	s4 =	simm.s32 $0x1BF5;
	[smem:$0x3FB3] =	sst s0  }
0x18: {  	s0 =	sld [smem:$0x3F96];
	_ =	swait.ge [sflag:s4], $0x0  }
0x19: {  	s7 =	sld [smem:$0x3F97]  }
0x1a: {  	s8 =	sadd.s32 $0xFFFFE003, lr  }
0x1b: {  	s9 =	sadd.s32 $0xFFFFFEF7, lr;
	s5 =	simm.s32 $0xFFFFFFFF;
	p2 =	slt.u32 s8, $0xFFFFF086  }
0x1c: {  	p1 =	slt.u32 s9, $0xF7A;
	s5 =	simm.s32 @!p2 $0x0  }
0x1d: {  	s5 =	simm.s32 @p1 $0x1;
	p0 =	seq.s32 s7, s2  }
0x1e: {  	s7 =	smul.u32 @!p0 $0xF7A, s2;
	p2 =	seq.s32 @!p0 s5, $0x0  }
0x1f: {  	s9 =	smul.u32 $0xF7A, s1;
	s8 =	simm.s32 @!p0 $0x1BF5;
	p2 =	por !p2, p0  }
0x20: {  	[sflag:s8] =	ssyncset.s32 @!p0 $0xFFFFF086;
	s6 =	sadd.s32 @!p0 s3, s7;
	s7 =	simm.s32 @!p0 $0x108  }
0x21: {  	s3 =	sadd.s32 s3, s9;
	s6 =	sadd.s32 @!p0 $0x88, s6;
	s7 =	simm.s32 @p2 $0x1082  }
0x22: {  	[simem:s7], [sflag:s8] =	dma.local @!p0 [hbm:s6], $0xF7A  }
0x23: {  	s9 =	sor.u32 $0xD0000000, s2;
	s6 =	simm.s32 $0x108;
	_ =	swait.ge @!p0 [sflag:s8], $0x0  }
0x24: {  	s3 =	sadd.s32 $0x88, s3;
	s6 =	simm.s32 @!p1 $0x1082;
	[sflag:s4] =	ssyncset.s32 $0xFFFFF086  }
0x25: {  	[simem:s6], [sflag:s4] =	dma.local [hbm:s3], $0xF7A  }
0x26: {  	[smem:$0x3F97] =	sst s1;
	(tag) =	ssettag s2;
	_ =	strace s9  }
0x27: {  	s1 =	sld [smem:$0x3FA7]  }
0x28: {  	s2 =	sld [smem:$0x3FA8]  }
0x29: {  	s4 =	sld [smem:$0x3FAA]  }
0x2a: {  	p0 =	seq.s32 s5, $0x0;
	s5 =	sld [smem:$0x3FAB]  }
0x2b: {  	s6 =	sld [smem:$0x3FAC]  }
0x2c: {  	s7 =	sld [smem:$0x3FAD]  }
0x2d: {  	s3 =	simm.s32 $0x108;
	s8 =	sld [smem:$0x3FAE]  }
0x2e: {  	s3 =	simm.s32 @!p0 $0x1082;
	s9 =	sld [smem:$0x3FAF]  }
0x2f: {  	lr =	sadd.s32 s0, s3;
	s0 =	sld [smem:$0x3FA6]  }
0x30: {  	s3 =	sld [smem:$0x3FA9]  }
0x31: {  	[smem:$0x3FB2] =	sst s10  }
0x32: {  	s10 =	sld [smem:$0x3FB0];
	_ =	sdelay $0x3  }
0x33: {  	p0 =	seq.s32 s10, $0x1;
	s10 =	sld [smem:$0x3FB2];
	_ =	sdelay $0x3  }
0x34: {  	[smem:$0x3FB2] =	sst s10  }
0x35: {  	s10 =	sld [smem:$0x3FB1];
	_ =	sdelay $0x3  }
0x36: {  	p1 =	seq.s32 s10, $0x1;
	s10 =	sld [smem:$0x3FB2];
	_ =	sdelay $0x3  }
0x37: {  	[smem:$0x3FB2] =	sst s10  }
0x38: {  	s10 =	sld [smem:$0x3FB3]  }
0x39: {  	_ = 	snop;
	(pc) =	sbr.ind lr, $3  }
0x3a: {  	_ = 	snop  }
0x3b: {  	_ = 	snop  }
0x3c: {  	p2 =	seq.s32 s10, $0x1;
	s10 =	sld [smem:$0x3FB2]  }
0x3d: {  	_ =	shalt  }
0x3e: {  	_ =	shalt  }
0x3f: {  	_ =	shalt  }
0x40: {  	_ =	shalt  }
0x41: {  	_ =	shalt  }
0x42: {  	_ =	shalt  }
0x43: {  	_ =	shalt  }
0x44: {  	_ =	shalt  }
0x45: {  	_ =	shalt  }
0x46: {  	_ =	shalt  }
0x47: {  	_ =	shalt  }
0x48: {  	_ =	shalt  }
0x49: {  	_ =	shalt  }
0x4a: {  	_ =	shalt  }
0x4b: {  	_ =	shalt  }
0x4c: {  	_ =	shalt  }
0x4d: {  	_ =	shalt  }
0x4e: {  	_ =	shalt  }
0x4f: {  	_ =	shalt  }
0x50: {  	_ =	shalt  }
0x51: {  	_ =	shalt  }
0x52: {  	_ =	shalt  }
0x53: {  	_ =	shalt  }
0x54: {  	_ =	shalt  }
0x55: {  	_ =	shalt  }
0x56: {  	_ =	shalt  }
0x57: {  	_ =	shalt  }
0x58: {  	_ =	shalt  }
0x59: {  	_ =	shalt  }
0x5a: {  	_ =	shalt  }
0x5b: {  	_ =	shalt  }
0x5c: {  	_ =	shalt  }
0x5d: {  	_ =	shalt  }
0x5e: {  	_ =	shalt  }
0x5f: {  	_ =	shalt  }
0x60: {  	_ =	shalt  }
0x61: {  	_ =	shalt  }
0x62: {  	_ =	shalt  }
0x63: {  	_ =	shalt  }
0x64: {  	_ =	shalt  }
0x65: {  	_ =	shalt  }
0x66: {  	_ =	shalt  }
0x67: {  	_ =	shalt  }
0x68: {  	_ =	shalt  }
0x69: {  	_ =	shalt  }
0x6a: {  	_ =	shalt  }
0x6b: {  	_ =	shalt  }
0x6c: {  	_ =	shalt  }
0x6d: {  	_ =	shalt  }
0x6e: {  	_ =	shalt  }
0x6f: {  	_ =	shalt  }
0x70: {  	_ =	shalt  }
0x71: {  	_ =	shalt  }
0x72: {  	_ =	shalt  }
0x73: {  	_ =	shalt  }
0x74: {  	_ =	shalt  }
0x75: {  	_ =	shalt  }
0x76: {  	_ =	shalt  }
0x77: {  	_ =	shalt  }
0x78: {  	_ =	shalt  }
0x79: {  	_ =	shalt  }
0x7a: {  	_ =	shalt  }
0x7b: {  	_ =	shalt  }
0x7c: {  	_ =	shalt  }
0x7d: {  	_ =	shalt  }
0x7e: {  	_ =	shalt  }
0x7f: {  	_ =	shalt  }
0x80: {  	_ =	shalt  }
0x81: {  	_ =	shalt  }
0x82: {  	_ =	shalt  }
0x83: {  	_ =	shalt  }
0x84: {  	_ =	shalt  }
0x85: {  	_ =	shalt  }
0x86: {  	_ =	shalt  }
0x87: {  	_ =	shalt  }
.Lfunc_end0:
.L_simem_size_0:
called_computation.2_lowered:
.L_overlay_start_0:
0x88: {  	s2 =	sld [smem:$0x3FD9]  }
0x89: {  	s3 =	sld [smem:$0x3FFE];
	_ =	sdelay $0x1  }
0x8a: {  	s1 =	srdreg.scid  }
0x8b: {  	s0 =	sand.u32 $0x1, s1  }
0x8c: {  	s16 =	sshll.u32 s0, $0xA;
	s2 =	sadd.s32 s3, s2  }
0x8d: {  	s2 =	sadd.s32 s2, s16  }
0x8e: {  	[smem:$0x3FBE] =	sst s2  }
0x8f: {  	_ = 	snop  }
0x90: {  	(tm) =	ssettm $0x1  }
0x91: {  	s17 =	sld [smem:$0x3FFB];
	_ =	sdelay $0x3  }
0x92: {  	_ =	strace s17  }
0x93: {  	s2 =	sld [smem:$0x3FFC];
	_ =	sdelay $0x3  }
0x94: {  	_ =	strace s2  }
0x95: {  	s2 =	sld [smem:$0x3FFD];
	_ =	sdelay $0x3  }
0x96: {  	_ =	strace s2  }
0x97: {  	_ =	strace $0x8FFFFFFF  }
0x98: {  	s18 =	sld [smem:$0x3FDB];
	_ =	sdelay $0x1  }
0x99: {  	s19 =	simm.s32 $_scs_section_size  }
0x9a: {  	s4 =	simm.s32 $_size__tile_overlayer_lowered;
	s5 =	simm.s32 $_tile_overlayer_lowered  }
0x9b: {  	s22 =	simm.s32 $0x1BFF;
	s21 =	sshll.u32 s5, $0x1;
	s2 =	sadd.s32 s19, s18  }
0x9c: {  	s6 =	simm.s32 $0x0;
	s20 =	sshll.u32 s4, $0x1;
	s4 =	sadd.s32 s21, s2  }
0x9d: {  	[timem:s6], [sflag:s22] =	dma.local [hbm:s4], s20  }
0x9e: {  	_ =	swait.ge [sflag:s22], s20  }
0x9f: {  	s3 =	ssub.s32 $0x0, s20;
	[sflag:s22] =	ssyncset.done $0x0  }
0xa0: {  	[sflag:s22] =	ssyncadd.s32 s3;
	_ =	sdelay $0x1  }
0xa1: {  	s23 =	simm.s32 $0x1B8B  }
0xa2: {  	_ =	swait.ge [sflag:s23], $0x1  }
0xa3: {  	[sflag:s23] =	ssyncset.done $0x0  }
0xa4: {  	s25 =	simm.s32 $0x1B8E;
	s24 =	sld [smem:$0x3FFE];
	[sflag:s23] =	ssyncadd.s32 $0xFFFFFFFF  }
0xa5: {  	s26 =	simm.s32 $execute0_lowered;
	[smem:$0x3FD2] =	sst s25  }
0xa6: {  	s4 =	sshll.u32 s26, $0x1;
	_ =	strace $0x8000004C;
	[dreg:$0x1] =	wrdreg $0xFFFFFFFF  }
0xa7: {  	s28 =	simm.s32 $_size_execute0_lowered;
	s2 =	sadd.s32 s2, s4;
	[dreg:$0x0] =	wrdreg $0x0  }
0xa8: {  	s4 =	sshll.u32 s28, $0x1;
	[dreg:$0x2] =	wrdreg s2  }
0xa9: {  	[dreg:$0x3] =	wrdreg s4  }
0xaa: {  	[dreg:$0x4] =	wrdreg $0xC0  }
0xab: {  	_ =	task [dreg:s6], $0x5FFFF  }
0xac: {  	[dreg:$0x1] =	wrdreg $0xFFFFFFFF  }
0xad: {  	[dreg:$0x0] =	wrdreg $0x60  }
0xae: {  	[dreg:$0x2] =	wrdreg s24  }
0xaf: {  	[dreg:$0x3] =	wrdreg $0x88000  }
0xb0: {  	[dreg:$0x4] =	wrdreg $0x9  }
0xb1: {  	_ =	task.clear_ibuf [dreg:s6], $0x5FFFF;
	_ =	strace $0x9000004C  }
0xb2: {  	s29 =	simm.s32 $0x9;
	_ =	strace $0x8000004E  }
0xb3: {  	_ =	swait.ge [sflag:s29], $0x1  }
0xb4: {  	[sflag:s29] =	ssyncadd.s32 $0xFFFFFFFF  }
0xb5: {  	_ =	strace $0x9000004E  }
0xb6: {  	_ =	sfence  }
0xb7: {  	s30 =	sld [smem:$0x0];
	_ =	sdelay $0x2  }
0xb8: {  	s31 =	sshll.u32 s1, $0xD;
	s1 =	sshrl.u32 s1, $0x2  }
0xb9: {  	s3 =	sand.u32 $0x4000, s31;
	s1 =	sadd.s32 s1, s30  }
0xba: {  	s0 =	sor.u32 s3, s0;
	s1 =	sshll.u32 s1, $0x11  }
0xbb: {  	s0 =	sor.u32 s1, s0  }
0xbc: {  	s0 =	sadd.s32 $0x8F2B, s0  }
0xbd: {  	[sflag:s0] =	ssyncadd.remote.s32 $0x1  }
0xbe: {  	_ =	sfence.sel $0xFFFF  }
0xbf: {  	[dreg:$0x0] =	wrdreg $0xFFFFFFFF;
	(pc) =	sbr.abs _section_cstart, $3  }
0xc0: {  	[dreg:$0x1] =	wrdreg $0xFFFFFFFF  }
0xc1: {  	_ =	task.clear_ibuf [dreg:s6], $0x2FFFF;
	_ =	strace $0x9FFFFFFF  }
0xc2: {  	(tm) =	ssettm $0x7FFFFFFF  }
0xc3: {  	_ =	shalt  }
tec
execute0_lowered:
.L_overlay_start_1:
0x0: {  	(tag) =	ssettag $0x1  }
0x1: {  	s0 =	srdreg.scid;
	s8 =	stileid.u32  }
0x2: {  	s0 =	sand.u32 $0x1, s0;
	s1 =	smul.u32 $0x4E20, s8  }
0x3: {  	s3 =	smul.u32 $0x2710, s0  }
0x4: {  	s5 =	rddreg [dreg:$0x0]  }
0x5: {  	s2 =	rddreg [dreg:$0x1];
	s1 =	sadd.s32 s3, s1;
	s3 =	simm.s32 $0x0  }
0x6: {  	s21 =	simm.s32 $0xA0;
	[smem:$0x7FF] =	sst s3  }
0x7: {  	s22 =	simm.s32 $0xF0;
	_ =	strace $0x8000004D;
	[dreg:$0x5] =	wrdreg s21  }
0x8: {  	s23 =	simm.s32 $0x850;
	[dreg:$0x6] =	wrdreg s22  }
0x9: {  	s24 =	simm.s32 $0x140;
	[dreg:$0x7] =	wrdreg s23  }
0xa: {  	s25 =	simm.s32 $0x8A0;
	[dreg:$0x8] =	wrdreg s24  }
0xb: {  	s26 =	simm.s32 $0x190;
	[dreg:$0x9] =	wrdreg s25  }
0xc: {  	s9 =	simm.s32 $0x1E0;
	[dreg:$0xa] =	wrdreg s26  }
0xd: {  	s10 =	simm.s32 $0x940;
	[dreg:$0xc] =	wrdreg s9  }
0xe: {  	s11 =	simm.s32 $0x230;
	[dreg:$0xd] =	wrdreg s10  }
0xf: {  	s12 =	simm.s32 $0x990;
	[dreg:$0xe] =	wrdreg s11  }
0x10: {  	s13 =	simm.s32 $0x280;
	[dreg:$0xf] =	wrdreg s12  }
0x11: {  	s14 =	simm.s32 $0x9E0;
	s16 =	simm.s32 $0x2D0;
	[dreg:$0x10] =	wrdreg s13  }
0x12: {  	s18 =	simm.s32 $0xA30;
	s19 =	simm.s32 $0x320;
	[dreg:$0x11] =	wrdreg s14  }
0x13: {  	s6 =	smul.u32 $0x140000, s0;
	s0 =	ssub.s32 $0x2, s0;
	[dreg:$0x12] =	wrdreg s16  }
0x14: {  	s17 =	smul.u32 $0x50000, s8;
	s15 =	sshrl.u32 s0, $0x1;
	[dreg:$0x13] =	wrdreg s18  }
0x15: {  	s0 =	ssub.s32 s0, s15;
	s15 =	simm.s32 $0x460;
	[dreg:$0x14] =	wrdreg s19  }
0x16: {  	s0 =	smax.u32 s0, $0x1;
	[dreg:$0x1c] =	wrdreg s15  }
0x17: {  	s20 =	sshrl.u32 s17, $0x2;
	s17 =	simm.s32 $0x4B0;
	[smem:$0x7F5] =	sst s0  }
0x18: {  	s21 =	simm.s32 $0xA80;
	[dreg:$0x1e] =	wrdreg s17  }
0x19: {  	s22 =	simm.s32 $0x370;
	[dreg:$0x15] =	wrdreg s21  }
0x1a: {  	s24 =	simm.s32 $0xAD0;
	[dreg:$0x16] =	wrdreg s22  }
0x1b: {  	s26 =	simm.s32 $0x3C0;
	[dreg:$0x17] =	wrdreg s24  }
0x1c: {  	s9 =	simm.s32 $0xB20;
	[dreg:$0x18] =	wrdreg s26  }
0x1d: {  	s28 =	simm.s32 $0x640;
	s11 =	simm.s32 $0x410;
	[dreg:$0x19] =	wrdreg s9  }
0x1e: {  	s29 =	simm.s32 $0xDA0;
	s13 =	simm.s32 $0xB70;
	[dreg:$0x1a] =	wrdreg s11  }
0x1f: {  	s30 =	simm.s32 $0x690;
	s16 =	simm.s32 $0xBC0;
	[dreg:$0x1b] =	wrdreg s13  }
0x20: {  	s1 =	sshrl.u32 s1, $0x3;
	s18 =	simm.s32 $0xC10;
	[dreg:$0x1d] =	wrdreg s16  }
0x21: {  	s1 =	sadd.s32 s1, s5;
	s19 =	simm.s32 $0x500;
	[dreg:$0x1f] =	wrdreg s18  }
0x22: {  	s7 =	smul.u32 $0x14000, s8;
	s4 =	sadd.s32 $0x2A00, s1;
	[smem:$0x7F6] =	sst s19  }
0x23: {  	s31 =	simm.s32 $0xDF0;
	s1 =	sadd.s32 $0xC800, s1;
	[dreg:$0x3] =	wrdreg s4  }
0x24: {  	s6 =	sadd.s32 s7, s6;
	s21 =	simm.s32 $0x550;
	[dreg:$0x4] =	wrdreg s1  }
0x25: {  	s7 =	simm.s32 $0xE90;
	s22 =	simm.s32 $0xCB0;
	[smem:$0x7F8] =	sst s21  }
0x26: {  	s6 =	sshrl.u32 s6, $0x3;
	s24 =	simm.s32 $0xD00;
	[smem:$0x7F9] =	sst s22  }
0x27: {  	s15 =	simm.s32 $0x1000;
	s26 =	simm.s32 $0xD50;
	[smem:$0x7FB] =	sst s24  }
0x28: {  	s17 =	simm.s32 $0x800;
	s4 =	simm.s32 $0x8F0;
	[smem:$0x7FD] =	sst s26  }
0x29: {  	s0 =	simm.s32 $0xE40;
	s16 =	simm.s32 $0x7;
	[dreg:$0xb] =	wrdreg s4  }
0x2a: {  	s4 =	sadd.s32 $0x16600, s5;
	s5 =	sadd.s32 s6, s5;
	s6 =	sadd.s32 s20, s2  }
0x2b: {  	s18 =	simm.s32 $0x50;
	s20 =	simm.s32 $0xC60;
	[smem:$0x7F2] =	sst s6  }
0x2c: {  	s19 =	simm.s32 $0x3800;
	s23 =	sadd.s32 $0x2800, s6;
	[smem:$0x7F7] =	sst s20  }
0x2d: {  	s9 =	simm.s32 $0xEE0;
	s25 =	sadd.s32 $0x5000, s6;
	[smem:$0x7EC] =	sst s23  }
0x2e: {  	s11 =	simm.s32 $0xF80;
	s8 =	sadd.s32 $0x7800, s6;
	[smem:$0x7ED] =	sst s25  }
0x2f: {  	s21 =	simm.s32 $0x6000;
	s10 =	sadd.s32 $0xA000, s6;
	[smem:$0x7EE] =	sst s8  }
0x30: {  	s22 =	simm.s32 $0x2;
	s12 =	sadd.s32 $0xC800, s6;
	[smem:$0x7EF] =	sst s10  }
0x31: {  	s24 =	simm.s32 $0x3;
	s14 =	sadd.s32 $0xF000, s6;
	[smem:$0x7F0] =	sst s12  }
0x32: {  	s26 =	simm.s32 $0x6;
	s6 =	sadd.s32 $0x11800, s6;
	[smem:$0x7F1] =	sst s14  }
0x33: {  	s1 =	simm.s32 $0x6E0;
	s5 =	sadd.s32 $0x3E600, s5;
	[smem:$0x7F3] =	sst s6  }
0x34: {  	s20 =	simm.s32 $0x1;
	[smem:$0x7F4] =	sst s5;
	s23 =	simm.s32 $0x5A0  }
0x35: {  	s25 =	simm.s32 $0x5F0;
	s6 =	simm.s32 $0x730;
	s8 =	simm.s32 $0x780  }
0x36: {  	s10 =	simm.s32 $0xF30;
	s12 =	simm.s32 $0x0;
	[smem:$0x7FA] =	sst s23  }
0x37: {  	v0 =	vimm.f32 $0.0e+00;
	[smem:$0x7FC] =	sst s25;
	s23 =	simm.s32 $0x4;
	s25 =	simm.s32 $0x5  }
.LBB2_1:
0x38: {  	s13 =	simm.s32 $0x0;
	s14 =	simm.s32 $0x200  }
.LBB2_2:
0x39: {  	p0 =	sne.s32 s14, $0x9E00;
	[tilespmem:s13+$0x1070] =	vst v0  }
0x3a: {  	[tilespmem:s13+$0x1000] =	vst v0  }
0x3b: {  	[tilespmem:s13+$0x1010] =	vst v0  }
.Ltmp0:
0x3c: {  	[tilespmem:s13+$0x1020] =	vst v0;
	(pc) =	sbr.rel @p0 .LBB2_2-.Ltmp0, $4  }
0x3d: {  	[tilespmem:s13+$0x1030] =	vst v0  }
0x3e: {  	[tilespmem:s13+$0x1040] =	vst v0  }
0x3f: {  	[tilespmem:s13+$0x1050] =	vst v0  }
0x40: {  	[tilespmem:s13+$0x1060] =	vst v0;
	s13 =	sshra.s32 s14, $0x2;
	s14 =	sadd.s32 $0x200, s14  }
0x41: {  	[tilespmem:s13+$0x1070] =	vst v0  }
0x42: {  	[tilespmem:s13+$0x1000] =	vst v0  }
0x43: {  	[tilespmem:s13+$0x1010] =	vst v0  }
0x44: {  	[tilespmem:s13+$0x1020] =	vst v0  }
0x45: {  	[tilespmem:s13+$0x1030] =	vst v0  }
0x46: {  	[tilespmem:s13+$0x1040] =	vst v0;
	s5 =	sld [smem:$0x7F2]  }
0x47: {  	[tilespmem:s13+$0x1050] =	vst v0  }
0x48: {  	[smem:$0x7EB] =	sst s12;
	[tilespmem:s13+$0x1060] =	vst v0  }
0x49: {  	[spmem:s5] =	stream.linear.scatter [tilespmem:s15], [sflag:$0x7], $0x2800, $0x38;
	[tilespmem:$0x1C800] =	vst v63  }
0x4a: {  	_ =	swait.ge [sflag:s16], $0x2800  }
0x4b: {  	s13 =	sld [smem:$0x7EC]  }
0x4c: {  	[sflag:s16] =	ssyncset.done $0x0  }
0x4d: {  	[sflag:s16] =	ssyncadd.s32 $0xFFFFD800  }
0x4e: {  	[spmem:s13] =	stream.linear.scatter [tilespmem:s15], [sflag:$0x7], $0x2800, $0x38;
	[tilespmem:$0x1C800] =	vst v63  }
0x4f: {  	_ =	swait.ge [sflag:s16], $0x2800  }
0x50: {  	s14 =	sld [smem:$0x7ED]  }
0x51: {  	[sflag:s16] =	ssyncset.done $0x0  }
0x52: {  	[sflag:s16] =	ssyncadd.s32 $0xFFFFD800  }
0x53: {  	[spmem:s14] =	stream.linear.scatter [tilespmem:s15], [sflag:$0x7], $0x2800, $0x38;
	[tilespmem:$0x1C800] =	vst v63  }
0x54: {  	_ =	swait.ge [sflag:s16], $0x2800  }
0x55: {  	s12 =	sld [smem:$0x7EE]  }
0x56: {  	[sflag:s16] =	ssyncset.done $0x0  }
0x57: {  	[sflag:s16] =	ssyncadd.s32 $0xFFFFD800  }
0x58: {  	[spmem:s12] =	stream.linear.scatter [tilespmem:s15], [sflag:$0x7], $0x2800, $0x38;
	[tilespmem:$0x1C800] =	vst v63  }
0x59: {  	_ =	swait.ge [sflag:s16], $0x2800  }
0x5a: {  	s13 =	sld [smem:$0x7EF]  }
0x5b: {  	[sflag:s16] =	ssyncset.done $0x0  }
0x5c: {  	[sflag:s16] =	ssyncadd.s32 $0xFFFFD800  }
0x5d: {  	[spmem:s13] =	stream.linear.scatter [tilespmem:s15], [sflag:$0x7], $0x2800, $0x38;
	[tilespmem:$0x1C800] =	vst v63  }
0x5e: {  	_ =	swait.ge [sflag:s16], $0x2800  }
0x5f: {  	s14 =	sld [smem:$0x7F0]  }
0x60: {  	[sflag:s16] =	ssyncset.done $0x0  }
0x61: {  	[sflag:s16] =	ssyncadd.s32 $0xFFFFD800  }
0x62: {  	[spmem:s14] =	stream.linear.scatter [tilespmem:s15], [sflag:$0x7], $0x2800, $0x38;
	[tilespmem:$0x1C800] =	vst v63  }
0x63: {  	_ =	swait.ge [sflag:s16], $0x2800  }
0x64: {  	s12 =	sld [smem:$0x7F1]  }
0x65: {  	[sflag:s16] =	ssyncset.done $0x0  }
0x66: {  	[sflag:s16] =	ssyncadd.s32 $0xFFFFD800  }
0x67: {  	[spmem:s12] =	stream.linear.scatter [tilespmem:s15], [sflag:$0x7], $0x2800, $0x38;
	[tilespmem:$0x1C800] =	vst v63  }
0x68: {  	_ =	swait.ge [sflag:s16], $0x2800  }
0x69: {  	s13 =	sld [smem:$0x7F3]  }
0x6a: {  	[sflag:s16] =	ssyncset.done $0x0  }
0x6b: {  	[sflag:s16] =	ssyncadd.s32 $0xFFFFD800  }
0x6c: {  	[spmem:s13] =	stream.linear.scatter [tilespmem:s15], [sflag:$0x7], $0x2800, $0x38;
	[tilespmem:$0x1C800] =	vst v63  }
0x6d: {  	_ =	swait.ge [sflag:s16], $0x2800  }
0x6e: {  	[sflag:s16] =	ssyncset.done $0x0  }
0x6f: {  	[sflag:s16] =	ssyncadd.s32 $0xFFFFD800  }
0x70: {  	[bflag:$0x0] =	sbarrier.arrive $0xFFFF  }
0x71: {  	s14 =	rddreg [dreg:$0x4]  }
0x72: {  	s5 =	sadd.s32 $0x0, s14  }
0x73: {  	[tilespmem:s3], [sflag:$0x7] =	stream.linear.gather [hbm4b:s5+s3], $0x7D0, $0x38;
	[tilespmem:$0x1C800] =	vst v63  }
0x74: {  	_ =	swait.ge [sflag:s16], $0x7D0  }
0x75: {  	s12 =	rddreg [dreg:$0x3];
	[sflag:s16] =	ssyncset.done $0x0  }
0x76: {  	[sflag:s16] =	ssyncadd.s32 $0xFFFFF830;
	s5 =	sadd.s32 $0x0, s12  }
0x77: {  	[tilespmem:s17], [sflag:$0x7] =	stream.linear.gather [hbm4b:s5+s3], $0x7D0, $0x38;
	[tilespmem:$0x1C800] =	vst v63  }
0x78: {  	_ =	swait.ge [sflag:s16], $0x7D0  }
0x79: {  	[sflag:s16] =	ssyncset.done $0x0  }
0x7a: {  	[sflag:s16] =	ssyncadd.s32 $0xFFFFF830  }
0x7b: {  	[tilespmem:s15], [sflag:$0x1] =	stream.indirect.gather [hbm4b:s4+s18], $0x80, s3, s18, $0xb8;
	[tilespmem:$0x1C800] =	vst v63  }
0x7c: {  	_ = 	snop  }
0x7d: {  	[tilespmem:s19], [sflag:$0x2] =	stream.indirect.gather [hbm4b:s4+s18], $0x80, s18, s18, $0xb8;
	[tilespmem:$0x1C800] =	vst v63  }
0x7e: {  	_ =	swait.ge [sflag:s20], $0x2800  }
0x7f: {  	[sflag:s20] =	ssyncset.done $0x0  }
0x80: {  	s13 =	rddreg [dreg:$0x5];
	[sflag:s20] =	ssyncadd.s32 $0xFFFFD800  }
0x81: {  	[tilespmem:s21], [sflag:$0x3] =	stream.indirect.gather [hbm4b:s4+s18], $0x80, s13, s18, $0xb8;
	[tilespmem:$0x1C800] =	vst v63  }
0x82: {  	_ = 	snop  }
0x83: {  	[spmem:s2] =	stream.indirect.scatter.add.f32 [tilespmem:s15], [sflag:$0x4], $0x80, s17, s18, $0xb8;
	[tilespmem:$0x1C800] =	vst v63  }
0x84: {  	_ =	swait.ge [sflag:s22], $0x2800  }
0x85: {  	[sflag:s22] =	ssyncset.done $0x0  }
0x86: {  	[sflag:s22] =	ssyncadd.s32 $0xFFFFD800  }
0x87: {  	_ =	swait.ge [sflag:s23], $0x2800  }
0x88: {  	[sflag:s23] =	ssyncset.done $0x0  }
0x89: {  	s14 =	rddreg [dreg:$0x6];
	[sflag:s23] =	ssyncadd.s32 $0xFFFFD800  }
0x8a: {  	[tilespmem:s15], [sflag:$0x1] =	stream.indirect.gather [hbm4b:s4+s18], $0x80, s14, s18, $0xb8;
	[tilespmem:$0x1C800] =	vst v63  }
0x8b: {  	s12 =	rddreg [dreg:$0x7]  }
0x8c: {  	[spmem:s2] =	stream.indirect.scatter.add.f32 [tilespmem:s19], [sflag:$0x5], $0x80, s12, s18, $0xb8;
	[tilespmem:$0x1C800] =	vst v63  }
0x8d: {  	_ =	swait.ge [sflag:s24], $0x2800  }
0x8e: {  	[sflag:s24] =	ssyncset.done $0x0  }
0x8f: {  	[sflag:s24] =	ssyncadd.s32 $0xFFFFD800  }
0x90: {  	_ =	swait.ge [sflag:s25], $0x2800  }
0x91: {  	[sflag:s25] =	ssyncset.done $0x0  }
0x92: {  	s14 =	rddreg [dreg:$0x8];
	[sflag:s25] =	ssyncadd.s32 $0xFFFFD800  }
0x93: {  	[tilespmem:s19], [sflag:$0x2] =	stream.indirect.gather [hbm4b:s4+s18], $0x80, s14, s18, $0xb8;
	[tilespmem:$0x1C800] =	vst v63  }
0x94: {  	s12 =	rddreg [dreg:$0x9]  }
0x95: {  	[spmem:s2] =	stream.indirect.scatter.add.f32 [tilespmem:s21], [sflag:$0x6], $0x80, s12, s18, $0xb8;
	[tilespmem:$0x1C800] =	vst v63  }
0x96: {  	_ =	swait.ge [sflag:s20], $0x2800  }
0x97: {  	[sflag:s20] =	ssyncset.done $0x0  }
0x98: {  	[sflag:s20] =	ssyncadd.s32 $0xFFFFD800  }
0x99: {  	_ =	swait.ge [sflag:s26], $0x2800  }
0x9a: {  	[sflag:s26] =	ssyncset.done $0x0  }
0x9b: {  	s14 =	rddreg [dreg:$0xa];
	[sflag:s26] =	ssyncadd.s32 $0xFFFFD800  }
0x9c: {  	[tilespmem:s21], [sflag:$0x3] =	stream.indirect.gather [hbm4b:s4+s18], $0x80, s14, s18, $0xb8;
	[tilespmem:$0x1C800] =	vst v63  }
0x9d: {  	s12 =	rddreg [dreg:$0xb]  }
0x9e: {  	[spmem:s2] =	stream.indirect.scatter.add.f32 [tilespmem:s15], [sflag:$0x4], $0x80, s12, s18, $0xb8;
	[tilespmem:$0x1C800] =	vst v63  }
0x9f: {  	_ =	swait.ge [sflag:s22], $0x2800  }
0xa0: {  	[sflag:s22] =	ssyncset.done $0x0  }
0xa1: {  	[sflag:s22] =	ssyncadd.s32 $0xFFFFD800  }
0xa2: {  	_ =	swait.ge [sflag:s23], $0x2800  }
0xa3: {  	[sflag:s23] =	ssyncset.done $0x0  }
0xa4: {  	s14 =	rddreg [dreg:$0xc];
	[sflag:s23] =	ssyncadd.s32 $0xFFFFD800  }
0xa5: {  	[tilespmem:s15], [sflag:$0x1] =	stream.indirect.gather [hbm4b:s4+s18], $0x80, s14, s18, $0xb8;
	[tilespmem:$0x1C800] =	vst v63  }
0xa6: {  	s12 =	rddreg [dreg:$0xd]  }
0xa7: {  	[spmem:s2] =	stream.indirect.scatter.add.f32 [tilespmem:s19], [sflag:$0x5], $0x80, s12, s18, $0xb8;
	[tilespmem:$0x1C800] =	vst v63  }
0xa8: {  	_ =	swait.ge [sflag:s24], $0x2800  }
0xa9: {  	[sflag:s24] =	ssyncset.done $0x0  }
0xaa: {  	[sflag:s24] =	ssyncadd.s32 $0xFFFFD800  }
0xab: {  	_ =	swait.ge [sflag:s25], $0x2800  }
0xac: {  	[sflag:s25] =	ssyncset.done $0x0  }
0xad: {  	s14 =	rddreg [dreg:$0xe];
	[sflag:s25] =	ssyncadd.s32 $0xFFFFD800  }
0xae: {  	[tilespmem:s19], [sflag:$0x2] =	stream.indirect.gather [hbm4b:s4+s18], $0x80, s14, s18, $0xb8;
	[tilespmem:$0x1C800] =	vst v63  }
0xaf: {  	s12 =	rddreg [dreg:$0xf]  }
0xb0: {  	[spmem:s2] =	stream.indirect.scatter.add.f32 [tilespmem:s21], [sflag:$0x6], $0x80, s12, s18, $0xb8;
	[tilespmem:$0x1C800] =	vst v63  }
0xb1: {  	_ =	swait.ge [sflag:s20], $0x2800  }
0xb2: {  	[sflag:s20] =	ssyncset.done $0x0  }
0xb3: {  	[sflag:s20] =	ssyncadd.s32 $0xFFFFD800  }
0xb4: {  	_ =	swait.ge [sflag:s26], $0x2800  }
0xb5: {  	[sflag:s26] =	ssyncset.done $0x0  }
0xb6: {  	s14 =	rddreg [dreg:$0x10];
	[sflag:s26] =	ssyncadd.s32 $0xFFFFD800  }
0xb7: {  	[tilespmem:s21], [sflag:$0x3] =	stream.indirect.gather [hbm4b:s4+s18], $0x80, s14, s18, $0xb8;
	[tilespmem:$0x1C800] =	vst v63  }
0xb8: {  	s12 =	rddreg [dreg:$0x11]  }
0xb9: {  	[spmem:s2] =	stream.indirect.scatter.add.f32 [tilespmem:s15], [sflag:$0x4], $0x80, s12, s18, $0xb8;
	[tilespmem:$0x1C800] =	vst v63  }
0xba: {  	_ =	swait.ge [sflag:s22], $0x2800  }
0xbb: {  	[sflag:s22] =	ssyncset.done $0x0  }
0xbc: {  	[sflag:s22] =	ssyncadd.s32 $0xFFFFD800  }
0xbd: {  	_ =	swait.ge [sflag:s23], $0x2800  }
0xbe: {  	[sflag:s23] =	ssyncset.done $0x0  }
0xbf: {  	s14 =	rddreg [dreg:$0x12];
	[sflag:s23] =	ssyncadd.s32 $0xFFFFD800  }
0xc0: {  	[tilespmem:s15], [sflag:$0x1] =	stream.indirect.gather [hbm4b:s4+s18], $0x80, s14, s18, $0xb8;
	[tilespmem:$0x1C800] =	vst v63  }
0xc1: {  	s12 =	rddreg [dreg:$0x13]  }
0xc2: {  	[spmem:s2] =	stream.indirect.scatter.add.f32 [tilespmem:s19], [sflag:$0x5], $0x80, s12, s18, $0xb8;
	[tilespmem:$0x1C800] =	vst v63  }
0xc3: {  	_ =	swait.ge [sflag:s24], $0x2800  }
0xc4: {  	[sflag:s24] =	ssyncset.done $0x0  }
0xc5: {  	[sflag:s24] =	ssyncadd.s32 $0xFFFFD800  }
0xc6: {  	_ =	swait.ge [sflag:s25], $0x2800  }
0xc7: {  	[sflag:s25] =	ssyncset.done $0x0  }
0xc8: {  	s14 =	rddreg [dreg:$0x14];
	[sflag:s25] =	ssyncadd.s32 $0xFFFFD800  }
0xc9: {  	[tilespmem:s19], [sflag:$0x2] =	stream.indirect.gather [hbm4b:s4+s18], $0x80, s14, s18, $0xb8;
	[tilespmem:$0x1C800] =	vst v63  }
0xca: {  	s12 =	rddreg [dreg:$0x15]  }
0xcb: {  	[spmem:s2] =	stream.indirect.scatter.add.f32 [tilespmem:s21], [sflag:$0x6], $0x80, s12, s18, $0xb8;
	[tilespmem:$0x1C800] =	vst v63  }
0xcc: {  	_ =	swait.ge [sflag:s20], $0x2800  }
0xcd: {  	[sflag:s20] =	ssyncset.done $0x0  }
0xce: {  	[sflag:s20] =	ssyncadd.s32 $0xFFFFD800  }
0xcf: {  	_ =	swait.ge [sflag:s26], $0x2800  }
0xd0: {  	[sflag:s26] =	ssyncset.done $0x0  }
0xd1: {  	s14 =	rddreg [dreg:$0x16];
	[sflag:s26] =	ssyncadd.s32 $0xFFFFD800  }
0xd2: {  	[tilespmem:s21], [sflag:$0x3] =	stream.indirect.gather [hbm4b:s4+s18], $0x80, s14, s18, $0xb8;
	[tilespmem:$0x1C800] =	vst v63  }
0xd3: {  	s12 =	rddreg [dreg:$0x17]  }
0xd4: {  	[spmem:s2] =	stream.indirect.scatter.add.f32 [tilespmem:s15], [sflag:$0x4], $0x80, s12, s18, $0xb8;
	[tilespmem:$0x1C800] =	vst v63  }
0xd5: {  	_ =	swait.ge [sflag:s22], $0x2800  }
0xd6: {  	[sflag:s22] =	ssyncset.done $0x0  }
0xd7: {  	[sflag:s22] =	ssyncadd.s32 $0xFFFFD800  }
0xd8: {  	_ =	swait.ge [sflag:s23], $0x2800  }
0xd9: {  	[sflag:s23] =	ssyncset.done $0x0  }
0xda: {  	s14 =	rddreg [dreg:$0x18];
	[sflag:s23] =	ssyncadd.s32 $0xFFFFD800  }
0xdb: {  	[tilespmem:s15], [sflag:$0x1] =	stream.indirect.gather [hbm4b:s4+s18], $0x80, s14, s18, $0xb8;
	[tilespmem:$0x1C800] =	vst v63  }
0xdc: {  	s12 =	rddreg [dreg:$0x19]  }
0xdd: {  	[spmem:s2] =	stream.indirect.scatter.add.f32 [tilespmem:s19], [sflag:$0x5], $0x80, s12, s18, $0xb8;
	[tilespmem:$0x1C800] =	vst v63  }
0xde: {  	_ =	swait.ge [sflag:s24], $0x2800  }
0xdf: {  	[sflag:s24] =	ssyncset.done $0x0  }
0xe0: {  	[sflag:s24] =	ssyncadd.s32 $0xFFFFD800  }
0xe1: {  	_ =	swait.ge [sflag:s25], $0x2800  }
0xe2: {  	[sflag:s25] =	ssyncset.done $0x0  }
0xe3: {  	s14 =	rddreg [dreg:$0x1a];
	[sflag:s25] =	ssyncadd.s32 $0xFFFFD800  }
0xe4: {  	[tilespmem:s19], [sflag:$0x2] =	stream.indirect.gather [hbm4b:s4+s18], $0x80, s14, s18, $0xb8;
	[tilespmem:$0x1C800] =	vst v63  }
0xe5: {  	s12 =	rddreg [dreg:$0x1b]  }
0xe6: {  	[spmem:s2] =	stream.indirect.scatter.add.f32 [tilespmem:s21], [sflag:$0x6], $0x80, s12, s18, $0xb8;
	[tilespmem:$0x1C800] =	vst v63  }
0xe7: {  	_ =	swait.ge [sflag:s20], $0x2800  }
0xe8: {  	[sflag:s20] =	ssyncset.done $0x0  }
0xe9: {  	[sflag:s20] =	ssyncadd.s32 $0xFFFFD800  }
0xea: {  	_ =	swait.ge [sflag:s26], $0x2800  }
0xeb: {  	[sflag:s26] =	ssyncset.done $0x0  }
0xec: {  	s14 =	rddreg [dreg:$0x1c];
	[sflag:s26] =	ssyncadd.s32 $0xFFFFD800  }
0xed: {  	[tilespmem:s21], [sflag:$0x3] =	stream.indirect.gather [hbm4b:s4+s18], $0x80, s14, s18, $0xb8;
	[tilespmem:$0x1C800] =	vst v63  }
0xee: {  	s12 =	rddreg [dreg:$0x1d]  }
0xef: {  	[spmem:s2] =	stream.indirect.scatter.add.f32 [tilespmem:s15], [sflag:$0x4], $0x80, s12, s18, $0xb8;
	[tilespmem:$0x1C800] =	vst v63  }
0xf0: {  	_ =	swait.ge [sflag:s22], $0x2800  }
0xf1: {  	[sflag:s22] =	ssyncset.done $0x0  }
0xf2: {  	[sflag:s22] =	ssyncadd.s32 $0xFFFFD800  }
0xf3: {  	_ =	swait.ge [sflag:s23], $0x2800  }
0xf4: {  	[sflag:s23] =	ssyncset.done $0x0  }
0xf5: {  	s14 =	rddreg [dreg:$0x1e];
	[sflag:s23] =	ssyncadd.s32 $0xFFFFD800  }
0xf6: {  	[tilespmem:s15], [sflag:$0x1] =	stream.indirect.gather [hbm4b:s4+s18], $0x80, s14, s18, $0xb8;
	[tilespmem:$0x1C800] =	vst v63  }
0xf7: {  	s12 =	rddreg [dreg:$0x1f]  }
0xf8: {  	[spmem:s2] =	stream.indirect.scatter.add.f32 [tilespmem:s19], [sflag:$0x5], $0x80, s12, s18, $0xb8;
	[tilespmem:$0x1C800] =	vst v63  }
0xf9: {  	_ =	swait.ge [sflag:s24], $0x2800  }
0xfa: {  	[sflag:s24] =	ssyncset.done $0x0  }
0xfb: {  	[sflag:s24] =	ssyncadd.s32 $0xFFFFD800  }
0xfc: {  	_ =	swait.ge [sflag:s25], $0x2800  }
0xfd: {  	s14 =	sld [smem:$0x7F6]  }
0xfe: {  	[sflag:s25] =	ssyncset.done $0x0  }
0xff: {  	s12 =	sld [smem:$0x7F7];
	[sflag:s25] =	ssyncadd.s32 $0xFFFFD800  }
0x100: {  	[tilespmem:s19], [sflag:$0x2] =	stream.indirect.gather [hbm4b:s4+s18], $0x80, s14, s18, $0xb8;
	[tilespmem:$0x1C800] =	vst v63  }
0x101: {  	_ = 	snop  }
0x102: {  	[spmem:s2] =	stream.indirect.scatter.add.f32 [tilespmem:s21], [sflag:$0x6], $0x80, s12, s18, $0xb8;
	[tilespmem:$0x1C800] =	vst v63  }
0x103: {  	_ =	swait.ge [sflag:s20], $0x2800  }
0x104: {  	[sflag:s20] =	ssyncset.done $0x0  }
0x105: {  	[sflag:s20] =	ssyncadd.s32 $0xFFFFD800  }
0x106: {  	_ =	swait.ge [sflag:s26], $0x2800  }
0x107: {  	s14 =	sld [smem:$0x7F8]  }
0x108: {  	[sflag:s26] =	ssyncset.done $0x0  }
0x109: {  	s12 =	sld [smem:$0x7F9];
	[sflag:s26] =	ssyncadd.s32 $0xFFFFD800  }
0x10a: {  	[tilespmem:s21], [sflag:$0x3] =	stream.indirect.gather [hbm4b:s4+s18], $0x80, s14, s18, $0xb8;
	[tilespmem:$0x1C800] =	vst v63  }
0x10b: {  	_ = 	snop  }
0x10c: {  	[spmem:s2] =	stream.indirect.scatter.add.f32 [tilespmem:s15], [sflag:$0x4], $0x80, s12, s18, $0xb8;
	[tilespmem:$0x1C800] =	vst v63  }
0x10d: {  	_ =	swait.ge [sflag:s22], $0x2800  }
0x10e: {  	[sflag:s22] =	ssyncset.done $0x0  }
0x10f: {  	[sflag:s22] =	ssyncadd.s32 $0xFFFFD800  }
0x110: {  	_ =	swait.ge [sflag:s23], $0x2800  }
0x111: {  	s14 =	sld [smem:$0x7FA]  }
0x112: {  	[sflag:s23] =	ssyncset.done $0x0  }
0x113: {  	s12 =	sld [smem:$0x7FB];
	[sflag:s23] =	ssyncadd.s32 $0xFFFFD800  }
0x114: {  	[tilespmem:s15], [sflag:$0x1] =	stream.indirect.gather [hbm4b:s4+s18], $0x80, s14, s18, $0xb8;
	[tilespmem:$0x1C800] =	vst v63  }
0x115: {  	_ = 	snop  }
0x116: {  	[spmem:s2] =	stream.indirect.scatter.add.f32 [tilespmem:s19], [sflag:$0x5], $0x80, s12, s18, $0xb8;
	[tilespmem:$0x1C800] =	vst v63  }
0x117: {  	_ =	swait.ge [sflag:s24], $0x2800  }
0x118: {  	[sflag:s24] =	ssyncset.done $0x0  }
0x119: {  	[sflag:s24] =	ssyncadd.s32 $0xFFFFD800  }
0x11a: {  	_ =	swait.ge [sflag:s25], $0x2800  }
0x11b: {  	s13 =	sld [smem:$0x7FC]  }
0x11c: {  	[sflag:s25] =	ssyncset.done $0x0  }
0x11d: {  	s14 =	sld [smem:$0x7FD];
	[sflag:s25] =	ssyncadd.s32 $0xFFFFD800  }
0x11e: {  	[tilespmem:s19], [sflag:$0x2] =	stream.indirect.gather [hbm4b:s4+s18], $0x80, s13, s18, $0xb8;
	[tilespmem:$0x1C800] =	vst v63  }
0x11f: {  	_ = 	snop  }
0x120: {  	[spmem:s2] =	stream.indirect.scatter.add.f32 [tilespmem:s21], [sflag:$0x6], $0x80, s14, s18, $0xb8;
	[tilespmem:$0x1C800] =	vst v63  }
0x121: {  	_ =	swait.ge [sflag:s20], $0x2800  }
0x122: {  	[sflag:s20] =	ssyncset.done $0x0  }
0x123: {  	[sflag:s20] =	ssyncadd.s32 $0xFFFFD800  }
0x124: {  	_ =	swait.ge [sflag:s26], $0x2800  }
0x125: {  	[sflag:s26] =	ssyncset.done $0x0  }
0x126: {  	[sflag:s26] =	ssyncadd.s32 $0xFFFFD800  }
0x127: {  	[tilespmem:s21], [sflag:$0x3] =	stream.indirect.gather [hbm4b:s4+s18], $0x80, s28, s18, $0xb8;
	[tilespmem:$0x1C800] =	vst v63  }
0x128: {  	_ = 	snop  }
0x129: {  	[spmem:s2] =	stream.indirect.scatter.add.f32 [tilespmem:s15], [sflag:$0x4], $0x80, s29, s18, $0xb8;
	[tilespmem:$0x1C800] =	vst v63  }
0x12a: {  	_ =	swait.ge [sflag:s22], $0x2800  }
0x12b: {  	[sflag:s22] =	ssyncset.done $0x0  }
0x12c: {  	[sflag:s22] =	ssyncadd.s32 $0xFFFFD800  }
0x12d: {  	_ =	swait.ge [sflag:s23], $0x2800  }
0x12e: {  	[sflag:s23] =	ssyncset.done $0x0  }
0x12f: {  	[sflag:s23] =	ssyncadd.s32 $0xFFFFD800  }
0x130: {  	[tilespmem:s15], [sflag:$0x1] =	stream.indirect.gather [hbm4b:s4+s18], $0x80, s30, s18, $0xb8;
	[tilespmem:$0x1C800] =	vst v63  }
0x131: {  	_ = 	snop  }
0x132: {  	[spmem:s2] =	stream.indirect.scatter.add.f32 [tilespmem:s19], [sflag:$0x5], $0x80, s31, s18, $0xb8;
	[tilespmem:$0x1C800] =	vst v63  }
0x133: {  	_ =	swait.ge [sflag:s24], $0x2800  }
0x134: {  	[sflag:s24] =	ssyncset.done $0x0  }
0x135: {  	[sflag:s24] =	ssyncadd.s32 $0xFFFFD800  }
0x136: {  	_ =	swait.ge [sflag:s25], $0x2800  }
0x137: {  	[sflag:s25] =	ssyncset.done $0x0  }
0x138: {  	[sflag:s25] =	ssyncadd.s32 $0xFFFFD800  }
0x139: {  	[tilespmem:s19], [sflag:$0x2] =	stream.indirect.gather [hbm4b:s4+s18], $0x80, s1, s18, $0xb8;
	[tilespmem:$0x1C800] =	vst v63  }
0x13a: {  	_ = 	snop  }
0x13b: {  	[spmem:s2] =	stream.indirect.scatter.add.f32 [tilespmem:s21], [sflag:$0x6], $0x80, s0, s18, $0xb8;
	[tilespmem:$0x1C800] =	vst v63  }
0x13c: {  	_ =	swait.ge [sflag:s20], $0x2800  }
0x13d: {  	[sflag:s20] =	ssyncset.done $0x0  }
0x13e: {  	[sflag:s20] =	ssyncadd.s32 $0xFFFFD800  }
0x13f: {  	_ =	swait.ge [sflag:s26], $0x2800  }
0x140: {  	[sflag:s26] =	ssyncset.done $0x0  }
0x141: {  	[sflag:s26] =	ssyncadd.s32 $0xFFFFD800  }
0x142: {  	[tilespmem:s21], [sflag:$0x3] =	stream.indirect.gather [hbm4b:s4+s18], $0x80, s6, s18, $0xb8;
	[tilespmem:$0x1C800] =	vst v63  }
0x143: {  	_ = 	snop  }
0x144: {  	[spmem:s2] =	stream.indirect.scatter.add.f32 [tilespmem:s15], [sflag:$0x4], $0x80, s7, s18, $0xb8;
	[tilespmem:$0x1C800] =	vst v63  }
0x145: {  	_ =	swait.ge [sflag:s22], $0x2800  }
0x146: {  	[sflag:s22] =	ssyncset.done $0x0  }
0x147: {  	[sflag:s22] =	ssyncadd.s32 $0xFFFFD800  }
0x148: {  	_ =	swait.ge [sflag:s23], $0x2800  }
0x149: {  	[sflag:s23] =	ssyncset.done $0x0  }
0x14a: {  	[sflag:s23] =	ssyncadd.s32 $0xFFFFD800  }
0x14b: {  	[tilespmem:s15], [sflag:$0x1] =	stream.indirect.gather [hbm4b:s4+s18], $0x80, s8, s18, $0xb8;
	[tilespmem:$0x1C800] =	vst v63  }
0x14c: {  	_ = 	snop  }
0x14d: {  	[spmem:s2] =	stream.indirect.scatter.add.f32 [tilespmem:s19], [sflag:$0x5], $0x80, s9, s18, $0xb8;
	[tilespmem:$0x1C800] =	vst v63  }
0x14e: {  	_ =	swait.ge [sflag:s24], $0x2800  }
0x14f: {  	[sflag:s24] =	ssyncset.done $0x0  }
0x150: {  	[sflag:s24] =	ssyncadd.s32 $0xFFFFD800  }
0x151: {  	_ =	swait.ge [sflag:s25], $0x2800  }
0x152: {  	[sflag:s25] =	ssyncset.done $0x0  }
0x153: {  	[sflag:s25] =	ssyncadd.s32 $0xFFFFD800  }
0x154: {  	[spmem:s2] =	stream.indirect.scatter.add.f32 [tilespmem:s21], [sflag:$0x6], $0x80, s10, s18, $0xb8;
	[tilespmem:$0x1C800] =	vst v63  }
0x155: {  	_ =	swait.ge [sflag:s20], $0x2800  }
0x156: {  	[sflag:s20] =	ssyncset.done $0x0  }
0x157: {  	[sflag:s20] =	ssyncadd.s32 $0xFFFFD800  }
0x158: {  	_ =	swait.ge [sflag:s26], $0x2800  }
0x159: {  	[sflag:s26] =	ssyncset.done $0x0  }
0x15a: {  	[sflag:s26] =	ssyncadd.s32 $0xFFFFD800  }
0x15b: {  	[spmem:s2] =	stream.indirect.scatter.add.f32 [tilespmem:s15], [sflag:$0x4], $0x80, s11, s18, $0xb8;
	[tilespmem:$0x1C800] =	vst v63  }
0x15c: {  	s13 =	simm.s32 $0xFA;
	_ =	swait.ge [sflag:s23], $0x2800  }
0x15d: {  	s14 =	simm.s32 $0x1F4;
	s5 =	rddreg [dreg:$0x4];
	[sflag:s23] =	ssyncset.done $0x0  }
.LBB2_4:
0x15e: {  	[sflag:s23] =	ssyncadd.s32 $0xFFFFD800;
	s5 =	sadd.s32 s13, s5  }
0x15f: {  	[tilespmem:s3], [sflag:$0x7] =	stream.linear.gather [hbm4b:s5+s3], $0x7D0, $0x38;
	[tilespmem:$0x1C800] =	vst v63  }
0x160: {  	_ =	swait.ge [sflag:s16], $0x7D0  }
0x161: {  	s5 =	rddreg [dreg:$0x3];
	[sflag:s16] =	ssyncset.done $0x0  }
0x162: {  	[sflag:s16] =	ssyncadd.s32 $0xFFFFF830;
	s5 =	sadd.s32 s13, s5  }
0x163: {  	[tilespmem:s17], [sflag:$0x7] =	stream.linear.gather [hbm4b:s5+s3], $0x7D0, $0x38;
	[tilespmem:$0x1C800] =	vst v63  }
0x164: {  	_ =	swait.ge [sflag:s16], $0x7D0  }
0x165: {  	[sflag:s16] =	ssyncset.done $0x0  }
0x166: {  	[sflag:s16] =	ssyncadd.s32 $0xFFFFF830  }
0x167: {  	[tilespmem:s15], [sflag:$0x1] =	stream.indirect.gather [hbm4b:s4+s18], $0x80, s3, s18, $0xb8;
	[tilespmem:$0x1C800] =	vst v63  }
0x168: {  	_ = 	snop  }
0x169: {  	[tilespmem:s19], [sflag:$0x2] =	stream.indirect.gather [hbm4b:s4+s18], $0x80, s18, s18, $0xb8;
	[tilespmem:$0x1C800] =	vst v63  }
0x16a: {  	_ =	swait.ge [sflag:s20], $0x2800  }
0x16b: {  	s12 =	smov.u32 s14;
	[sflag:s20] =	ssyncset.done $0x0  }
0x16c: {  	s13 =	smov.u32 s12;
	s12 =	rddreg [dreg:$0x5];
	[sflag:s20] =	ssyncadd.s32 $0xFFFFD800  }
0x16d: {  	[tilespmem:s21], [sflag:$0x3] =	stream.indirect.gather [hbm4b:s4+s18], $0x80, s12, s18, $0xb8;
	[tilespmem:$0x1C800] =	vst v63  }
0x16e: {  	_ = 	snop  }
0x16f: {  	[spmem:s2] =	stream.indirect.scatter.add.f32 [tilespmem:s15], [sflag:$0x4], $0x80, s17, s18, $0xb8;
	[tilespmem:$0x1C800] =	vst v63  }
0x170: {  	_ =	swait.ge [sflag:s22], $0x2800  }
0x171: {  	[sflag:s22] =	ssyncset.done $0x0  }
0x172: {  	[sflag:s22] =	ssyncadd.s32 $0xFFFFD800  }
0x173: {  	_ =	swait.ge [sflag:s23], $0x2800  }
0x174: {  	[sflag:s23] =	ssyncset.done $0x0  }
0x175: {  	s5 =	rddreg [dreg:$0x6];
	[sflag:s23] =	ssyncadd.s32 $0xFFFFD800  }
0x176: {  	[tilespmem:s15], [sflag:$0x1] =	stream.indirect.gather [hbm4b:s4+s18], $0x80, s5, s18, $0xb8;
	[tilespmem:$0x1C800] =	vst v63  }
0x177: {  	s12 =	rddreg [dreg:$0x7]  }
0x178: {  	[spmem:s2] =	stream.indirect.scatter.add.f32 [tilespmem:s19], [sflag:$0x5], $0x80, s12, s18, $0xb8;
	[tilespmem:$0x1C800] =	vst v63  }
0x179: {  	_ =	swait.ge [sflag:s24], $0x2800  }
0x17a: {  	[sflag:s24] =	ssyncset.done $0x0  }
0x17b: {  	[sflag:s24] =	ssyncadd.s32 $0xFFFFD800  }
0x17c: {  	_ =	swait.ge [sflag:s25], $0x2800  }
0x17d: {  	[sflag:s25] =	ssyncset.done $0x0  }
0x17e: {  	s5 =	rddreg [dreg:$0x8];
	[sflag:s25] =	ssyncadd.s32 $0xFFFFD800  }
0x17f: {  	[tilespmem:s19], [sflag:$0x2] =	stream.indirect.gather [hbm4b:s4+s18], $0x80, s5, s18, $0xb8;
	[tilespmem:$0x1C800] =	vst v63  }
0x180: {  	s12 =	rddreg [dreg:$0x9]  }
0x181: {  	[spmem:s2] =	stream.indirect.scatter.add.f32 [tilespmem:s21], [sflag:$0x6], $0x80, s12, s18, $0xb8;
	[tilespmem:$0x1C800] =	vst v63  }
0x182: {  	_ =	swait.ge [sflag:s20], $0x2800  }
0x183: {  	[sflag:s20] =	ssyncset.done $0x0  }
0x184: {  	[sflag:s20] =	ssyncadd.s32 $0xFFFFD800  }
0x185: {  	_ =	swait.ge [sflag:s26], $0x2800  }
0x186: {  	[sflag:s26] =	ssyncset.done $0x0  }
0x187: {  	s5 =	rddreg [dreg:$0xa];
	[sflag:s26] =	ssyncadd.s32 $0xFFFFD800  }
0x188: {  	[tilespmem:s21], [sflag:$0x3] =	stream.indirect.gather [hbm4b:s4+s18], $0x80, s5, s18, $0xb8;
	[tilespmem:$0x1C800] =	vst v63  }
0x189: {  	s12 =	rddreg [dreg:$0xb]  }
0x18a: {  	[spmem:s2] =	stream.indirect.scatter.add.f32 [tilespmem:s15], [sflag:$0x4], $0x80, s12, s18, $0xb8;
	[tilespmem:$0x1C800] =	vst v63  }
0x18b: {  	_ =	swait.ge [sflag:s22], $0x2800  }
0x18c: {  	[sflag:s22] =	ssyncset.done $0x0  }
0x18d: {  	[sflag:s22] =	ssyncadd.s32 $0xFFFFD800  }
0x18e: {  	_ =	swait.ge [sflag:s23], $0x2800  }
0x18f: {  	[sflag:s23] =	ssyncset.done $0x0  }
0x190: {  	s5 =	rddreg [dreg:$0xc];
	[sflag:s23] =	ssyncadd.s32 $0xFFFFD800  }
0x191: {  	[tilespmem:s15], [sflag:$0x1] =	stream.indirect.gather [hbm4b:s4+s18], $0x80, s5, s18, $0xb8;
	[tilespmem:$0x1C800] =	vst v63  }
0x192: {  	s12 =	rddreg [dreg:$0xd]  }
0x193: {  	[spmem:s2] =	stream.indirect.scatter.add.f32 [tilespmem:s19], [sflag:$0x5], $0x80, s12, s18, $0xb8;
	[tilespmem:$0x1C800] =	vst v63  }
0x194: {  	_ =	swait.ge [sflag:s24], $0x2800  }
0x195: {  	[sflag:s24] =	ssyncset.done $0x0  }
0x196: {  	[sflag:s24] =	ssyncadd.s32 $0xFFFFD800  }
0x197: {  	_ =	swait.ge [sflag:s25], $0x2800  }
0x198: {  	[sflag:s25] =	ssyncset.done $0x0  }
0x199: {  	s5 =	rddreg [dreg:$0xe];
	[sflag:s25] =	ssyncadd.s32 $0xFFFFD800  }
0x19a: {  	[tilespmem:s19], [sflag:$0x2] =	stream.indirect.gather [hbm4b:s4+s18], $0x80, s5, s18, $0xb8;
	[tilespmem:$0x1C800] =	vst v63  }
0x19b: {  	s12 =	rddreg [dreg:$0xf]  }
0x19c: {  	[spmem:s2] =	stream.indirect.scatter.add.f32 [tilespmem:s21], [sflag:$0x6], $0x80, s12, s18, $0xb8;
	[tilespmem:$0x1C800] =	vst v63  }
0x19d: {  	_ =	swait.ge [sflag:s20], $0x2800  }
0x19e: {  	[sflag:s20] =	ssyncset.done $0x0  }
0x19f: {  	[sflag:s20] =	ssyncadd.s32 $0xFFFFD800  }
0x1a0: {  	_ =	swait.ge [sflag:s26], $0x2800  }
0x1a1: {  	[sflag:s26] =	ssyncset.done $0x0  }
0x1a2: {  	s5 =	rddreg [dreg:$0x10];
	[sflag:s26] =	ssyncadd.s32 $0xFFFFD800  }
0x1a3: {  	[tilespmem:s21], [sflag:$0x3] =	stream.indirect.gather [hbm4b:s4+s18], $0x80, s5, s18, $0xb8;
	[tilespmem:$0x1C800] =	vst v63  }
0x1a4: {  	s12 =	rddreg [dreg:$0x11]  }
0x1a5: {  	[spmem:s2] =	stream.indirect.scatter.add.f32 [tilespmem:s15], [sflag:$0x4], $0x80, s12, s18, $0xb8;
	[tilespmem:$0x1C800] =	vst v63  }
0x1a6: {  	_ =	swait.ge [sflag:s22], $0x2800  }
0x1a7: {  	[sflag:s22] =	ssyncset.done $0x0  }
0x1a8: {  	[sflag:s22] =	ssyncadd.s32 $0xFFFFD800  }
0x1a9: {  	_ =	swait.ge [sflag:s23], $0x2800  }
0x1aa: {  	[sflag:s23] =	ssyncset.done $0x0  }
0x1ab: {  	s5 =	rddreg [dreg:$0x12];
	[sflag:s23] =	ssyncadd.s32 $0xFFFFD800  }
0x1ac: {  	[tilespmem:s15], [sflag:$0x1] =	stream.indirect.gather [hbm4b:s4+s18], $0x80, s5, s18, $0xb8;
	[tilespmem:$0x1C800] =	vst v63  }
0x1ad: {  	s12 =	rddreg [dreg:$0x13]  }
0x1ae: {  	[spmem:s2] =	stream.indirect.scatter.add.f32 [tilespmem:s19], [sflag:$0x5], $0x80, s12, s18, $0xb8;
	[tilespmem:$0x1C800] =	vst v63  }
0x1af: {  	_ =	swait.ge [sflag:s24], $0x2800  }
0x1b0: {  	[sflag:s24] =	ssyncset.done $0x0  }
0x1b1: {  	[sflag:s24] =	ssyncadd.s32 $0xFFFFD800  }
0x1b2: {  	_ =	swait.ge [sflag:s25], $0x2800  }
0x1b3: {  	[sflag:s25] =	ssyncset.done $0x0  }
0x1b4: {  	s5 =	rddreg [dreg:$0x14];
	[sflag:s25] =	ssyncadd.s32 $0xFFFFD800  }
0x1b5: {  	[tilespmem:s19], [sflag:$0x2] =	stream.indirect.gather [hbm4b:s4+s18], $0x80, s5, s18, $0xb8;
	[tilespmem:$0x1C800] =	vst v63  }
0x1b6: {  	s12 =	rddreg [dreg:$0x15]  }
0x1b7: {  	[spmem:s2] =	stream.indirect.scatter.add.f32 [tilespmem:s21], [sflag:$0x6], $0x80, s12, s18, $0xb8;
	[tilespmem:$0x1C800] =	vst v63  }
0x1b8: {  	_ =	swait.ge [sflag:s20], $0x2800  }
0x1b9: {  	[sflag:s20] =	ssyncset.done $0x0  }
0x1ba: {  	[sflag:s20] =	ssyncadd.s32 $0xFFFFD800  }
0x1bb: {  	_ =	swait.ge [sflag:s26], $0x2800  }
0x1bc: {  	[sflag:s26] =	ssyncset.done $0x0  }
0x1bd: {  	s5 =	rddreg [dreg:$0x16];
	[sflag:s26] =	ssyncadd.s32 $0xFFFFD800  }
0x1be: {  	[tilespmem:s21], [sflag:$0x3] =	stream.indirect.gather [hbm4b:s4+s18], $0x80, s5, s18, $0xb8;
	[tilespmem:$0x1C800] =	vst v63  }
0x1bf: {  	s12 =	rddreg [dreg:$0x17]  }
0x1c0: {  	[spmem:s2] =	stream.indirect.scatter.add.f32 [tilespmem:s15], [sflag:$0x4], $0x80, s12, s18, $0xb8;
	[tilespmem:$0x1C800] =	vst v63  }
0x1c1: {  	_ =	swait.ge [sflag:s22], $0x2800  }
0x1c2: {  	[sflag:s22] =	ssyncset.done $0x0  }
0x1c3: {  	[sflag:s22] =	ssyncadd.s32 $0xFFFFD800  }
0x1c4: {  	_ =	swait.ge [sflag:s23], $0x2800  }
0x1c5: {  	[sflag:s23] =	ssyncset.done $0x0  }
0x1c6: {  	s5 =	rddreg [dreg:$0x18];
	[sflag:s23] =	ssyncadd.s32 $0xFFFFD800  }
0x1c7: {  	[tilespmem:s15], [sflag:$0x1] =	stream.indirect.gather [hbm4b:s4+s18], $0x80, s5, s18, $0xb8;
	[tilespmem:$0x1C800] =	vst v63  }
0x1c8: {  	s12 =	rddreg [dreg:$0x19]  }
0x1c9: {  	[spmem:s2] =	stream.indirect.scatter.add.f32 [tilespmem:s19], [sflag:$0x5], $0x80, s12, s18, $0xb8;
	[tilespmem:$0x1C800] =	vst v63  }
0x1ca: {  	_ =	swait.ge [sflag:s24], $0x2800  }
0x1cb: {  	[sflag:s24] =	ssyncset.done $0x0  }
0x1cc: {  	[sflag:s24] =	ssyncadd.s32 $0xFFFFD800  }
0x1cd: {  	_ =	swait.ge [sflag:s25], $0x2800  }
0x1ce: {  	[sflag:s25] =	ssyncset.done $0x0  }
0x1cf: {  	s5 =	rddreg [dreg:$0x1a];
	[sflag:s25] =	ssyncadd.s32 $0xFFFFD800  }
0x1d0: {  	[tilespmem:s19], [sflag:$0x2] =	stream.indirect.gather [hbm4b:s4+s18], $0x80, s5, s18, $0xb8;
	[tilespmem:$0x1C800] =	vst v63  }
0x1d1: {  	s12 =	rddreg [dreg:$0x1b]  }
0x1d2: {  	[spmem:s2] =	stream.indirect.scatter.add.f32 [tilespmem:s21], [sflag:$0x6], $0x80, s12, s18, $0xb8;
	[tilespmem:$0x1C800] =	vst v63  }
0x1d3: {  	_ =	swait.ge [sflag:s20], $0x2800  }
0x1d4: {  	[sflag:s20] =	ssyncset.done $0x0  }
0x1d5: {  	[sflag:s20] =	ssyncadd.s32 $0xFFFFD800  }
0x1d6: {  	_ =	swait.ge [sflag:s26], $0x2800  }
0x1d7: {  	[sflag:s26] =	ssyncset.done $0x0  }
0x1d8: {  	s5 =	rddreg [dreg:$0x1c];
	[sflag:s26] =	ssyncadd.s32 $0xFFFFD800  }
0x1d9: {  	[tilespmem:s21], [sflag:$0x3] =	stream.indirect.gather [hbm4b:s4+s18], $0x80, s5, s18, $0xb8;
	[tilespmem:$0x1C800] =	vst v63  }
0x1da: {  	s12 =	rddreg [dreg:$0x1d]  }
0x1db: {  	[spmem:s2] =	stream.indirect.scatter.add.f32 [tilespmem:s15], [sflag:$0x4], $0x80, s12, s18, $0xb8;
	[tilespmem:$0x1C800] =	vst v63  }
0x1dc: {  	_ =	swait.ge [sflag:s22], $0x2800  }
0x1dd: {  	[sflag:s22] =	ssyncset.done $0x0  }
0x1de: {  	[sflag:s22] =	ssyncadd.s32 $0xFFFFD800  }
0x1df: {  	_ =	swait.ge [sflag:s23], $0x2800  }
0x1e0: {  	[sflag:s23] =	ssyncset.done $0x0  }
0x1e1: {  	s5 =	rddreg [dreg:$0x1e];
	[sflag:s23] =	ssyncadd.s32 $0xFFFFD800  }
0x1e2: {  	[tilespmem:s15], [sflag:$0x1] =	stream.indirect.gather [hbm4b:s4+s18], $0x80, s5, s18, $0xb8;
	[tilespmem:$0x1C800] =	vst v63  }
0x1e3: {  	s12 =	rddreg [dreg:$0x1f]  }
0x1e4: {  	[spmem:s2] =	stream.indirect.scatter.add.f32 [tilespmem:s19], [sflag:$0x5], $0x80, s12, s18, $0xb8;
	[tilespmem:$0x1C800] =	vst v63  }
0x1e5: {  	_ =	swait.ge [sflag:s24], $0x2800  }
0x1e6: {  	[sflag:s24] =	ssyncset.done $0x0  }
0x1e7: {  	[sflag:s24] =	ssyncadd.s32 $0xFFFFD800  }
0x1e8: {  	_ =	swait.ge [sflag:s25], $0x2800  }
0x1e9: {  	s5 =	sld [smem:$0x7F6]  }
0x1ea: {  	[sflag:s25] =	ssyncset.done $0x0  }
0x1eb: {  	s12 =	sld [smem:$0x7F7];
	[sflag:s25] =	ssyncadd.s32 $0xFFFFD800  }
0x1ec: {  	[tilespmem:s19], [sflag:$0x2] =	stream.indirect.gather [hbm4b:s4+s18], $0x80, s5, s18, $0xb8;
	[tilespmem:$0x1C800] =	vst v63  }
0x1ed: {  	_ = 	snop  }
0x1ee: {  	[spmem:s2] =	stream.indirect.scatter.add.f32 [tilespmem:s21], [sflag:$0x6], $0x80, s12, s18, $0xb8;
	[tilespmem:$0x1C800] =	vst v63  }
0x1ef: {  	_ =	swait.ge [sflag:s20], $0x2800  }
0x1f0: {  	[sflag:s20] =	ssyncset.done $0x0  }
0x1f1: {  	[sflag:s20] =	ssyncadd.s32 $0xFFFFD800  }
0x1f2: {  	_ =	swait.ge [sflag:s26], $0x2800  }
0x1f3: {  	s5 =	sld [smem:$0x7F8]  }
0x1f4: {  	[sflag:s26] =	ssyncset.done $0x0  }
0x1f5: {  	s12 =	sld [smem:$0x7F9];
	[sflag:s26] =	ssyncadd.s32 $0xFFFFD800  }
0x1f6: {  	[tilespmem:s21], [sflag:$0x3] =	stream.indirect.gather [hbm4b:s4+s18], $0x80, s5, s18, $0xb8;
	[tilespmem:$0x1C800] =	vst v63  }
0x1f7: {  	_ = 	snop  }
0x1f8: {  	[spmem:s2] =	stream.indirect.scatter.add.f32 [tilespmem:s15], [sflag:$0x4], $0x80, s12, s18, $0xb8;
	[tilespmem:$0x1C800] =	vst v63  }
0x1f9: {  	_ =	swait.ge [sflag:s22], $0x2800  }
0x1fa: {  	[sflag:s22] =	ssyncset.done $0x0  }
0x1fb: {  	[sflag:s22] =	ssyncadd.s32 $0xFFFFD800  }
0x1fc: {  	_ =	swait.ge [sflag:s23], $0x2800  }
0x1fd: {  	s5 =	sld [smem:$0x7FA]  }
0x1fe: {  	[sflag:s23] =	ssyncset.done $0x0  }
0x1ff: {  	s12 =	sld [smem:$0x7FB];
	[sflag:s23] =	ssyncadd.s32 $0xFFFFD800  }
0x200: {  	[tilespmem:s15], [sflag:$0x1] =	stream.indirect.gather [hbm4b:s4+s18], $0x80, s5, s18, $0xb8;
	[tilespmem:$0x1C800] =	vst v63  }
0x201: {  	_ = 	snop  }
0x202: {  	[spmem:s2] =	stream.indirect.scatter.add.f32 [tilespmem:s19], [sflag:$0x5], $0x80, s12, s18, $0xb8;
	[tilespmem:$0x1C800] =	vst v63  }
0x203: {  	_ =	swait.ge [sflag:s24], $0x2800  }
0x204: {  	[sflag:s24] =	ssyncset.done $0x0  }
0x205: {  	[sflag:s24] =	ssyncadd.s32 $0xFFFFD800  }
0x206: {  	_ =	swait.ge [sflag:s25], $0x2800  }
0x207: {  	s5 =	sld [smem:$0x7FC]  }
0x208: {  	[sflag:s25] =	ssyncset.done $0x0  }
0x209: {  	s12 =	sld [smem:$0x7FD];
	[sflag:s25] =	ssyncadd.s32 $0xFFFFD800  }
0x20a: {  	[tilespmem:s19], [sflag:$0x2] =	stream.indirect.gather [hbm4b:s4+s18], $0x80, s5, s18, $0xb8;
	[tilespmem:$0x1C800] =	vst v63  }
0x20b: {  	_ = 	snop  }
0x20c: {  	[spmem:s2] =	stream.indirect.scatter.add.f32 [tilespmem:s21], [sflag:$0x6], $0x80, s12, s18, $0xb8;
	[tilespmem:$0x1C800] =	vst v63  }
0x20d: {  	_ =	swait.ge [sflag:s20], $0x2800  }
0x20e: {  	[sflag:s20] =	ssyncset.done $0x0  }
0x20f: {  	[sflag:s20] =	ssyncadd.s32 $0xFFFFD800  }
0x210: {  	_ =	swait.ge [sflag:s26], $0x2800  }
0x211: {  	[sflag:s26] =	ssyncset.done $0x0  }
0x212: {  	[sflag:s26] =	ssyncadd.s32 $0xFFFFD800  }
0x213: {  	[tilespmem:s21], [sflag:$0x3] =	stream.indirect.gather [hbm4b:s4+s18], $0x80, s28, s18, $0xb8;
	[tilespmem:$0x1C800] =	vst v63  }
0x214: {  	_ = 	snop  }
0x215: {  	[spmem:s2] =	stream.indirect.scatter.add.f32 [tilespmem:s15], [sflag:$0x4], $0x80, s29, s18, $0xb8;
	[tilespmem:$0x1C800] =	vst v63  }
0x216: {  	_ =	swait.ge [sflag:s22], $0x2800  }
0x217: {  	[sflag:s22] =	ssyncset.done $0x0  }
0x218: {  	[sflag:s22] =	ssyncadd.s32 $0xFFFFD800  }
0x219: {  	_ =	swait.ge [sflag:s23], $0x2800  }
0x21a: {  	[sflag:s23] =	ssyncset.done $0x0  }
0x21b: {  	[sflag:s23] =	ssyncadd.s32 $0xFFFFD800  }
0x21c: {  	[tilespmem:s15], [sflag:$0x1] =	stream.indirect.gather [hbm4b:s4+s18], $0x80, s30, s18, $0xb8;
	[tilespmem:$0x1C800] =	vst v63  }
0x21d: {  	_ = 	snop  }
0x21e: {  	[spmem:s2] =	stream.indirect.scatter.add.f32 [tilespmem:s19], [sflag:$0x5], $0x80, s31, s18, $0xb8;
	[tilespmem:$0x1C800] =	vst v63  }
0x21f: {  	_ =	swait.ge [sflag:s24], $0x2800  }
0x220: {  	[sflag:s24] =	ssyncset.done $0x0  }
0x221: {  	[sflag:s24] =	ssyncadd.s32 $0xFFFFD800  }
0x222: {  	_ =	swait.ge [sflag:s25], $0x2800  }
0x223: {  	[sflag:s25] =	ssyncset.done $0x0  }
0x224: {  	[sflag:s25] =	ssyncadd.s32 $0xFFFFD800  }
0x225: {  	[tilespmem:s19], [sflag:$0x2] =	stream.indirect.gather [hbm4b:s4+s18], $0x80, s1, s18, $0xb8;
	[tilespmem:$0x1C800] =	vst v63  }
0x226: {  	_ = 	snop  }
0x227: {  	[spmem:s2] =	stream.indirect.scatter.add.f32 [tilespmem:s21], [sflag:$0x6], $0x80, s0, s18, $0xb8;
	[tilespmem:$0x1C800] =	vst v63  }
0x228: {  	_ =	swait.ge [sflag:s20], $0x2800  }
0x229: {  	[sflag:s20] =	ssyncset.done $0x0  }
0x22a: {  	[sflag:s20] =	ssyncadd.s32 $0xFFFFD800  }
0x22b: {  	_ =	swait.ge [sflag:s26], $0x2800  }
0x22c: {  	[sflag:s26] =	ssyncset.done $0x0  }
0x22d: {  	[sflag:s26] =	ssyncadd.s32 $0xFFFFD800  }
0x22e: {  	[tilespmem:s21], [sflag:$0x3] =	stream.indirect.gather [hbm4b:s4+s18], $0x80, s6, s18, $0xb8;
	[tilespmem:$0x1C800] =	vst v63  }
0x22f: {  	_ = 	snop  }
0x230: {  	[spmem:s2] =	stream.indirect.scatter.add.f32 [tilespmem:s15], [sflag:$0x4], $0x80, s7, s18, $0xb8;
	[tilespmem:$0x1C800] =	vst v63  }
0x231: {  	_ =	swait.ge [sflag:s22], $0x2800  }
0x232: {  	[sflag:s22] =	ssyncset.done $0x0  }
0x233: {  	[sflag:s22] =	ssyncadd.s32 $0xFFFFD800  }
0x234: {  	_ =	swait.ge [sflag:s23], $0x2800  }
0x235: {  	[sflag:s23] =	ssyncset.done $0x0  }
0x236: {  	[sflag:s23] =	ssyncadd.s32 $0xFFFFD800  }
0x237: {  	[tilespmem:s15], [sflag:$0x1] =	stream.indirect.gather [hbm4b:s4+s18], $0x80, s8, s18, $0xb8;
	[tilespmem:$0x1C800] =	vst v63  }
0x238: {  	_ = 	snop  }
0x239: {  	[spmem:s2] =	stream.indirect.scatter.add.f32 [tilespmem:s19], [sflag:$0x5], $0x80, s9, s18, $0xb8;
	[tilespmem:$0x1C800] =	vst v63  }
0x23a: {  	_ =	swait.ge [sflag:s24], $0x2800  }
0x23b: {  	[sflag:s24] =	ssyncset.done $0x0  }
0x23c: {  	[sflag:s24] =	ssyncadd.s32 $0xFFFFD800  }
0x23d: {  	_ =	swait.ge [sflag:s25], $0x2800  }
0x23e: {  	[sflag:s25] =	ssyncset.done $0x0  }
0x23f: {  	[sflag:s25] =	ssyncadd.s32 $0xFFFFD800  }
0x240: {  	[spmem:s2] =	stream.indirect.scatter.add.f32 [tilespmem:s21], [sflag:$0x6], $0x80, s10, s18, $0xb8;
	[tilespmem:$0x1C800] =	vst v63  }
0x241: {  	_ =	swait.ge [sflag:s20], $0x2800  }
0x242: {  	[sflag:s20] =	ssyncset.done $0x0  }
0x243: {  	[sflag:s20] =	ssyncadd.s32 $0xFFFFD800  }
0x244: {  	p0 =	sne.s32 s14, $0x3E8;
	_ =	swait.ge [sflag:s26], $0x2800  }
.Ltmp1:
0x245: {  	[sflag:s26] =	ssyncset.done $0x0;
	(pc) =	sbr.rel @p0 .LBB2_4-.Ltmp1, $4  }
0x246: {  	[sflag:s26] =	ssyncadd.s32 $0xFFFFD800  }
0x247: {  	[spmem:s2] =	stream.indirect.scatter.add.f32 [tilespmem:s15], [sflag:$0x4], $0x80, s11, s18, $0xb8;
	[tilespmem:$0x1C800] =	vst v63  }
0x248: {  	_ =	swait.ge [sflag:s23], $0x2800  }
0x249: {  	s14 =	sadd.s32 $0xFA, s14;
	s5 =	rddreg [dreg:$0x4];
	[sflag:s23] =	ssyncset.done $0x0  }
0x24a: {  	[sflag:s23] =	ssyncadd.s32 $0xFFFFD800;
	s5 =	sadd.s32 s13, s5  }
0x24b: {  	[tilespmem:s3], [sflag:$0x7] =	stream.linear.gather [hbm4b:s5+s3], $0x7D0, $0x38;
	[tilespmem:$0x1C800] =	vst v63  }
0x24c: {  	_ =	swait.ge [sflag:s16], $0x7D0  }
0x24d: {  	s12 =	rddreg [dreg:$0x3];
	[sflag:s16] =	ssyncset.done $0x0  }
0x24e: {  	[sflag:s16] =	ssyncadd.s32 $0xFFFFF830;
	s5 =	sadd.s32 s13, s12  }
0x24f: {  	[tilespmem:s17], [sflag:$0x7] =	stream.linear.gather [hbm4b:s5+s3], $0x7D0, $0x38;
	[tilespmem:$0x1C800] =	vst v63  }
0x250: {  	_ =	swait.ge [sflag:s16], $0x7D0  }
0x251: {  	[sflag:s16] =	ssyncset.done $0x0  }
0x252: {  	[sflag:s16] =	ssyncadd.s32 $0xFFFFF830  }
0x253: {  	[tilespmem:s15], [sflag:$0x1] =	stream.indirect.gather [hbm4b:s4+s18], $0x80, s3, s18, $0xb8;
	[tilespmem:$0x1C800] =	vst v63  }
0x254: {  	_ = 	snop  }
0x255: {  	[tilespmem:s19], [sflag:$0x2] =	stream.indirect.gather [hbm4b:s4+s18], $0x80, s18, s18, $0xb8;
	[tilespmem:$0x1C800] =	vst v63  }
0x256: {  	_ =	swait.ge [sflag:s20], $0x2800  }
0x257: {  	[sflag:s20] =	ssyncset.done $0x0  }
0x258: {  	s13 =	rddreg [dreg:$0x5];
	[sflag:s20] =	ssyncadd.s32 $0xFFFFD800  }
0x259: {  	[tilespmem:s21], [sflag:$0x3] =	stream.indirect.gather [hbm4b:s4+s18], $0x80, s13, s18, $0xb8;
	[tilespmem:$0x1C800] =	vst v63  }
0x25a: {  	_ = 	snop  }
0x25b: {  	[spmem:s2] =	stream.indirect.scatter.add.f32 [tilespmem:s15], [sflag:$0x4], $0x80, s17, s18, $0xb8;
	[tilespmem:$0x1C800] =	vst v63  }
0x25c: {  	_ =	swait.ge [sflag:s22], $0x2800  }
0x25d: {  	[sflag:s22] =	ssyncset.done $0x0  }
0x25e: {  	[sflag:s22] =	ssyncadd.s32 $0xFFFFD800  }
0x25f: {  	_ =	swait.ge [sflag:s23], $0x2800  }
0x260: {  	[sflag:s23] =	ssyncset.done $0x0  }
0x261: {  	s14 =	rddreg [dreg:$0x6];
	[sflag:s23] =	ssyncadd.s32 $0xFFFFD800  }
0x262: {  	[tilespmem:s15], [sflag:$0x1] =	stream.indirect.gather [hbm4b:s4+s18], $0x80, s14, s18, $0xb8;
	[tilespmem:$0x1C800] =	vst v63  }
0x263: {  	s12 =	rddreg [dreg:$0x7]  }
0x264: {  	[spmem:s2] =	stream.indirect.scatter.add.f32 [tilespmem:s19], [sflag:$0x5], $0x80, s12, s18, $0xb8;
	[tilespmem:$0x1C800] =	vst v63  }
0x265: {  	_ =	swait.ge [sflag:s24], $0x2800  }
0x266: {  	[sflag:s24] =	ssyncset.done $0x0  }
0x267: {  	[sflag:s24] =	ssyncadd.s32 $0xFFFFD800  }
0x268: {  	_ =	swait.ge [sflag:s25], $0x2800  }
0x269: {  	[sflag:s25] =	ssyncset.done $0x0  }
0x26a: {  	s13 =	rddreg [dreg:$0x8];
	[sflag:s25] =	ssyncadd.s32 $0xFFFFD800  }
0x26b: {  	[tilespmem:s19], [sflag:$0x2] =	stream.indirect.gather [hbm4b:s4+s18], $0x80, s13, s18, $0xb8;
	[tilespmem:$0x1C800] =	vst v63  }
0x26c: {  	s14 =	rddreg [dreg:$0x9]  }
0x26d: {  	[spmem:s2] =	stream.indirect.scatter.add.f32 [tilespmem:s21], [sflag:$0x6], $0x80, s14, s18, $0xb8;
	[tilespmem:$0x1C800] =	vst v63  }
0x26e: {  	_ =	swait.ge [sflag:s20], $0x2800  }
0x26f: {  	[sflag:s20] =	ssyncset.done $0x0  }
0x270: {  	[sflag:s20] =	ssyncadd.s32 $0xFFFFD800  }
0x271: {  	_ =	swait.ge [sflag:s26], $0x2800  }
0x272: {  	[sflag:s26] =	ssyncset.done $0x0  }
0x273: {  	s13 =	rddreg [dreg:$0xa];
	[sflag:s26] =	ssyncadd.s32 $0xFFFFD800  }
0x274: {  	[tilespmem:s21], [sflag:$0x3] =	stream.indirect.gather [hbm4b:s4+s18], $0x80, s13, s18, $0xb8;
	[tilespmem:$0x1C800] =	vst v63  }
0x275: {  	s14 =	rddreg [dreg:$0xb]  }
0x276: {  	[spmem:s2] =	stream.indirect.scatter.add.f32 [tilespmem:s15], [sflag:$0x4], $0x80, s14, s18, $0xb8;
	[tilespmem:$0x1C800] =	vst v63  }
0x277: {  	_ =	swait.ge [sflag:s22], $0x2800  }
0x278: {  	[sflag:s22] =	ssyncset.done $0x0  }
0x279: {  	[sflag:s22] =	ssyncadd.s32 $0xFFFFD800  }
0x27a: {  	_ =	swait.ge [sflag:s23], $0x2800  }
0x27b: {  	[sflag:s23] =	ssyncset.done $0x0  }
0x27c: {  	s13 =	rddreg [dreg:$0xc];
	[sflag:s23] =	ssyncadd.s32 $0xFFFFD800  }
0x27d: {  	[tilespmem:s15], [sflag:$0x1] =	stream.indirect.gather [hbm4b:s4+s18], $0x80, s13, s18, $0xb8;
	[tilespmem:$0x1C800] =	vst v63  }
0x27e: {  	s14 =	rddreg [dreg:$0xd]  }
0x27f: {  	[spmem:s2] =	stream.indirect.scatter.add.f32 [tilespmem:s19], [sflag:$0x5], $0x80, s14, s18, $0xb8;
	[tilespmem:$0x1C800] =	vst v63  }
0x280: {  	_ =	swait.ge [sflag:s24], $0x2800  }
0x281: {  	[sflag:s24] =	ssyncset.done $0x0  }
0x282: {  	[sflag:s24] =	ssyncadd.s32 $0xFFFFD800  }
0x283: {  	_ =	swait.ge [sflag:s25], $0x2800  }
0x284: {  	[sflag:s25] =	ssyncset.done $0x0  }
0x285: {  	s13 =	rddreg [dreg:$0xe];
	[sflag:s25] =	ssyncadd.s32 $0xFFFFD800  }
0x286: {  	[tilespmem:s19], [sflag:$0x2] =	stream.indirect.gather [hbm4b:s4+s18], $0x80, s13, s18, $0xb8;
	[tilespmem:$0x1C800] =	vst v63  }
0x287: {  	s14 =	rddreg [dreg:$0xf]  }
0x288: {  	[spmem:s2] =	stream.indirect.scatter.add.f32 [tilespmem:s21], [sflag:$0x6], $0x80, s14, s18, $0xb8;
	[tilespmem:$0x1C800] =	vst v63  }
0x289: {  	_ =	swait.ge [sflag:s20], $0x2800  }
0x28a: {  	[sflag:s20] =	ssyncset.done $0x0  }
0x28b: {  	[sflag:s20] =	ssyncadd.s32 $0xFFFFD800  }
0x28c: {  	_ =	swait.ge [sflag:s26], $0x2800  }
0x28d: {  	[sflag:s26] =	ssyncset.done $0x0  }
0x28e: {  	s13 =	rddreg [dreg:$0x10];
	[sflag:s26] =	ssyncadd.s32 $0xFFFFD800  }
0x28f: {  	[tilespmem:s21], [sflag:$0x3] =	stream.indirect.gather [hbm4b:s4+s18], $0x80, s13, s18, $0xb8;
	[tilespmem:$0x1C800] =	vst v63  }
0x290: {  	s14 =	rddreg [dreg:$0x11]  }
0x291: {  	[spmem:s2] =	stream.indirect.scatter.add.f32 [tilespmem:s15], [sflag:$0x4], $0x80, s14, s18, $0xb8;
	[tilespmem:$0x1C800] =	vst v63  }
0x292: {  	_ =	swait.ge [sflag:s22], $0x2800  }
0x293: {  	[sflag:s22] =	ssyncset.done $0x0  }
0x294: {  	[sflag:s22] =	ssyncadd.s32 $0xFFFFD800  }
0x295: {  	_ =	swait.ge [sflag:s23], $0x2800  }
0x296: {  	[sflag:s23] =	ssyncset.done $0x0  }
0x297: {  	s13 =	rddreg [dreg:$0x12];
	[sflag:s23] =	ssyncadd.s32 $0xFFFFD800  }
0x298: {  	[tilespmem:s15], [sflag:$0x1] =	stream.indirect.gather [hbm4b:s4+s18], $0x80, s13, s18, $0xb8;
	[tilespmem:$0x1C800] =	vst v63  }
0x299: {  	s14 =	rddreg [dreg:$0x13]  }
0x29a: {  	[spmem:s2] =	stream.indirect.scatter.add.f32 [tilespmem:s19], [sflag:$0x5], $0x80, s14, s18, $0xb8;
	[tilespmem:$0x1C800] =	vst v63  }
0x29b: {  	_ =	swait.ge [sflag:s24], $0x2800  }
0x29c: {  	[sflag:s24] =	ssyncset.done $0x0  }
0x29d: {  	[sflag:s24] =	ssyncadd.s32 $0xFFFFD800  }
0x29e: {  	_ =	swait.ge [sflag:s25], $0x2800  }
0x29f: {  	[sflag:s25] =	ssyncset.done $0x0  }
0x2a0: {  	s13 =	rddreg [dreg:$0x14];
	[sflag:s25] =	ssyncadd.s32 $0xFFFFD800  }
0x2a1: {  	[tilespmem:s19], [sflag:$0x2] =	stream.indirect.gather [hbm4b:s4+s18], $0x80, s13, s18, $0xb8;
	[tilespmem:$0x1C800] =	vst v63  }
0x2a2: {  	s14 =	rddreg [dreg:$0x15]  }
0x2a3: {  	[spmem:s2] =	stream.indirect.scatter.add.f32 [tilespmem:s21], [sflag:$0x6], $0x80, s14, s18, $0xb8;
	[tilespmem:$0x1C800] =	vst v63  }
0x2a4: {  	_ =	swait.ge [sflag:s20], $0x2800  }
0x2a5: {  	[sflag:s20] =	ssyncset.done $0x0  }
0x2a6: {  	[sflag:s20] =	ssyncadd.s32 $0xFFFFD800  }
0x2a7: {  	_ =	swait.ge [sflag:s26], $0x2800  }
0x2a8: {  	[sflag:s26] =	ssyncset.done $0x0  }
0x2a9: {  	s13 =	rddreg [dreg:$0x16];
	[sflag:s26] =	ssyncadd.s32 $0xFFFFD800  }
0x2aa: {  	[tilespmem:s21], [sflag:$0x3] =	stream.indirect.gather [hbm4b:s4+s18], $0x80, s13, s18, $0xb8;
	[tilespmem:$0x1C800] =	vst v63  }
0x2ab: {  	s14 =	rddreg [dreg:$0x17]  }
0x2ac: {  	[spmem:s2] =	stream.indirect.scatter.add.f32 [tilespmem:s15], [sflag:$0x4], $0x80, s14, s18, $0xb8;
	[tilespmem:$0x1C800] =	vst v63  }
0x2ad: {  	_ =	swait.ge [sflag:s22], $0x2800  }
0x2ae: {  	[sflag:s22] =	ssyncset.done $0x0  }
0x2af: {  	[sflag:s22] =	ssyncadd.s32 $0xFFFFD800  }
0x2b0: {  	_ =	swait.ge [sflag:s23], $0x2800  }
0x2b1: {  	[sflag:s23] =	ssyncset.done $0x0  }
0x2b2: {  	s13 =	rddreg [dreg:$0x18];
	[sflag:s23] =	ssyncadd.s32 $0xFFFFD800  }
0x2b3: {  	[tilespmem:s15], [sflag:$0x1] =	stream.indirect.gather [hbm4b:s4+s18], $0x80, s13, s18, $0xb8;
	[tilespmem:$0x1C800] =	vst v63  }
0x2b4: {  	s14 =	rddreg [dreg:$0x19]  }
0x2b5: {  	[spmem:s2] =	stream.indirect.scatter.add.f32 [tilespmem:s19], [sflag:$0x5], $0x80, s14, s18, $0xb8;
	[tilespmem:$0x1C800] =	vst v63  }
0x2b6: {  	_ =	swait.ge [sflag:s24], $0x2800  }
0x2b7: {  	[sflag:s24] =	ssyncset.done $0x0  }
0x2b8: {  	[sflag:s24] =	ssyncadd.s32 $0xFFFFD800  }
0x2b9: {  	_ =	swait.ge [sflag:s25], $0x2800  }
0x2ba: {  	[sflag:s25] =	ssyncset.done $0x0  }
0x2bb: {  	s13 =	rddreg [dreg:$0x1a];
	[sflag:s25] =	ssyncadd.s32 $0xFFFFD800  }
0x2bc: {  	[tilespmem:s19], [sflag:$0x2] =	stream.indirect.gather [hbm4b:s4+s18], $0x80, s13, s18, $0xb8;
	[tilespmem:$0x1C800] =	vst v63  }
0x2bd: {  	s14 =	rddreg [dreg:$0x1b]  }
0x2be: {  	[spmem:s2] =	stream.indirect.scatter.add.f32 [tilespmem:s21], [sflag:$0x6], $0x80, s14, s18, $0xb8;
	[tilespmem:$0x1C800] =	vst v63  }
0x2bf: {  	_ =	swait.ge [sflag:s20], $0x2800  }
0x2c0: {  	[sflag:s20] =	ssyncset.done $0x0  }
0x2c1: {  	[sflag:s20] =	ssyncadd.s32 $0xFFFFD800  }
0x2c2: {  	_ =	swait.ge [sflag:s26], $0x2800  }
0x2c3: {  	[sflag:s26] =	ssyncset.done $0x0  }
0x2c4: {  	s13 =	rddreg [dreg:$0x1c];
	[sflag:s26] =	ssyncadd.s32 $0xFFFFD800  }
0x2c5: {  	[tilespmem:s21], [sflag:$0x3] =	stream.indirect.gather [hbm4b:s4+s18], $0x80, s13, s18, $0xb8;
	[tilespmem:$0x1C800] =	vst v63  }
0x2c6: {  	s14 =	rddreg [dreg:$0x1d]  }
0x2c7: {  	[spmem:s2] =	stream.indirect.scatter.add.f32 [tilespmem:s15], [sflag:$0x4], $0x80, s14, s18, $0xb8;
	[tilespmem:$0x1C800] =	vst v63  }
0x2c8: {  	_ =	swait.ge [sflag:s22], $0x2800  }
0x2c9: {  	[sflag:s22] =	ssyncset.done $0x0  }
0x2ca: {  	[sflag:s22] =	ssyncadd.s32 $0xFFFFD800  }
0x2cb: {  	_ =	swait.ge [sflag:s23], $0x2800  }
0x2cc: {  	[sflag:s23] =	ssyncset.done $0x0  }
0x2cd: {  	s13 =	rddreg [dreg:$0x1e];
	[sflag:s23] =	ssyncadd.s32 $0xFFFFD800  }
0x2ce: {  	[tilespmem:s15], [sflag:$0x1] =	stream.indirect.gather [hbm4b:s4+s18], $0x80, s13, s18, $0xb8;
	[tilespmem:$0x1C800] =	vst v63  }
0x2cf: {  	s14 =	rddreg [dreg:$0x1f]  }
0x2d0: {  	[spmem:s2] =	stream.indirect.scatter.add.f32 [tilespmem:s19], [sflag:$0x5], $0x80, s14, s18, $0xb8;
	[tilespmem:$0x1C800] =	vst v63  }
0x2d1: {  	_ =	swait.ge [sflag:s24], $0x2800  }
0x2d2: {  	[sflag:s24] =	ssyncset.done $0x0  }
0x2d3: {  	[sflag:s24] =	ssyncadd.s32 $0xFFFFD800  }
0x2d4: {  	_ =	swait.ge [sflag:s25], $0x2800  }
0x2d5: {  	s13 =	sld [smem:$0x7F6]  }
0x2d6: {  	[sflag:s25] =	ssyncset.done $0x0  }
0x2d7: {  	s14 =	sld [smem:$0x7F7];
	[sflag:s25] =	ssyncadd.s32 $0xFFFFD800  }
0x2d8: {  	[tilespmem:s19], [sflag:$0x2] =	stream.indirect.gather [hbm4b:s4+s18], $0x80, s13, s18, $0xb8;
	[tilespmem:$0x1C800] =	vst v63  }
0x2d9: {  	_ = 	snop  }
0x2da: {  	[spmem:s2] =	stream.indirect.scatter.add.f32 [tilespmem:s21], [sflag:$0x6], $0x80, s14, s18, $0xb8;
	[tilespmem:$0x1C800] =	vst v63  }
0x2db: {  	_ =	swait.ge [sflag:s20], $0x2800  }
0x2dc: {  	[sflag:s20] =	ssyncset.done $0x0  }
0x2dd: {  	[sflag:s20] =	ssyncadd.s32 $0xFFFFD800  }
0x2de: {  	_ =	swait.ge [sflag:s26], $0x2800  }
0x2df: {  	s13 =	sld [smem:$0x7F8]  }
0x2e0: {  	[sflag:s26] =	ssyncset.done $0x0  }
0x2e1: {  	s14 =	sld [smem:$0x7F9];
	[sflag:s26] =	ssyncadd.s32 $0xFFFFD800  }
0x2e2: {  	[tilespmem:s21], [sflag:$0x3] =	stream.indirect.gather [hbm4b:s4+s18], $0x80, s13, s18, $0xb8;
	[tilespmem:$0x1C800] =	vst v63  }
0x2e3: {  	_ = 	snop  }
0x2e4: {  	[spmem:s2] =	stream.indirect.scatter.add.f32 [tilespmem:s15], [sflag:$0x4], $0x80, s14, s18, $0xb8;
	[tilespmem:$0x1C800] =	vst v63  }
0x2e5: {  	_ =	swait.ge [sflag:s22], $0x2800  }
0x2e6: {  	[sflag:s22] =	ssyncset.done $0x0  }
0x2e7: {  	[sflag:s22] =	ssyncadd.s32 $0xFFFFD800  }
0x2e8: {  	_ =	swait.ge [sflag:s23], $0x2800  }
0x2e9: {  	s13 =	sld [smem:$0x7FA]  }
0x2ea: {  	[sflag:s23] =	ssyncset.done $0x0  }
0x2eb: {  	s14 =	sld [smem:$0x7FB];
	[sflag:s23] =	ssyncadd.s32 $0xFFFFD800  }
0x2ec: {  	[tilespmem:s15], [sflag:$0x1] =	stream.indirect.gather [hbm4b:s4+s18], $0x80, s13, s18, $0xb8;
	[tilespmem:$0x1C800] =	vst v63  }
0x2ed: {  	_ = 	snop  }
0x2ee: {  	[spmem:s2] =	stream.indirect.scatter.add.f32 [tilespmem:s19], [sflag:$0x5], $0x80, s14, s18, $0xb8;
	[tilespmem:$0x1C800] =	vst v63  }
0x2ef: {  	_ =	swait.ge [sflag:s24], $0x2800  }
0x2f0: {  	[sflag:s24] =	ssyncset.done $0x0  }
0x2f1: {  	[sflag:s24] =	ssyncadd.s32 $0xFFFFD800  }
0x2f2: {  	_ =	swait.ge [sflag:s25], $0x2800  }
0x2f3: {  	s13 =	sld [smem:$0x7FC]  }
0x2f4: {  	[sflag:s25] =	ssyncset.done $0x0  }
0x2f5: {  	s14 =	sld [smem:$0x7FD];
	[sflag:s25] =	ssyncadd.s32 $0xFFFFD800  }
0x2f6: {  	[tilespmem:s19], [sflag:$0x2] =	stream.indirect.gather [hbm4b:s4+s18], $0x80, s13, s18, $0xb8;
	[tilespmem:$0x1C800] =	vst v63  }
0x2f7: {  	_ = 	snop  }
0x2f8: {  	[spmem:s2] =	stream.indirect.scatter.add.f32 [tilespmem:s21], [sflag:$0x6], $0x80, s14, s18, $0xb8;
	[tilespmem:$0x1C800] =	vst v63  }
0x2f9: {  	_ =	swait.ge [sflag:s20], $0x2800  }
0x2fa: {  	[sflag:s20] =	ssyncset.done $0x0  }
0x2fb: {  	[sflag:s20] =	ssyncadd.s32 $0xFFFFD800  }
0x2fc: {  	_ =	swait.ge [sflag:s26], $0x2800  }
0x2fd: {  	[sflag:s26] =	ssyncset.done $0x0  }
0x2fe: {  	[sflag:s26] =	ssyncadd.s32 $0xFFFFD800  }
0x2ff: {  	[tilespmem:s21], [sflag:$0x3] =	stream.indirect.gather [hbm4b:s4+s18], $0x80, s28, s18, $0xb8;
	[tilespmem:$0x1C800] =	vst v63  }
0x300: {  	_ = 	snop  }
0x301: {  	[spmem:s2] =	stream.indirect.scatter.add.f32 [tilespmem:s15], [sflag:$0x4], $0x80, s29, s18, $0xb8;
	[tilespmem:$0x1C800] =	vst v63  }
0x302: {  	_ =	swait.ge [sflag:s22], $0x2800  }
0x303: {  	[sflag:s22] =	ssyncset.done $0x0  }
0x304: {  	[sflag:s22] =	ssyncadd.s32 $0xFFFFD800  }
0x305: {  	_ =	swait.ge [sflag:s23], $0x2800  }
0x306: {  	[sflag:s23] =	ssyncset.done $0x0  }
0x307: {  	[sflag:s23] =	ssyncadd.s32 $0xFFFFD800  }
0x308: {  	[tilespmem:s15], [sflag:$0x1] =	stream.indirect.gather [hbm4b:s4+s18], $0x80, s30, s18, $0xb8;
	[tilespmem:$0x1C800] =	vst v63  }
0x309: {  	_ = 	snop  }
0x30a: {  	[spmem:s2] =	stream.indirect.scatter.add.f32 [tilespmem:s19], [sflag:$0x5], $0x80, s31, s18, $0xb8;
	[tilespmem:$0x1C800] =	vst v63  }
0x30b: {  	_ =	swait.ge [sflag:s24], $0x2800  }
0x30c: {  	[sflag:s24] =	ssyncset.done $0x0  }
0x30d: {  	[sflag:s24] =	ssyncadd.s32 $0xFFFFD800  }
0x30e: {  	_ =	swait.ge [sflag:s25], $0x2800  }
0x30f: {  	[sflag:s25] =	ssyncset.done $0x0  }
0x310: {  	[sflag:s25] =	ssyncadd.s32 $0xFFFFD800  }
0x311: {  	[tilespmem:s19], [sflag:$0x2] =	stream.indirect.gather [hbm4b:s4+s18], $0x80, s1, s18, $0xb8;
	[tilespmem:$0x1C800] =	vst v63  }
0x312: {  	_ = 	snop  }
0x313: {  	[spmem:s2] =	stream.indirect.scatter.add.f32 [tilespmem:s21], [sflag:$0x6], $0x80, s0, s18, $0xb8;
	[tilespmem:$0x1C800] =	vst v63  }
0x314: {  	_ =	swait.ge [sflag:s20], $0x2800  }
0x315: {  	[sflag:s20] =	ssyncset.done $0x0  }
0x316: {  	[sflag:s20] =	ssyncadd.s32 $0xFFFFD800  }
0x317: {  	_ =	swait.ge [sflag:s26], $0x2800  }
0x318: {  	[sflag:s26] =	ssyncset.done $0x0  }
0x319: {  	[sflag:s26] =	ssyncadd.s32 $0xFFFFD800  }
0x31a: {  	[tilespmem:s21], [sflag:$0x3] =	stream.indirect.gather [hbm4b:s4+s18], $0x80, s6, s18, $0xb8;
	[tilespmem:$0x1C800] =	vst v63  }
0x31b: {  	_ = 	snop  }
0x31c: {  	[spmem:s2] =	stream.indirect.scatter.add.f32 [tilespmem:s15], [sflag:$0x4], $0x80, s7, s18, $0xb8;
	[tilespmem:$0x1C800] =	vst v63  }
0x31d: {  	_ =	swait.ge [sflag:s22], $0x2800  }
0x31e: {  	[sflag:s22] =	ssyncset.done $0x0  }
0x31f: {  	[sflag:s22] =	ssyncadd.s32 $0xFFFFD800  }
0x320: {  	_ =	swait.ge [sflag:s23], $0x2800  }
0x321: {  	[sflag:s23] =	ssyncset.done $0x0  }
0x322: {  	[sflag:s23] =	ssyncadd.s32 $0xFFFFD800  }
0x323: {  	[tilespmem:s15], [sflag:$0x1] =	stream.indirect.gather [hbm4b:s4+s18], $0x80, s8, s18, $0xb8;
	[tilespmem:$0x1C800] =	vst v63  }
0x324: {  	_ = 	snop  }
0x325: {  	[spmem:s2] =	stream.indirect.scatter.add.f32 [tilespmem:s19], [sflag:$0x5], $0x80, s9, s18, $0xb8;
	[tilespmem:$0x1C800] =	vst v63  }
0x326: {  	_ =	swait.ge [sflag:s24], $0x2800  }
0x327: {  	[sflag:s24] =	ssyncset.done $0x0  }
0x328: {  	[sflag:s24] =	ssyncadd.s32 $0xFFFFD800  }
0x329: {  	_ =	swait.ge [sflag:s25], $0x2800  }
0x32a: {  	[sflag:s25] =	ssyncset.done $0x0  }
0x32b: {  	[sflag:s25] =	ssyncadd.s32 $0xFFFFD800  }
0x32c: {  	[spmem:s2] =	stream.indirect.scatter.add.f32 [tilespmem:s21], [sflag:$0x6], $0x80, s10, s18, $0xb8;
	[tilespmem:$0x1C800] =	vst v63  }
0x32d: {  	_ =	swait.ge [sflag:s20], $0x2800  }
0x32e: {  	[sflag:s20] =	ssyncset.done $0x0  }
0x32f: {  	[sflag:s20] =	ssyncadd.s32 $0xFFFFD800  }
0x330: {  	_ =	swait.ge [sflag:s26], $0x2800  }
0x331: {  	[sflag:s26] =	ssyncset.done $0x0  }
0x332: {  	[sflag:s26] =	ssyncadd.s32 $0xFFFFD800  }
0x333: {  	[spmem:s2] =	stream.indirect.scatter.add.f32 [tilespmem:s15], [sflag:$0x4], $0x80, s11, s18, $0xb8;
	[tilespmem:$0x1C800] =	vst v63  }
0x334: {  	_ =	swait.ge [sflag:s23], $0x2800  }
0x335: {  	[sflag:s23] =	ssyncset.done $0x0  }
0x336: {  	[sflag:s23] =	ssyncadd.s32 $0xFFFFD800  }
0x337: {  	[bflag:$0x0] =	sbarrier.arrive $0xFFFF  }
0x338: {  	s13 =	sld [smem:$0x7F2]  }
0x339: {  	s12 =	stileid.u32;
	s14 =	sld [smem:$0x7F4]  }
0x33a: {  	s5 =	sshll.u32 s12, $0x6  }
0x33b: {  	s5 =	sor.u32 $0x1C07, s5;
	s12 =	sshrl.u32 s13, $0x3  }
0x33c: {  	[hbm:s14], [sflag:s5] =	dma.local [spmem:s12], $0x2800  }
0x33d: {  	_ =	swait.ge [sflag:s16], $0x2800  }
0x33e: {  	s13 =	sld [smem:$0x7EB]  }
0x33f: {  	s14 =	sld [smem:$0x7F5];
	_ =	sdelay $0x1  }
0x340: {  	s12 =	sadd.s32 $0x1, s13  }
0x341: {  	p0 =	sne.s32 s12, s14  }
.Ltmp2:
0x342: {  	_ = 	snop;
	(pc) =	sbr.rel @p0 .LBB2_1-.Ltmp2, $3  }
0x343: {  	_ =	sdelay $0x1  }
0x344: {  	[sflag:s16] =	ssyncset.done $0x0  }
0x345: {  	[sflag:s16] =	ssyncadd.s32 $0xFFFFD800  }
0x346: {  	_ =	sfence.sel $0x180000  }
0x347: {  	[bflag:$0x0] =	sbarrier.arrive $0xFFFF  }
0x348: {  	_ =	strace $0x9000004D  }
0x349: {  	s0 =	stileid.u32;
	[bflag:$0x2] =	sbarrier.arrive $0xFFFF  }
0x34a: {  	p0 =	sne.s32 s0, $0x0;
	s0 =	rddreg [dreg:$0x2]  }
0x34b: {  	s0 =	sadd.s32 @!p0 $0x100000, s0  }
0x34c: {  	[sflag:s0] =	ssyncadd.tile.s32 @!p0 $0x1;
	_ =	shalt  }
.Lfunc_end2:
_tile_overlayer_lowered:
.L_overlay_start_2:
0x34d: {  	(tag) =	ssettag $0x2  }
0x34e: {  	s0 =	rddreg [dreg:$0x0];
	s2 =	stileid.u32  }
0x34f: {  	s1 =	rddreg [dreg:$0x1];
	p0 =	sne.s32 s2, $0x0  }
0x350: {  	s3 =	rddreg [dreg:$0x2];
	[bflag:$0x3] =	sbarrier.arrive $0xFFFF;
	s2 =	simm.s32 @!p0 $0x1C07  }
0x351: {  	[timem:s3], [sflag:s2] =	dma.local @!p0 [hbm:s0], s1  }
0x352: {  	s0 =	simm.s32 @!p0 $0x7  }
0x353: {  	_ =	swait.ge @!p0 [sflag:s0], s1  }
0x354: {  	s1 =	ssub.s32 @!p0 $0x0, s1;
	[sflag:s0] =	ssyncset.done @!p0 $0x0  }
0x355: {  	[sflag:s0] =	ssyncadd.s32 @!p0 s1  }
0x356: {  	[bflag:$0x3] =	sbarrier.arrive $0xFFFF  }
0x357: {  	_ =	shalt  }

// kernel: kernel.7.cloned.1.call-start
scs
__scs_entry_jumppad:
0x0: {  	(pc) =	sbr.rel $0x88, $3  }
0x1: {  	(tag) =	ssettag $0x0;
	lr =	simm.s32 $0x1  }
0x2: {  	[smem:$0x3F97] =	sst lr;
	_ =	strace $0xD0000000  }
0x3: {  	_ = 	snop  }
0x4: {  	_ = 	snop  }
0x5: {  	_ = 	snop  }
0x6: {  	_ = 	snop  }
0x7: {  	_ = 	snop  }
__scs_overlays_trampoline_lowered:
0x8: {  	[smem:$0x3FA6] =	sst s0  }
0x9: {  	[smem:$0x3FA7] =	sst s1  }
0xa: {  	[smem:$0x3FA8] =	sst s2  }
0xb: {  	[smem:$0x3FA9] =	sst s3  }
0xc: {  	[smem:$0x3FAA] =	sst s4  }
0xd: {  	[smem:$0x3FAB] =	sst s5  }
0xe: {  	[smem:$0x3FAC] =	sst s6  }
0xf: {  	[smem:$0x3FAD] =	sst s7  }
0x10: {  	[smem:$0x3FAE] =	sst s8  }
0x11: {  	[smem:$0x3FAF] =	sst s9;
	s0 =	simm.s32 @!p0 $0x0  }
0x12: {  	s1 =	sld [smem:$0x3F95];
	s0 =	simm.s32 @p0 $0x1  }
0x13: {  	[smem:$0x3FB0] =	sst s0;
	s0 =	simm.s32 @!p1 $0x0  }
0x14: {  	s2 =	sld [smem:$0x3F94];
	s0 =	simm.s32 @p1 $0x1  }
0x15: {  	[smem:$0x3FB1] =	sst s0;
	s0 =	simm.s32 @!p2 $0x0  }
0x16: {  	s3 =	sld [smem:$0x3FDB];
	s0 =	simm.s32 @p2 $0x1  }
0x17: {  	s4 =	simm.s32 $0x1BF5;
	[smem:$0x3FB3] =	sst s0  }
0x18: {  	s0 =	sld [smem:$0x3F96];
	_ =	swait.ge [sflag:s4], $0x0  }
0x19: {  	s7 =	sld [smem:$0x3F97]  }
0x1a: {  	s8 =	sadd.s32 $0xFFFFE003, lr  }
0x1b: {  	s9 =	sadd.s32 $0xFFFFFEF7, lr;
	s5 =	simm.s32 $0xFFFFFFFF;
	p2 =	slt.u32 s8, $0xFFFFF086  }
0x1c: {  	p1 =	slt.u32 s9, $0xF7A;
	s5 =	simm.s32 @!p2 $0x0  }
0x1d: {  	s5 =	simm.s32 @p1 $0x1;
	p0 =	seq.s32 s7, s2  }
0x1e: {  	s7 =	smul.u32 @!p0 $0xF7A, s2;
	p2 =	seq.s32 @!p0 s5, $0x0  }
0x1f: {  	s9 =	smul.u32 $0xF7A, s1;
	s8 =	simm.s32 @!p0 $0x1BF5;
	p2 =	por !p2, p0  }
0x20: {  	[sflag:s8] =	ssyncset.s32 @!p0 $0xFFFFF086;
	s6 =	sadd.s32 @!p0 s3, s7;
	s7 =	simm.s32 @!p0 $0x108  }
0x21: {  	s3 =	sadd.s32 s3, s9;
	s6 =	sadd.s32 @!p0 $0x88, s6;
	s7 =	simm.s32 @p2 $0x1082  }
0x22: {  	[simem:s7], [sflag:s8] =	dma.local @!p0 [hbm:s6], $0xF7A  }
0x23: {  	s9 =	sor.u32 $0xD0000000, s2;
	s6 =	simm.s32 $0x108;
	_ =	swait.ge @!p0 [sflag:s8], $0x0  }
0x24: {  	s3 =	sadd.s32 $0x88, s3;
	s6 =	simm.s32 @!p1 $0x1082;
	[sflag:s4] =	ssyncset.s32 $0xFFFFF086  }
0x25: {  	[simem:s6], [sflag:s4] =	dma.local [hbm:s3], $0xF7A  }
0x26: {  	[smem:$0x3F97] =	sst s1;
	(tag) =	ssettag s2;
	_ =	strace s9  }
0x27: {  	s1 =	sld [smem:$0x3FA7]  }
0x28: {  	s2 =	sld [smem:$0x3FA8]  }
0x29: {  	s4 =	sld [smem:$0x3FAA]  }
0x2a: {  	p0 =	seq.s32 s5, $0x0;
	s5 =	sld [smem:$0x3FAB]  }
0x2b: {  	s6 =	sld [smem:$0x3FAC]  }
0x2c: {  	s7 =	sld [smem:$0x3FAD]  }
0x2d: {  	s3 =	simm.s32 $0x108;
	s8 =	sld [smem:$0x3FAE]  }
0x2e: {  	s3 =	simm.s32 @!p0 $0x1082;
	s9 =	sld [smem:$0x3FAF]  }
0x2f: {  	lr =	sadd.s32 s0, s3;
	s0 =	sld [smem:$0x3FA6]  }
0x30: {  	s3 =	sld [smem:$0x3FA9]  }
0x31: {  	[smem:$0x3FB2] =	sst s10  }
0x32: {  	s10 =	sld [smem:$0x3FB0];
	_ =	sdelay $0x3  }
0x33: {  	p0 =	seq.s32 s10, $0x1;
	s10 =	sld [smem:$0x3FB2];
	_ =	sdelay $0x3  }
0x34: {  	[smem:$0x3FB2] =	sst s10  }
0x35: {  	s10 =	sld [smem:$0x3FB1];
	_ =	sdelay $0x3  }
0x36: {  	p1 =	seq.s32 s10, $0x1;
	s10 =	sld [smem:$0x3FB2];
	_ =	sdelay $0x3  }
0x37: {  	[smem:$0x3FB2] =	sst s10  }
0x38: {  	s10 =	sld [smem:$0x3FB3]  }
0x39: {  	_ = 	snop;
	(pc) =	sbr.ind lr, $3  }
0x3a: {  	_ = 	snop  }
0x3b: {  	_ = 	snop  }
0x3c: {  	p2 =	seq.s32 s10, $0x1;
	s10 =	sld [smem:$0x3FB2]  }
0x3d: {  	_ =	shalt  }
0x3e: {  	_ =	shalt  }
0x3f: {  	_ =	shalt  }
0x40: {  	_ =	shalt  }
0x41: {  	_ =	shalt  }
0x42: {  	_ =	shalt  }
0x43: {  	_ =	shalt  }
0x44: {  	_ =	shalt  }
0x45: {  	_ =	shalt  }
0x46: {  	_ =	shalt  }
0x47: {  	_ =	shalt  }
0x48: {  	_ =	shalt  }
0x49: {  	_ =	shalt  }
0x4a: {  	_ =	shalt  }
0x4b: {  	_ =	shalt  }
0x4c: {  	_ =	shalt  }
0x4d: {  	_ =	shalt  }
0x4e: {  	_ =	shalt  }
0x4f: {  	_ =	shalt  }
0x50: {  	_ =	shalt  }
0x51: {  	_ =	shalt  }
0x52: {  	_ =	shalt  }
0x53: {  	_ =	shalt  }
0x54: {  	_ =	shalt  }
0x55: {  	_ =	shalt  }
0x56: {  	_ =	shalt  }
0x57: {  	_ =	shalt  }
0x58: {  	_ =	shalt  }
0x59: {  	_ =	shalt  }
0x5a: {  	_ =	shalt  }
0x5b: {  	_ =	shalt  }
0x5c: {  	_ =	shalt  }
0x5d: {  	_ =	shalt  }
0x5e: {  	_ =	shalt  }
0x5f: {  	_ =	shalt  }
0x60: {  	_ =	shalt  }
0x61: {  	_ =	shalt  }
0x62: {  	_ =	shalt  }
0x63: {  	_ =	shalt  }
0x64: {  	_ =	shalt  }
0x65: {  	_ =	shalt  }
0x66: {  	_ =	shalt  }
0x67: {  	_ =	shalt  }
0x68: {  	_ =	shalt  }
0x69: {  	_ =	shalt  }
0x6a: {  	_ =	shalt  }
0x6b: {  	_ =	shalt  }
0x6c: {  	_ =	shalt  }
0x6d: {  	_ =	shalt  }
0x6e: {  	_ =	shalt  }
0x6f: {  	_ =	shalt  }
0x70: {  	_ =	shalt  }
0x71: {  	_ =	shalt  }
0x72: {  	_ =	shalt  }
0x73: {  	_ =	shalt  }
0x74: {  	_ =	shalt  }
0x75: {  	_ =	shalt  }
0x76: {  	_ =	shalt  }
0x77: {  	_ =	shalt  }
0x78: {  	_ =	shalt  }
0x79: {  	_ =	shalt  }
0x7a: {  	_ =	shalt  }
0x7b: {  	_ =	shalt  }
0x7c: {  	_ =	shalt  }
0x7d: {  	_ =	shalt  }
0x7e: {  	_ =	shalt  }
0x7f: {  	_ =	shalt  }
0x80: {  	_ =	shalt  }
0x81: {  	_ =	shalt  }
0x82: {  	_ =	shalt  }
0x83: {  	_ =	shalt  }
0x84: {  	_ =	shalt  }
0x85: {  	_ =	shalt  }
0x86: {  	_ =	shalt  }
0x87: {  	_ =	shalt  }
.Lfunc_end0:
.L_simem_size_0:
called_computation_lowered:
.L_overlay_start_0:
0x88: {  	s2 =	sld [smem:$0x3FD9]  }
0x89: {  	s3 =	sld [smem:$0x3FFE];
	_ =	sdelay $0x1  }
0x8a: {  	s1 =	srdreg.scid  }
0x8b: {  	s0 =	sand.u32 $0x1, s1  }
0x8c: {  	s16 =	sshll.u32 s0, $0xA;
	s2 =	sadd.s32 s3, s2  }
0x8d: {  	s2 =	sadd.s32 s2, s16  }
0x8e: {  	[smem:$0x3FBE] =	sst s2  }
0x8f: {  	_ = 	snop  }
0x90: {  	(tm) =	ssettm $0x1  }
0x91: {  	s17 =	sld [smem:$0x3FFB];
	_ =	sdelay $0x3  }
0x92: {  	_ =	strace s17  }
0x93: {  	s2 =	sld [smem:$0x3FFC];
	_ =	sdelay $0x3  }
0x94: {  	_ =	strace s2  }
0x95: {  	s2 =	sld [smem:$0x3FFD];
	_ =	sdelay $0x3  }
0x96: {  	_ =	strace s2  }
0x97: {  	_ =	strace $0x8FFFFFFF  }
0x98: {  	s18 =	sld [smem:$0x3FDB];
	_ =	sdelay $0x1  }
0x99: {  	s19 =	simm.s32 $_scs_section_size  }
0x9a: {  	s4 =	simm.s32 $_size__tile_overlayer_lowered;
	s5 =	simm.s32 $_tile_overlayer_lowered  }
0x9b: {  	s22 =	simm.s32 $0x1BFF;
	s21 =	sshll.u32 s5, $0x1;
	s2 =	sadd.s32 s19, s18  }
0x9c: {  	s6 =	simm.s32 $0x0;
	s20 =	sshll.u32 s4, $0x1;
	s4 =	sadd.s32 s21, s2  }
0x9d: {  	[timem:s6], [sflag:s22] =	dma.local [hbm:s4], s20  }
0x9e: {  	_ =	swait.ge [sflag:s22], s20  }
0x9f: {  	s3 =	ssub.s32 $0x0, s20;
	[sflag:s22] =	ssyncset.done $0x0  }
0xa0: {  	[sflag:s22] =	ssyncadd.s32 s3;
	_ =	sdelay $0x1  }
0xa1: {  	s23 =	simm.s32 $0x1B8B  }
0xa2: {  	_ =	swait.ge [sflag:s23], $0x1  }
0xa3: {  	[sflag:s23] =	ssyncset.done $0x0  }
0xa4: {  	s25 =	simm.s32 $0x1B8E;
	s24 =	sld [smem:$0x3FFE];
	[sflag:s23] =	ssyncadd.s32 $0xFFFFFFFF  }
0xa5: {  	s26 =	simm.s32 $execute0_lowered;
	[smem:$0x3FD2] =	sst s25  }
0xa6: {  	s4 =	sshll.u32 s26, $0x1;
	_ =	strace $0x80000046;
	[dreg:$0x1] =	wrdreg $0xFFFFFFFF  }
0xa7: {  	s28 =	simm.s32 $_size_execute0_lowered;
	s2 =	sadd.s32 s2, s4;
	[dreg:$0x0] =	wrdreg $0x0  }
0xa8: {  	s4 =	sshll.u32 s28, $0x1;
	[dreg:$0x2] =	wrdreg s2  }
0xa9: {  	[dreg:$0x3] =	wrdreg s4  }
0xaa: {  	[dreg:$0x4] =	wrdreg $0xC0  }
0xab: {  	_ =	task [dreg:s6], $0x5FFFF  }
0xac: {  	[dreg:$0x1] =	wrdreg $0xFFFFFFFF  }
0xad: {  	[dreg:$0x0] =	wrdreg $0x60  }
0xae: {  	[dreg:$0x2] =	wrdreg s24  }
0xaf: {  	[dreg:$0x3] =	wrdreg $0x9  }
0xb0: {  	_ =	task.clear_ibuf [dreg:s6], $0x4FFFF;
	_ =	strace $0x90000046  }
0xb1: {  	s29 =	simm.s32 $0x9;
	_ =	strace $0x80000048  }
0xb2: {  	_ =	swait.ge [sflag:s29], $0x1  }
0xb3: {  	[sflag:s29] =	ssyncadd.s32 $0xFFFFFFFF  }
0xb4: {  	_ =	strace $0x90000048  }
0xb5: {  	_ =	sfence  }
0xb6: {  	s30 =	sld [smem:$0x0];
	_ =	sdelay $0x2  }
0xb7: {  	s31 =	sshll.u32 s1, $0xD;
	s1 =	sshrl.u32 s1, $0x2  }
0xb8: {  	s3 =	sand.u32 $0x4000, s31;
	s1 =	sadd.s32 s1, s30  }
0xb9: {  	s0 =	sor.u32 s3, s0;
	s1 =	sshll.u32 s1, $0x11  }
0xba: {  	s0 =	sor.u32 s1, s0  }
0xbb: {  	s0 =	sadd.s32 $0x8F2B, s0  }
0xbc: {  	[sflag:s0] =	ssyncadd.remote.s32 $0x1  }
0xbd: {  	_ =	sfence.sel $0xFFFF  }
0xbe: {  	[dreg:$0x0] =	wrdreg $0xFFFFFFFF;
	(pc) =	sbr.abs _section_cstart, $3  }
0xbf: {  	[dreg:$0x1] =	wrdreg $0xFFFFFFFF  }
0xc0: {  	_ =	task.clear_ibuf [dreg:s6], $0x2FFFF;
	_ =	strace $0x9FFFFFFF  }
0xc1: {  	(tm) =	ssettm $0x7FFFFFFF  }
tec
execute0_lowered:
.L_overlay_start_1:
0x0: {  	(tag) =	ssettag $0x1  }
0x1: {  	s1 =	srdreg.scid  }
0x2: {  	s0 =	stileid.u32;
	s3 =	rddreg [dreg:$0x0];
	s10 =	simm.s32 $0x1  }
0x3: {  	s11 =	simm.s32 $0x800;
	s12 =	simm.s32 $0x80;
	s13 =	simm.s32 $0x400  }
0x4: {  	s4 =	sand.u32 $0x1, s1;
	s2 =	sshll.u32 s0, $0x1;
	s1 =	rddreg [dreg:$0x1]  }
0x5: {  	s6 =	sshrl.u32 s0, $0x2;
	s5 =	sor.u32 s4, s2;
	s2 =	simm.s32 $0x0  }
0x6: {  	s6 =	smul.u32 $0x14000, s6;
	s4 =	ssub.s32 $0x2, s4;
	s7 =	sshll.u32 s5, $0x7  }
0x7: {  	[smem:$0x7FF] =	sst s2;
	s5 =	smul.u32 $0x2710, s5;
	s7 =	sand.u32 $0x380, s7  }
0x8: {  	s31 =	sshrl.u32 s4, $0x1;
	_ =	strace $0x80000047;
	s6 =	sor.u32 s6, s7  }
0x9: {  	s4 =	ssub.s32 s4, s31;
	s5 =	sshrl.u32 s5, $0x3;
	s6 =	sshrl.u32 s6, $0x3  }
0xa: {  	s4 =	smax.u32 s4, $0x1;
	s9 =	sadd.s32 s5, s3;
	s6 =	sadd.s32 s6, s3  }
0xb: {  	s5 =	sadd.s32 $0x2A00, s9;
	s7 =	sadd.s32 $0x2BF4, s9;
	s8 =	sadd.s32 $0x2CEE, s9  }
0xc: {  	v0 =	vimm.f32 $0.0e+00;
	v1 =	vimm.f32 $1.000000000e+00;
	s3 =	sadd.s32 $0x16600, s6;
	s6 =	sadd.s32 $0x2AFA, s9;
	s9 =	sadd.s32 $0x2DE8, s9  }
.LBB2_1:
0xd: {  	s14 =	simm.s32 $0x40;
	s15 =	simm.s32 $0x0  }
.LBB2_2:
0xe: {  	p0 =	sne.s32 s14, $0x9FC0;
	[tilespmem:s15+$0x800] =	vst v0;
	s15 =	smov.u32 s14;
	s14 =	sadd.s32 $0x40, s14  }
.Ltmp0:
0xf: {  	(pc) =	sbr.rel @p0 .LBB2_2-.Ltmp0, $2  }
0x10: {  	_ =	sdelay $0x2  }
0x11: {  	s15 =	sshra.s32 s15, $0x2  }
0x12: {  	[tilespmem:s15+$0x800] =	vst v0;
	s14 =	simm.s32 $0x0  }
0x13: {  	[tilespmem:s14], [sflag:$0x1] =	stream.linear.gather [hbm4b:s5+s14], $0x7D0, $0x38;
	[tilespmem:$0x3000] =	vst v63  }
0x14: {  	_ =	swait.ge [sflag:s10], $0x7D0  }
0x15: {  	[sflag:s10] =	ssyncset.done $0x0  }
0x16: {  	s15 =	simm.s32 $0x0;
	s14 =	simm.s32 $0x40;
	[sflag:s10] =	ssyncadd.s32 $0xFFFFF830  }
.LBB2_4:
0x17: {  	p0 =	sne.s32 s14, $0x1F00;
	v2 =	vld [tilespmem:s15+$0x0];
	_ =	sdelay $0x3  }
.Ltmp1:
0x18: {  	(pc) =	sbr.rel @p0 .LBB2_4-.Ltmp1, $2  }
0x19: {  	_ =	sdelay $0x2  }
0x1a: {  	s15 =	sshra.s32 s14, $0x2;
	s14 =	sadd.s32 $0x40, s14;
	[tilespmem:v2+s11+$0x0] =	vst.idx.add.f32.msk $0xffff, v1  }
0x1b: {  	v2 =	vld [tilespmem:s15+$0x0];
	_ =	sdelay $0x7  }
0x1c: {  	s14 =	simm.s32 $0x0;
	[tilespmem:v2+s11+$0x0] =	vst.idx.add.f32.msk $0xffff, v1  }
0x1d: {  	[tilespmem:s14], [sflag:$0x1] =	stream.linear.gather [hbm4b:s6+s14], $0x7D0, $0x38;
	[tilespmem:$0x3000] =	vst v63  }
0x1e: {  	_ =	swait.ge [sflag:s10], $0x7D0  }
0x1f: {  	[sflag:s10] =	ssyncset.done $0x0  }
0x20: {  	s15 =	simm.s32 $0x0;
	s14 =	simm.s32 $0x40;
	[sflag:s10] =	ssyncadd.s32 $0xFFFFF830  }
.LBB2_6:
0x21: {  	p0 =	sne.s32 s14, $0x1F00;
	v2 =	vld [tilespmem:s15+$0x0];
	_ =	sdelay $0x3  }
.Ltmp2:
0x22: {  	(pc) =	sbr.rel @p0 .LBB2_6-.Ltmp2, $2  }
0x23: {  	_ =	sdelay $0x2  }
0x24: {  	s15 =	sshra.s32 s14, $0x2;
	s14 =	sadd.s32 $0x40, s14;
	[tilespmem:v2+s11+$0x0] =	vst.idx.add.f32.msk $0xffff, v1  }
0x25: {  	v2 =	vld [tilespmem:s15+$0x0];
	_ =	sdelay $0x7  }
0x26: {  	s14 =	simm.s32 $0x0;
	[tilespmem:v2+s11+$0x0] =	vst.idx.add.f32.msk $0xffff, v1  }
0x27: {  	[tilespmem:s14], [sflag:$0x1] =	stream.linear.gather [hbm4b:s7+s14], $0x7D0, $0x38;
	[tilespmem:$0x3000] =	vst v63  }
0x28: {  	_ =	swait.ge [sflag:s10], $0x7D0  }
0x29: {  	[sflag:s10] =	ssyncset.done $0x0  }
0x2a: {  	s15 =	simm.s32 $0x0;
	s14 =	simm.s32 $0x40;
	[sflag:s10] =	ssyncadd.s32 $0xFFFFF830  }
.LBB2_8:
0x2b: {  	p0 =	sne.s32 s14, $0x1F00;
	v2 =	vld [tilespmem:s15+$0x0];
	_ =	sdelay $0x3  }
.Ltmp3:
0x2c: {  	(pc) =	sbr.rel @p0 .LBB2_8-.Ltmp3, $2  }
0x2d: {  	_ =	sdelay $0x2  }
0x2e: {  	s15 =	sshra.s32 s14, $0x2;
	s14 =	sadd.s32 $0x40, s14;
	[tilespmem:v2+s11+$0x0] =	vst.idx.add.f32.msk $0xffff, v1  }
0x2f: {  	v2 =	vld [tilespmem:s15+$0x0];
	_ =	sdelay $0x7  }
0x30: {  	s14 =	simm.s32 $0x0;
	[tilespmem:v2+s11+$0x0] =	vst.idx.add.f32.msk $0xffff, v1  }
0x31: {  	[tilespmem:s14], [sflag:$0x1] =	stream.linear.gather [hbm4b:s8+s14], $0x7D0, $0x38;
	[tilespmem:$0x3000] =	vst v63  }
0x32: {  	_ =	swait.ge [sflag:s10], $0x7D0  }
0x33: {  	[sflag:s10] =	ssyncset.done $0x0  }
0x34: {  	s15 =	simm.s32 $0x0;
	s14 =	simm.s32 $0x40;
	[sflag:s10] =	ssyncadd.s32 $0xFFFFF830  }
.LBB2_10:
0x35: {  	p0 =	sne.s32 s14, $0x1F00;
	v2 =	vld [tilespmem:s15+$0x0];
	_ =	sdelay $0x3  }
.Ltmp4:
0x36: {  	(pc) =	sbr.rel @p0 .LBB2_10-.Ltmp4, $2  }
0x37: {  	_ =	sdelay $0x2  }
0x38: {  	s15 =	sshra.s32 s14, $0x2;
	s14 =	sadd.s32 $0x40, s14;
	[tilespmem:v2+s11+$0x0] =	vst.idx.add.f32.msk $0xffff, v1  }
0x39: {  	v2 =	vld [tilespmem:s15+$0x0];
	_ =	sdelay $0x7  }
0x3a: {  	s14 =	simm.s32 $0x0;
	[tilespmem:v2+s11+$0x0] =	vst.idx.add.f32.msk $0xffff, v1  }
0x3b: {  	[tilespmem:s14], [sflag:$0x1] =	stream.linear.gather [hbm4b:s9+s14], $0x7D0, $0x38;
	[tilespmem:$0x3000] =	vst v63  }
0x3c: {  	_ =	swait.ge [sflag:s10], $0x7D0  }
0x3d: {  	[sflag:s10] =	ssyncset.done $0x0  }
0x3e: {  	s15 =	simm.s32 $0x0;
	s14 =	simm.s32 $0x40;
	[sflag:s10] =	ssyncadd.s32 $0xFFFFF830  }
.LBB2_12:
0x3f: {  	p0 =	sne.s32 s14, $0x1F00;
	v2 =	vld [tilespmem:s15+$0x0];
	_ =	sdelay $0x3  }
.Ltmp5:
0x40: {  	(pc) =	sbr.rel @p0 .LBB2_12-.Ltmp5, $2  }
0x41: {  	_ =	sdelay $0x2  }
0x42: {  	s15 =	sshra.s32 s14, $0x2;
	s14 =	sadd.s32 $0x40, s14;
	[tilespmem:v2+s11+$0x0] =	vst.idx.add.f32.msk $0xffff, v1  }
0x43: {  	v2 =	vld [tilespmem:s15+$0x0];
	_ =	sdelay $0x5  }
0x44: {  	s2 =	sadd.s32 $0x1, s2  }
0x45: {  	p0 =	sne.s32 s2, s4  }
.Ltmp6:
0x46: {  	[tilespmem:v2+s11+$0x0] =	vst.idx.add.f32.msk $0xffff, v1;
	(pc) =	sbr.rel @p0 .LBB2_1-.Ltmp6, $4  }
0x47: {  	[hbm4b:s3+s12] =	stream.strided.scatter [tilespmem:s11], [sflag:$0x1], $0x2800, s13, s12, $0x38;
	[tilespmem:$0x3000] =	vst v63  }
0x48: {  	_ =	swait.ge [sflag:s10], $0x2800  }
0x49: {  	[sflag:s10] =	ssyncset.done $0x0  }
0x4a: {  	[sflag:s10] =	ssyncadd.s32 $0xFFFFD800  }
0x4b: {  	_ =	sfence.sel $0x180000  }
0x4c: {  	[bflag:$0x0] =	sbarrier.arrive $0xFFFF  }
0x4d: {  	p0 =	sne.s32 s0, $0x0;
	_ =	strace $0x90000047  }
0x4e: {  	s0 =	sadd.s32 @!p0 $0x100000, s1;
	[bflag:$0x2] =	sbarrier.arrive $0xFFFF  }
0x4f: {  	[sflag:s0] =	ssyncadd.tile.s32 @!p0 $0x1;
	_ =	shalt  }
.Lfunc_end2:
_tile_overlayer_lowered:
.L_overlay_start_2:
0x50: {  	(tag) =	ssettag $0x2  }
0x51: {  	s0 =	rddreg [dreg:$0x0];
	s2 =	stileid.u32  }
0x52: {  	s1 =	rddreg [dreg:$0x1];
	p0 =	sne.s32 s2, $0x0  }
0x53: {  	s3 =	rddreg [dreg:$0x2];
	[bflag:$0x3] =	sbarrier.arrive $0xFFFF;
	s2 =	simm.s32 @!p0 $0x1C01  }
0x54: {  	[timem:s3], [sflag:s2] =	dma.local @!p0 [hbm:s0], s1  }
0x55: {  	s0 =	simm.s32 @!p0 $0x1  }
0x56: {  	_ =	swait.ge @!p0 [sflag:s0], s1  }
0x57: {  	s1 =	ssub.s32 @!p0 $0x0, s1;
	[sflag:s0] =	ssyncset.done @!p0 $0x0  }
0x58: {  	[sflag:s0] =	ssyncadd.s32 @!p0 s1  }
0x59: {  	[bflag:$0x3] =	sbarrier.arrive $0xFFFF  }
0x5a: {  	_ =	shalt  }

</sc_bundles>
